<compile_context>
chip_gen: v7x
topology: tpu7x:2x2x1
jax: 0.10.2.dev20260603
libtpu: 0.0.44.dev20260713+nightly
codegen_flags: <defaults>
</compile_context>

<pallas_src>
import functools

import jax
import jax.numpy as jnp
from jax import lax
from jax.experimental import pallas as pl
from jax.experimental.pallas import tpu as pltpu
from jax.experimental.pallas import tpu_sc as plsc

N = 10000
E = 320000
G = 64
HID = 64
ROWW = 128
CHUNK = 128
NCHUNKS = E // CHUNK
NCORES = 2
NSUB = 16
NW = NCORES * NSUB
ROW_STRIDE = 624

_mesh = plsc.VectorSubcoreMesh(core_axis_name="c", subcore_axis_name="s")


def _hsum(v):
    lane = lax.iota(jnp.int32, 16)
    dnums = lax.GatherDimensionNumbers(
        offset_dims=(), collapsed_slice_dims=(0,), start_index_map=(0,))
    for sh in (8, 4, 2, 1):
        idx = (lane + sh) % 16
        rot = lax.gather(v, idx[:, None], dimension_numbers=dnums,
                         slice_sizes=(1,),
                         mode=lax.GatherScatterMode.PROMISE_IN_BOUNDS)
        v = v + rot
    return v


@functools.partial(
    pl.kernel,
    mesh=_mesh,
    out_type=jax.ShapeDtypeStruct((NCORES, N, ROWW), jnp.float32),
    scratch_types=[
        pltpu.VMEM((CHUNK,), jnp.int32),
        pltpu.VMEM((CHUNK,), jnp.int32),
        pltpu.VMEM((CHUNK, 2 * HID), jnp.float32),
        pltpu.VMEM((CHUNK, 2 * HID), jnp.float32),
        pltpu.VMEM((CHUNK, ROWW), jnp.float32),
        pltpu.VMEM((HID,), jnp.float32),
        pltpu.VMEM_SHARED((N, ROWW), jnp.float32),
        pltpu.SemaphoreType.DMA,
        pltpu.SemaphoreType.DMA,
    ],
)
def _edge_pass(xcat_hbm, src_hbm, dst_hbm, att_hbm, out_hbm,
               idx_s, idx_d, xl_rows, xr_rows, scaled, att_v, accum,
               sem1, sem2):
    c = lax.axis_index("c")
    s = lax.axis_index("s")
    wid = s * NCORES + c

    def _zrow(r, carry):
        for k in range(ROWW // 16):
            scaled[r, pl.ds(k * 16, 16)] = jnp.zeros((16,), jnp.float32)
        return carry
    lax.fori_loop(0, CHUNK, _zrow, 0)
    for k in range(5):
        pltpu.sync_copy(scaled.at[pl.ds(0, CHUNK)],
                        accum.at[pl.ds(s * ROW_STRIDE + k * CHUNK, CHUNK)])
    pltpu.sync_copy(att_hbm, att_v)
    plsc.subcore_barrier()

    n_j = jnp.where(wid < NCHUNKS % NW, NCHUNKS // NW + 1, NCHUNKS // NW)

    def _chunk(j, carry):
        base = (wid + j * NW) * CHUNK
        pltpu.sync_copy(src_hbm.at[pl.ds(base, CHUNK)], idx_s)
        pltpu.sync_copy(dst_hbm.at[pl.ds(base, CHUNK)], idx_d)
        cp1 = pltpu.async_copy(xcat_hbm.at[idx_s], xl_rows, sem1)
        cp2 = pltpu.async_copy(xcat_hbm.at[idx_d], xr_rows, sem2)
        cp1.wait()
        cp2.wait()

        def _edge(e, ecarry):
            a0 = att_v[pl.ds(0, 16)]
            a1 = att_v[pl.ds(16, 16)]
            a2 = att_v[pl.ds(32, 16)]
            a3 = att_v[pl.ds(48, 16)]
            l0 = xl_rows[e, pl.ds(0, 16)]
            l1 = xl_rows[e, pl.ds(16, 16)]
            l2 = xl_rows[e, pl.ds(32, 16)]
            l3 = xl_rows[e, pl.ds(48, 16)]
            r0 = xr_rows[e, pl.ds(64, 16)]
            r1 = xr_rows[e, pl.ds(80, 16)]
            r2 = xr_rows[e, pl.ds(96, 16)]
            r3 = xr_rows[e, pl.ds(112, 16)]
            s0 = l0 + r0
            s1 = l1 + r1
            s2 = l2 + r2
            s3 = l3 + r3
            z0 = jnp.maximum(s0, 0.2 * s0)
            z1 = jnp.maximum(s1, 0.2 * s1)
            z2 = jnp.maximum(s2, 0.2 * s2)
            z3 = jnp.maximum(s3, 0.2 * s3)
            e0 = _hsum(z0 * a0 + z1 * a1)
            e1 = _hsum(z2 * a2 + z3 * a3)
            ex0 = jnp.exp(e0)
            ex1 = jnp.exp(e1)
            scaled[e, pl.ds(0, 16)] = l0 * ex0
            scaled[e, pl.ds(16, 16)] = l1 * ex0
            scaled[e, pl.ds(32, 16)] = l2 * ex1
            scaled[e, pl.ds(48, 16)] = l3 * ex1
            lane = lax.iota(jnp.int32, 16)
            excol = jnp.where(lane == 0, ex0,
                              jnp.where(lane == 1, ex1,
                                        jnp.zeros((16,), jnp.float32)))
            scaled[e, pl.ds(64, 16)] = excol
            return ecarry

        lax.fori_loop(0, CHUNK, _edge, 0)
        pltpu.sync_copy(scaled, accum.at[idx_d], add=True)
        return carry

    lax.fori_loop(0, n_j, _chunk, 0)
    plsc.subcore_barrier()

    for k in range(5):
        pltpu.sync_copy(accum.at[pl.ds(s * ROW_STRIDE + k * CHUNK, CHUNK)],
                        out_hbm.at[c, pl.ds(s * ROW_STRIDE + k * CHUNK, CHUNK)])


def _mm(x, Wl, Wr):
    n, k = x.shape
    blk = 1000

    def body(x_ref, w_ref, out_ref):
        out_ref[...] = jnp.dot(x_ref[...], w_ref[...],
                               preferred_element_type=jnp.float32)

    W = jnp.concatenate([Wl, Wr], axis=1)
    return pl.pallas_call(
        body,
        grid=(n // blk,),
        in_specs=[
            pl.BlockSpec((blk, k), lambda i: (i, 0)),
            pl.BlockSpec((k, 2 * HID), lambda i: (0, 0)),
        ],
        out_specs=pl.BlockSpec((blk, 2 * HID), lambda i: (i, 0)),
        out_shape=jax.ShapeDtypeStruct((n, 2 * HID), jnp.float32),
    )(x, W)


def _selfloop_merge(xcat, part, attrow, brow):
    xl = xcat[:, :HID]
    xr = xcat[:, HID:]
    p0 = part[0]
    p1 = part[1]
    acc = p0[:, :HID] + p1[:, :HID]
    sl = xl + xr
    z = jnp.maximum(sl, 0.2 * sl)
    w = z * attrow
    lane = lax.broadcasted_iota(jnp.int32, (1, HID), 1)
    m0 = (lane < 32).astype(jnp.float32)
    m1 = 1.0 - m0
    e0 = jnp.sum(w * m0, axis=1, keepdims=True)
    e1 = jnp.sum(w * m1, axis=1, keepdims=True)
    ex0 = jnp.exp(e0)
    ex1 = jnp.exp(e1)
    acc = acc + xl * (ex0 * m0 + ex1 * m1)
    d0 = p0[:, 64:65] + p1[:, 64:65] + ex0
    d1 = p0[:, 65:66] + p1[:, 65:66] + ex1
    den = d0 * m0 + d1 * m1
    h = acc / den + brow
    return jnp.maximum(h, 0.01 * h)


def _combine(xcat, part, attrow, brow):
    blk = 1000

    def body(xc_ref, part_ref, att_ref, b_ref, out_ref):
        out_ref[...] = _selfloop_merge(xc_ref[...], part_ref[...],
                                       att_ref[...], b_ref[...])

    return pl.pallas_call(
        body,
        grid=(N // blk,),
        in_specs=[
            pl.BlockSpec((blk, 2 * HID), lambda i: (i, 0)),
            pl.BlockSpec((NCORES, blk, ROWW), lambda i: (0, i, 0)),
            pl.BlockSpec((1, HID), lambda i: (0, 0)),
            pl.BlockSpec((1, HID), lambda i: (0, 0)),
        ],
        out_specs=pl.BlockSpec((blk, HID), lambda i: (i, 0)),
        out_shape=jax.ShapeDtypeStruct((N, HID), jnp.float32),
    )(xcat, part, attrow, brow)


def _combine_pool(xcat, part, attrow, brow, batch):
    blk = 1000

    def body(xc_ref, part_ref, att_ref, b_ref, batch_ref,
             sums_ref, counts_ref):
        h = _selfloop_merge(xc_ref[...], part_ref[...],
                            att_ref[...], b_ref[...])
        bi = batch_ref[...]
        lane = lax.broadcasted_iota(jnp.int32, (1, G), 1)
        oh = (bi == lane).astype(jnp.float32)
        ps = lax.dot_general(oh, h, (((0,), (0,)), ((), ())),
                             preferred_element_type=jnp.float32)
        ones = jnp.ones((blk, 1), jnp.float32)
        pc = lax.dot_general(oh, ones, (((0,), (0,)), ((), ())),
                             preferred_element_type=jnp.float32)

        @pl.when(pl.program_id(0) == 0)
        def _():
            sums_ref[...] = jnp.zeros_like(sums_ref)
            counts_ref[...] = jnp.zeros_like(counts_ref)

        sums_ref[...] += ps
        counts_ref[...] += pc

    return pl.pallas_call(
        body,
        grid=(N // blk,),
        in_specs=[
            pl.BlockSpec((blk, 2 * HID), lambda i: (i, 0)),
            pl.BlockSpec((NCORES, blk, ROWW), lambda i: (0, i, 0)),
            pl.BlockSpec((1, HID), lambda i: (0, 0)),
            pl.BlockSpec((1, HID), lambda i: (0, 0)),
            pl.BlockSpec((blk, 1), lambda i: (i, 0)),
        ],
        out_specs=[
            pl.BlockSpec((G, HID), lambda i: (0, 0)),
            pl.BlockSpec((G, 1), lambda i: (0, 0)),
        ],
        out_shape=[
            jax.ShapeDtypeStruct((G, HID), jnp.float32),
            jax.ShapeDtypeStruct((G, 1), jnp.float32),
        ],
    )(xcat, part, attrow, brow, batch)


def _final(sums, counts, x_scalar):
    def body(sums_ref, counts_ref, xs_ref, out_ref):
        pooled = sums_ref[...] / jnp.maximum(counts_ref[...], 1.0)
        out_ref[:, :HID] = pooled
        out_ref[:, HID:] = xs_ref[...]

    return pl.pallas_call(
        body,
        out_shape=jax.ShapeDtypeStruct((G, HID + x_scalar.shape[1]), jnp.float32),
    )(sums, counts, x_scalar)


def kernel(x, edge_index, x_scalar, batch_index, Wl1, Wr1, att1, b1,
           Wl2, Wr2, att2, b2):
    att1v = att1.reshape(-1)
    att2v = att2.reshape(-1)
    att1row = att1.reshape(1, HID)
    att2row = att2.reshape(1, HID)
    b1row = b1.reshape(1, HID)
    b2row = b2.reshape(1, HID)

    src = edge_index[0]
    dst = edge_index[1]
    xcat1 = _mm(x, Wl1, Wr1)
    part1 = _edge_pass(xcat1, src, dst, att1v)
    h1 = _combine(xcat1, part1, att1row, b1row)
    xcat2 = _mm(h1, Wl2, Wr2)
    part2 = _edge_pass(xcat2, src, dst, att2v)
    sums, counts = _combine_pool(xcat2, part2, att2row, b2row,
                                 batch_index.reshape(N, 1))
    return _final(sums, counts, x_scalar)

# --- scband reference (transcript-rebuilt; emitter-appended) ---
"""Pipeline reference for scband-gnn-with-attention-8512625180875 (READ-ONLY COPY).

The authoritative reference and input builder live on the scoring server;
editing this copy changes nothing except your own understanding.
"""

import jax, jax.numpy as jnp
import numpy as np

N = 10000
E = 320000
F_IN = 128
EMB = 32
H = 2
HID = H * EMB
G = 64
D_SCALAR = 16


def setup_inputs(seed: int = 0) -> dict:
    key = jax.random.key(seed)
    ks = jax.random.split(key, 12)
    x = jax.random.normal(ks[0], (N, F_IN), dtype=jnp.float32)
    edge_index = jax.random.randint(ks[1], (2, E), 0, N, dtype=jnp.int32)
    x_scalar = jax.random.normal(ks[2], (G, D_SCALAR), dtype=jnp.float32)
    batch_index = jnp.sort(jax.random.randint(ks[3], (N,), 0, G, dtype=jnp.int32))
    s1 = 1.0 / np.sqrt(F_IN)
    s2 = 1.0 / np.sqrt(HID)
    Wl1 = jax.random.normal(ks[4], (F_IN, HID), dtype=jnp.float32) * s1
    Wr1 = jax.random.normal(ks[5], (F_IN, HID), dtype=jnp.float32) * s1
    att1 = jax.random.normal(ks[6], (H, EMB), dtype=jnp.float32) * (1.0 / np.sqrt(EMB))
    b1 = jnp.zeros((HID,), dtype=jnp.float32)
    Wl2 = jax.random.normal(ks[7], (HID, HID), dtype=jnp.float32) * s2
    Wr2 = jax.random.normal(ks[8], (HID, HID), dtype=jnp.float32) * s2
    att2 = jax.random.normal(ks[9], (H, EMB), dtype=jnp.float32) * (1.0 / np.sqrt(EMB))
    b2 = jnp.zeros((HID,), dtype=jnp.float32)
    return {"x": x, "edge_index": edge_index, "x_scalar": x_scalar, "batch_index": batch_index,
            "Wl1": Wl1, "Wr1": Wr1, "att1": att1, "b1": b1,
            "Wl2": Wl2, "Wr2": Wr2, "att2": att2, "b2": b2}


def _gatv2_conv(x, src, dst, Wl, Wr, att, bias):
    # PyG GATv2Conv, concat=True, negative_slope=0.2, share_weights=False
    n = x.shape[0]
    xl = (x @ Wl).reshape(n, H, EMB)  # source transform
    xr = (x @ Wr).reshape(n, H, EMB)  # target transform
    z = jax.nn.leaky_relu(xl[src] + xr[dst], negative_slope=0.2)  # [E, H, EMB]
    e = jnp.sum(z * att[None], axis=-1)  # [E, H]
    e_max = jax.ops.segment_max(e, dst, num_segments=n)
    e_max = jnp.where(jnp.isfinite(e_max), e_max, 0.0)
    ex = jnp.exp(e - e_max[dst])
    denom = jax.ops.segment_sum(ex, dst, num_segments=n)
    alpha = ex / (denom[dst] + 1e-16)  # softmax over incoming edges per dst
    msg = xl[src] * alpha[..., None]
    out = jax.ops.segment_sum(msg, dst, num_segments=n)
    return out.reshape(n, HID) + bias


def reference(x, edge_index, x_scalar, batch_index, Wl1, Wr1, att1, b1, Wl2, Wr2, att2, b2):
    # add self loops (PyG GATv2Conv default add_self_loops=True)
    loops = jnp.arange(N, dtype=edge_index.dtype)
    src = jnp.concatenate([edge_index[0], loops])
    dst = jnp.concatenate([edge_index[1], loops])
    h = jax.nn.leaky_relu(_gatv2_conv(x, src, dst, Wl1, Wr1, att1, b1), negative_slope=0.01)
    h = jax.nn.leaky_relu(_gatv2_conv(h, src, dst, Wl2, Wr2, att2, b2), negative_slope=0.01)
    # dropout: num_gcn_layers=2 -> single conv in loop with i=0, i%2==1 is False; eval mode anyway
    sums = jax.ops.segment_sum(h, batch_index, num_segments=G)
    counts = jax.ops.segment_sum(jnp.ones((N, 1), h.dtype), batch_index, num_segments=G)
    pooled = sums / jnp.maximum(counts, 1.0)  # global mean pool
    return jnp.concatenate([pooled, x_scalar], axis=1)

if __name__ == "__main__":
    import jax
    _d = setup_inputs()
    print(jax.jit(kernel)(*tuple(_d.values())))

</pallas_src>

<mosaic_0001>
#map = affine_map<(d0, d1) -> (0, 0)>
#map1 = affine_map<(d0, d1) -> (0)>
#map2 = affine_map<(d0, d1) -> (0, 0, 0)>
module attributes {stable_mosaic.version = 14 : i64} {
  func.func @_edge_pass(%arg0: i32, %arg1: i32, %arg2: memref<10000x128xf32, #tpu.memory_space<hbm>>, %arg3: memref<320000xi32, #tpu.memory_space<hbm>>, %arg4: memref<320000xi32, #tpu.memory_space<hbm>>, %arg5: memref<64xf32, #tpu.memory_space<hbm>>, %arg6: memref<2x10000x128xf32, #tpu.memory_space<hbm>>, %arg7: memref<128xi32, #tpu.memory_space<vmem>>, %arg8: memref<128xi32, #tpu.memory_space<vmem>>, %arg9: memref<128x128xf32, #tpu.memory_space<vmem>>, %arg10: memref<128x128xf32, #tpu.memory_space<vmem>>, %arg11: memref<128x128xf32, #tpu.memory_space<vmem>>, %arg12: memref<64xf32, #tpu.memory_space<vmem>>, %arg13: memref<10000x128xf32, #tpu.memory_space<vmem_shared>>, %arg14: memref<!tpu.dma_semaphore, #tpu.memory_space<semaphore_mem>>, %arg15: memref<!tpu.dma_semaphore, #tpu.memory_space<semaphore_mem>>) attributes {dimension_semantics = [#tpu.dimension_semantics<core_parallel>, #tpu.dimension_semantics<subcore_parallel>], iteration_bounds = array<i64: 2, 16>, scalar_prefetch = 0 : i64, scratch_operands = 9 : i64, tpu.core_type = #tpu.core_type<sc_vector_subcore>, window_params = [{transform_indices = #map}, {transform_indices = #map1}, {transform_indices = #map1}, {transform_indices = #map1}, {transform_indices = #map2}]} {
    %mul3A = arith.constant 2 : i32
    %mul3A_0 = arith.muli %arg1, %mul3A : i32
    %add3A = arith.addi %mul3A_0, %arg0 : i32
    %scan3A = arith.constant 0 : i32
    %scan3A_1 = arith.constant 0 : i32
    %scan3A_2 = arith.constant 128 : i32
    %scan3A_3 = arith.addi %scan3A_1, %scan3A_2 : i32
    %scan3A_4 = arith.constant 1 : i32
    scf.for %scan3A_78 = %scan3A_1 to %scan3A_3 step %scan3A_4  : i32 {
      %broadcast_in_dim3A = arith.constant 0.000000e+00 : f32
      %broadcast_in_dim3A_79 = vector.broadcast %broadcast_in_dim3A : f32 to vector<16xf32>
      %swap3A = arith.index_cast %scan3A_78 : i32 to index
      %swap3A_80 = arith.constant 0 : index
      %swap3A_81 = tpu.vector_load %arg11[%swap3A, %swap3A_80] {strides = array<i32>} : memref<128x128xf32, #tpu.memory_space<vmem>>, vector<1x16xf32>,
      %swap3A_82 = vector.shape_cast %swap3A_81 : vector<1x16xf32> to vector<16xf32>
      %swap3A_83 = vector.shape_cast %broadcast_in_dim3A_79 : vector<16xf32> to vector<1x16xf32>
      tpu.vector_store %arg11[%swap3A, %swap3A_80], %swap3A_83 {strides = array<i32>} : memref<128x128xf32, #tpu.memory_space<vmem>>, vector<1x16xf32>,
      %broadcast_in_dim3A_84 = arith.constant 0.000000e+00 : f32
      %broadcast_in_dim3A_85 = vector.broadcast %broadcast_in_dim3A_84 : f32 to vector<16xf32>
      %swap3A_86 = arith.index_cast %scan3A_78 : i32 to index
      %swap3A_87 = arith.constant 16 : index
      %swap3A_88 = tpu.vector_load %arg11[%swap3A_86, %swap3A_87] {strides = array<i32>} : memref<128x128xf32, #tpu.memory_space<vmem>>, vector<1x16xf32>,
      %swap3A_89 = vector.shape_cast %swap3A_88 : vector<1x16xf32> to vector<16xf32>
      %swap3A_90 = vector.shape_cast %broadcast_in_dim3A_85 : vector<16xf32> to vector<1x16xf32>
      tpu.vector_store %arg11[%swap3A_86, %swap3A_87], %swap3A_90 {strides = array<i32>} : memref<128x128xf32, #tpu.memory_space<vmem>>, vector<1x16xf32>,
      %broadcast_in_dim3A_91 = arith.constant 0.000000e+00 : f32
      %broadcast_in_dim3A_92 = vector.broadcast %broadcast_in_dim3A_91 : f32 to vector<16xf32>
      %swap3A_93 = arith.index_cast %scan3A_78 : i32 to index
      %swap3A_94 = arith.constant 32 : index
      %swap3A_95 = tpu.vector_load %arg11[%swap3A_93, %swap3A_94] {strides = array<i32>} : memref<128x128xf32, #tpu.memory_space<vmem>>, vector<1x16xf32>,
      %swap3A_96 = vector.shape_cast %swap3A_95 : vector<1x16xf32> to vector<16xf32>
      %swap3A_97 = vector.shape_cast %broadcast_in_dim3A_92 : vector<16xf32> to vector<1x16xf32>
      tpu.vector_store %arg11[%swap3A_93, %swap3A_94], %swap3A_97 {strides = array<i32>} : memref<128x128xf32, #tpu.memory_space<vmem>>, vector<1x16xf32>,
      %broadcast_in_dim3A_98 = arith.constant 0.000000e+00 : f32
      %broadcast_in_dim3A_99 = vector.broadcast %broadcast_in_dim3A_98 : f32 to vector<16xf32>
      %swap3A_100 = arith.index_cast %scan3A_78 : i32 to index
      %swap3A_101 = arith.constant 48 : index
      %swap3A_102 = tpu.vector_load %arg11[%swap3A_100, %swap3A_101] {strides = array<i32>} : memref<128x128xf32, #tpu.memory_space<vmem>>, vector<1x16xf32>,
      %swap3A_103 = vector.shape_cast %swap3A_102 : vector<1x16xf32> to vector<16xf32>
      %swap3A_104 = vector.shape_cast %broadcast_in_dim3A_99 : vector<16xf32> to vector<1x16xf32>
      tpu.vector_store %arg11[%swap3A_100, %swap3A_101], %swap3A_104 {strides = array<i32>} : memref<128x128xf32, #tpu.memory_space<vmem>>, vector<1x16xf32>,
      %broadcast_in_dim3A_105 = arith.constant 0.000000e+00 : f32
      %broadcast_in_dim3A_106 = vector.broadcast %broadcast_in_dim3A_105 : f32 to vector<16xf32>
      %swap3A_107 = arith.index_cast %scan3A_78 : i32 to index
      %swap3A_108 = arith.constant 64 : index
      %swap3A_109 = tpu.vector_load %arg11[%swap3A_107, %swap3A_108] {strides = array<i32>} : memref<128x128xf32, #tpu.memory_space<vmem>>, vector<1x16xf32>,
      %swap3A_110 = vector.shape_cast %swap3A_109 : vector<1x16xf32> to vector<16xf32>
      %swap3A_111 = vector.shape_cast %broadcast_in_dim3A_106 : vector<16xf32> to vector<1x16xf32>
      tpu.vector_store %arg11[%swap3A_107, %swap3A_108], %swap3A_111 {strides = array<i32>} : memref<128x128xf32, #tpu.memory_space<vmem>>, vector<1x16xf32>,
      %broadcast_in_dim3A_112 = arith.constant 0.000000e+00 : f32
      %broadcast_in_dim3A_113 = vector.broadcast %broadcast_in_dim3A_112 : f32 to vector<16xf32>
      %swap3A_114 = arith.index_cast %scan3A_78 : i32 to index
      %swap3A_115 = arith.constant 80 : index
      %swap3A_116 = tpu.vector_load %arg11[%swap3A_114, %swap3A_115] {strides = array<i32>} : memref<128x128xf32, #tpu.memory_space<vmem>>, vector<1x16xf32>,
      %swap3A_117 = vector.shape_cast %swap3A_116 : vector<1x16xf32> to vector<16xf32>
      %swap3A_118 = vector.shape_cast %broadcast_in_dim3A_113 : vector<16xf32> to vector<1x16xf32>
      tpu.vector_store %arg11[%swap3A_114, %swap3A_115], %swap3A_118 {strides = array<i32>} : memref<128x128xf32, #tpu.memory_space<vmem>>, vector<1x16xf32>,
      %broadcast_in_dim3A_119 = arith.constant 0.000000e+00 : f32
      %broadcast_in_dim3A_120 = vector.broadcast %broadcast_in_dim3A_119 : f32 to vector<16xf32>
      %swap3A_121 = arith.index_cast %scan3A_78 : i32 to index
      %swap3A_122 = arith.constant 96 : index
      %swap3A_123 = tpu.vector_load %arg11[%swap3A_121, %swap3A_122] {strides = array<i32>} : memref<128x128xf32, #tpu.memory_space<vmem>>, vector<1x16xf32>,
      %swap3A_124 = vector.shape_cast %swap3A_123 : vector<1x16xf32> to vector<16xf32>
      %swap3A_125 = vector.shape_cast %broadcast_in_dim3A_120 : vector<16xf32> to vector<1x16xf32>
      tpu.vector_store %arg11[%swap3A_121, %swap3A_122], %swap3A_125 {strides = array<i32>} : memref<128x128xf32, #tpu.memory_space<vmem>>, vector<1x16xf32>,
      %broadcast_in_dim3A_126 = arith.constant 0.000000e+00 : f32
      %broadcast_in_dim3A_127 = vector.broadcast %broadcast_in_dim3A_126 : f32 to vector<16xf32>
      %swap3A_128 = arith.index_cast %scan3A_78 : i32 to index
      %swap3A_129 = arith.constant 112 : index
      %swap3A_130 = tpu.vector_load %arg11[%swap3A_128, %swap3A_129] {strides = array<i32>} : memref<128x128xf32, #tpu.memory_space<vmem>>, vector<1x16xf32>,
      %swap3A_131 = vector.shape_cast %swap3A_130 : vector<1x16xf32> to vector<16xf32>
      %swap3A_132 = vector.shape_cast %broadcast_in_dim3A_127 : vector<16xf32> to vector<1x16xf32>
      tpu.vector_store %arg11[%swap3A_128, %swap3A_129], %swap3A_132 {strides = array<i32>} : memref<128x128xf32, #tpu.memory_space<vmem>>, vector<1x16xf32>,
    }
    %scan3A_5 = arith.constant 128 : i32
    %mul3A_6 = arith.constant 624 : i32
    %mul3A_7 = arith.muli %arg1, %mul3A_6 : i32
    %add3A_8 = arith.constant 0 : i32
    %add3A_9 = arith.addi %mul3A_7, %add3A_8 : i32
    "tpu.region"() ({
      %run_scoped3A = tpu.sem_alloc : memref<!tpu.dma_semaphore, #tpu.memory_space<semaphore_mem>>
      %dma_start3A = arith.constant 0 : i32
      %dma_start3A_78 = arith.constant 0 : i32
      %dma_start3A_79 = tpu.memref_slice %arg11[%dma_start3A, %dma_start3A_78] : memref<128x128xf32, #tpu.memory_space<vmem>> -> memref<128x128xf32, #tpu.memory_space<vmem>>
      %dma_start3A_80 = arith.constant 0 : i32
      %dma_start3A_81 = tpu.memref_slice %arg13[%add3A_9, %dma_start3A_80] : memref<10000x128xf32, #tpu.memory_space<vmem_shared>> -> memref<128x128xf32, #tpu.memory_space<vmem_shared>>
      %dma_start3A_82 = arith.constant 0 : i32
      %dma_start3A_83 = tpu.memref_slice %arg13[%add3A_9, %dma_start3A_82] : memref<10000x128xf32, #tpu.memory_space<vmem_shared>> -> memref<128x128xf32, #tpu.memory_space<vmem_shared>>
      %dma_start3A_84 = arith.constant 0 : i32
      %dma_start3A_85 = arith.constant 0 : i32
      %dma_start3A_86 = tpu.memref_slice %arg11[%dma_start3A_84, %dma_start3A_85] : memref<128x128xf32, #tpu.memory_space<vmem>> -> memref<128x128xf32, #tpu.memory_space<vmem>>
      tpu.enqueue_dma source(%dma_start3A_86 : memref<128x128xf32, #tpu.memory_space<vmem>>) target(%dma_start3A_83 : memref<128x128xf32, #tpu.memory_space<vmem_shared>>) target_semaphore(%run_scoped3A : memref<!tpu.dma_semaphore, #tpu.memory_space<semaphore_mem>>)
      %dma_wait3A = arith.constant 0 : i32
      %dma_wait3A_87 = arith.constant 0 : i32
      %dma_wait3A_88 = tpu.memref_slice %arg11[%dma_wait3A, %dma_wait3A_87] : memref<128x128xf32, #tpu.memory_space<vmem>> -> memref<128x128xf32, #tpu.memory_space<vmem>>
      %dma_wait3A_89 = arith.constant 0 : i32
      %dma_wait3A_90 = tpu.memref_slice %arg13[%add3A_9, %dma_wait3A_89] : memref<10000x128xf32, #tpu.memory_space<vmem_shared>> -> memref<128x128xf32, #tpu.memory_space<vmem_shared>>
      %dma_wait3A_91 = arith.constant 0 : i32
      %dma_wait3A_92 = tpu.memref_slice %arg13[%add3A_9, %dma_wait3A_91] : memref<10000x128xf32, #tpu.memory_space<vmem_shared>> -> memref<128x128xf32, #tpu.memory_space<vmem_shared>>
      %dma_wait3A_93 = arith.constant 0 : i32
      %dma_wait3A_94 = arith.constant 0 : i32
      %dma_wait3A_95 = tpu.memref_slice %arg11[%dma_wait3A_93, %dma_wait3A_94] : memref<128x128xf32, #tpu.memory_space<vmem>> -> memref<128x128xf32, #tpu.memory_space<vmem>>
      tpu.wait_dma2 semaphore(%run_scoped3A : memref<!tpu.dma_semaphore, #tpu.memory_space<semaphore_mem>>) src(%dma_wait3A_95 : memref<128x128xf32, #tpu.memory_space<vmem>>) dst(%dma_wait3A_92 : memref<128x128xf32, #tpu.memory_space<vmem_shared>>)
      tpu.yield
    }) : () -> ()
    %mul3A_10 = arith.constant 624 : i32
    %mul3A_11 = arith.muli %arg1, %mul3A_10 : i32
    %add3A_12 = arith.constant 128 : i32
    %add3A_13 = arith.addi %mul3A_11, %add3A_12 : i32
    "tpu.region"() ({
      %run_scoped3A = tpu.sem_alloc : memref<!tpu.dma_semaphore, #tpu.memory_space<semaphore_mem>>
      %dma_start3A = arith.constant 0 : i32
      %dma_start3A_78 = arith.constant 0 : i32
      %dma_start3A_79 = tpu.memref_slice %arg11[%dma_start3A, %dma_start3A_78] : memref<128x128xf32, #tpu.memory_space<vmem>> -> memref<128x128xf32, #tpu.memory_space<vmem>>
      %dma_start3A_80 = arith.constant 0 : i32
      %dma_start3A_81 = tpu.memref_slice %arg13[%add3A_13, %dma_start3A_80] : memref<10000x128xf32, #tpu.memory_space<vmem_shared>> -> memref<128x128xf32, #tpu.memory_space<vmem_shared>>
      %dma_start3A_82 = arith.constant 0 : i32
      %dma_start3A_83 = tpu.memref_slice %arg13[%add3A_13, %dma_start3A_82] : memref<10000x128xf32, #tpu.memory_space<vmem_shared>> -> memref<128x128xf32, #tpu.memory_space<vmem_shared>>
      %dma_start3A_84 = arith.constant 0 : i32
      %dma_start3A_85 = arith.constant 0 : i32
      %dma_start3A_86 = tpu.memref_slice %arg11[%dma_start3A_84, %dma_start3A_85] : memref<128x128xf32, #tpu.memory_space<vmem>> -> memref<128x128xf32, #tpu.memory_space<vmem>>
      tpu.enqueue_dma source(%dma_start3A_86 : memref<128x128xf32, #tpu.memory_space<vmem>>) target(%dma_start3A_83 : memref<128x128xf32, #tpu.memory_space<vmem_shared>>) target_semaphore(%run_scoped3A : memref<!tpu.dma_semaphore, #tpu.memory_space<semaphore_mem>>)
      %dma_wait3A = arith.constant 0 : i32
      %dma_wait3A_87 = arith.constant 0 : i32
      %dma_wait3A_88 = tpu.memref_slice %arg11[%dma_wait3A, %dma_wait3A_87] : memref<128x128xf32, #tpu.memory_space<vmem>> -> memref<128x128xf32, #tpu.memory_space<vmem>>
      %dma_wait3A_89 = arith.constant 0 : i32
      %dma_wait3A_90 = tpu.memref_slice %arg13[%add3A_13, %dma_wait3A_89] : memref<10000x128xf32, #tpu.memory_space<vmem_shared>> -> memref<128x128xf32, #tpu.memory_space<vmem_shared>>
      %dma_wait3A_91 = arith.constant 0 : i32
      %dma_wait3A_92 = tpu.memref_slice %arg13[%add3A_13, %dma_wait3A_91] : memref<10000x128xf32, #tpu.memory_space<vmem_shared>> -> memref<128x128xf32, #tpu.memory_space<vmem_shared>>
      %dma_wait3A_93 = arith.constant 0 : i32
      %dma_wait3A_94 = arith.constant 0 : i32
      %dma_wait3A_95 = tpu.memref_slice %arg11[%dma_wait3A_93, %dma_wait3A_94] : memref<128x128xf32, #tpu.memory_space<vmem>> -> memref<128x128xf32, #tpu.memory_space<vmem>>
      tpu.wait_dma2 semaphore(%run_scoped3A : memref<!tpu.dma_semaphore, #tpu.memory_space<semaphore_mem>>) src(%dma_wait3A_95 : memref<128x128xf32, #tpu.memory_space<vmem>>) dst(%dma_wait3A_92 : memref<128x128xf32, #tpu.memory_space<vmem_shared>>)
      tpu.yield
    }) : () -> ()
    %mul3A_14 = arith.constant 624 : i32
    %mul3A_15 = arith.muli %arg1, %mul3A_14 : i32
    %add3A_16 = arith.constant 256 : i32
    %add3A_17 = arith.addi %mul3A_15, %add3A_16 : i32
    "tpu.region"() ({
      %run_scoped3A = tpu.sem_alloc : memref<!tpu.dma_semaphore, #tpu.memory_space<semaphore_mem>>
      %dma_start3A = arith.constant 0 : i32
      %dma_start3A_78 = arith.constant 0 : i32
      %dma_start3A_79 = tpu.memref_slice %arg11[%dma_start3A, %dma_start3A_78] : memref<128x128xf32, #tpu.memory_space<vmem>> -> memref<128x128xf32, #tpu.memory_space<vmem>>
      %dma_start3A_80 = arith.constant 0 : i32
      %dma_start3A_81 = tpu.memref_slice %arg13[%add3A_17, %dma_start3A_80] : memref<10000x128xf32, #tpu.memory_space<vmem_shared>> -> memref<128x128xf32, #tpu.memory_space<vmem_shared>>
      %dma_start3A_82 = arith.constant 0 : i32
      %dma_start3A_83 = tpu.memref_slice %arg13[%add3A_17, %dma_start3A_82] : memref<10000x128xf32, #tpu.memory_space<vmem_shared>> -> memref<128x128xf32, #tpu.memory_space<vmem_shared>>
      %dma_start3A_84 = arith.constant 0 : i32
      %dma_start3A_85 = arith.constant 0 : i32
      %dma_start3A_86 = tpu.memref_slice %arg11[%dma_start3A_84, %dma_start3A_85] : memref<128x128xf32, #tpu.memory_space<vmem>> -> memref<128x128xf32, #tpu.memory_space<vmem>>
      tpu.enqueue_dma source(%dma_start3A_86 : memref<128x128xf32, #tpu.memory_space<vmem>>) target(%dma_start3A_83 : memref<128x128xf32, #tpu.memory_space<vmem_shared>>) target_semaphore(%run_scoped3A : memref<!tpu.dma_semaphore, #tpu.memory_space<semaphore_mem>>)
      %dma_wait3A = arith.constant 0 : i32
      %dma_wait3A_87 = arith.constant 0 : i32
      %dma_wait3A_88 = tpu.memref_slice %arg11[%dma_wait3A, %dma_wait3A_87] : memref<128x128xf32, #tpu.memory_space<vmem>> -> memref<128x128xf32, #tpu.memory_space<vmem>>
      %dma_wait3A_89 = arith.constant 0 : i32
      %dma_wait3A_90 = tpu.memref_slice %arg13[%add3A_17, %dma_wait3A_89] : memref<10000x128xf32, #tpu.memory_space<vmem_shared>> -> memref<128x128xf32, #tpu.memory_space<vmem_shared>>
      %dma_wait3A_91 = arith.constant 0 : i32
      %dma_wait3A_92 = tpu.memref_slice %arg13[%add3A_17, %dma_wait3A_91] : memref<10000x128xf32, #tpu.memory_space<vmem_shared>> -> memref<128x128xf32, #tpu.memory_space<vmem_shared>>
      %dma_wait3A_93 = arith.constant 0 : i32
      %dma_wait3A_94 = arith.constant 0 : i32
      %dma_wait3A_95 = tpu.memref_slice %arg11[%dma_wait3A_93, %dma_wait3A_94] : memref<128x128xf32, #tpu.memory_space<vmem>> -> memref<128x128xf32, #tpu.memory_space<vmem>>
      tpu.wait_dma2 semaphore(%run_scoped3A : memref<!tpu.dma_semaphore, #tpu.memory_space<semaphore_mem>>) src(%dma_wait3A_95 : memref<128x128xf32, #tpu.memory_space<vmem>>) dst(%dma_wait3A_92 : memref<128x128xf32, #tpu.memory_space<vmem_shared>>)
      tpu.yield
    }) : () -> ()
    %mul3A_18 = arith.constant 624 : i32
    %mul3A_19 = arith.muli %arg1, %mul3A_18 : i32
    %add3A_20 = arith.constant 384 : i32
    %add3A_21 = arith.addi %mul3A_19, %add3A_20 : i32
    "tpu.region"() ({
      %run_scoped3A = tpu.sem_alloc : memref<!tpu.dma_semaphore, #tpu.memory_space<semaphore_mem>>
      %dma_start3A = arith.constant 0 : i32
      %dma_start3A_78 = arith.constant 0 : i32
      %dma_start3A_79 = tpu.memref_slice %arg11[%dma_start3A, %dma_start3A_78] : memref<128x128xf32, #tpu.memory_space<vmem>> -> memref<128x128xf32, #tpu.memory_space<vmem>>
      %dma_start3A_80 = arith.constant 0 : i32
      %dma_start3A_81 = tpu.memref_slice %arg13[%add3A_21, %dma_start3A_80] : memref<10000x128xf32, #tpu.memory_space<vmem_shared>> -> memref<128x128xf32, #tpu.memory_space<vmem_shared>>
      %dma_start3A_82 = arith.constant 0 : i32
      %dma_start3A_83 = tpu.memref_slice %arg13[%add3A_21, %dma_start3A_82] : memref<10000x128xf32, #tpu.memory_space<vmem_shared>> -> memref<128x128xf32, #tpu.memory_space<vmem_shared>>
      %dma_start3A_84 = arith.constant 0 : i32
      %dma_start3A_85 = arith.constant 0 : i32
      %dma_start3A_86 = tpu.memref_slice %arg11[%dma_start3A_84, %dma_start3A_85] : memref<128x128xf32, #tpu.memory_space<vmem>> -> memref<128x128xf32, #tpu.memory_space<vmem>>
      tpu.enqueue_dma source(%dma_start3A_86 : memref<128x128xf32, #tpu.memory_space<vmem>>) target(%dma_start3A_83 : memref<128x128xf32, #tpu.memory_space<vmem_shared>>) target_semaphore(%run_scoped3A : memref<!tpu.dma_semaphore, #tpu.memory_space<semaphore_mem>>)
      %dma_wait3A = arith.constant 0 : i32
      %dma_wait3A_87 = arith.constant 0 : i32
      %dma_wait3A_88 = tpu.memref_slice %arg11[%dma_wait3A, %dma_wait3A_87] : memref<128x128xf32, #tpu.memory_space<vmem>> -> memref<128x128xf32, #tpu.memory_space<vmem>>
      %dma_wait3A_89 = arith.constant 0 : i32
      %dma_wait3A_90 = tpu.memref_slice %arg13[%add3A_21, %dma_wait3A_89] : memref<10000x128xf32, #tpu.memory_space<vmem_shared>> -> memref<128x128xf32, #tpu.memory_space<vmem_shared>>
      %dma_wait3A_91 = arith.constant 0 : i32
      %dma_wait3A_92 = tpu.memref_slice %arg13[%add3A_21, %dma_wait3A_91] : memref<10000x128xf32, #tpu.memory_space<vmem_shared>> -> memref<128x128xf32, #tpu.memory_space<vmem_shared>>
      %dma_wait3A_93 = arith.constant 0 : i32
      %dma_wait3A_94 = arith.constant 0 : i32
      %dma_wait3A_95 = tpu.memref_slice %arg11[%dma_wait3A_93, %dma_wait3A_94] : memref<128x128xf32, #tpu.memory_space<vmem>> -> memref<128x128xf32, #tpu.memory_space<vmem>>
      tpu.wait_dma2 semaphore(%run_scoped3A : memref<!tpu.dma_semaphore, #tpu.memory_space<semaphore_mem>>) src(%dma_wait3A_95 : memref<128x128xf32, #tpu.memory_space<vmem>>) dst(%dma_wait3A_92 : memref<128x128xf32, #tpu.memory_space<vmem_shared>>)
      tpu.yield
    }) : () -> ()
    %mul3A_22 = arith.constant 624 : i32
    %mul3A_23 = arith.muli %arg1, %mul3A_22 : i32
    %add3A_24 = arith.constant 512 : i32
    %add3A_25 = arith.addi %mul3A_23, %add3A_24 : i32
    "tpu.region"() ({
      %run_scoped3A = tpu.sem_alloc : memref<!tpu.dma_semaphore, #tpu.memory_space<semaphore_mem>>
      %dma_start3A = arith.constant 0 : i32
      %dma_start3A_78 = arith.constant 0 : i32
      %dma_start3A_79 = tpu.memref_slice %arg11[%dma_start3A, %dma_start3A_78] : memref<128x128xf32, #tpu.memory_space<vmem>> -> memref<128x128xf32, #tpu.memory_space<vmem>>
      %dma_start3A_80 = arith.constant 0 : i32
      %dma_start3A_81 = tpu.memref_slice %arg13[%add3A_25, %dma_start3A_80] : memref<10000x128xf32, #tpu.memory_space<vmem_shared>> -> memref<128x128xf32, #tpu.memory_space<vmem_shared>>
      %dma_start3A_82 = arith.constant 0 : i32
      %dma_start3A_83 = tpu.memref_slice %arg13[%add3A_25, %dma_start3A_82] : memref<10000x128xf32, #tpu.memory_space<vmem_shared>> -> memref<128x128xf32, #tpu.memory_space<vmem_shared>>
      %dma_start3A_84 = arith.constant 0 : i32
      %dma_start3A_85 = arith.constant 0 : i32
      %dma_start3A_86 = tpu.memref_slice %arg11[%dma_start3A_84, %dma_start3A_85] : memref<128x128xf32, #tpu.memory_space<vmem>> -> memref<128x128xf32, #tpu.memory_space<vmem>>
      tpu.enqueue_dma source(%dma_start3A_86 : memref<128x128xf32, #tpu.memory_space<vmem>>) target(%dma_start3A_83 : memref<128x128xf32, #tpu.memory_space<vmem_shared>>) target_semaphore(%run_scoped3A : memref<!tpu.dma_semaphore, #tpu.memory_space<semaphore_mem>>)
      %dma_wait3A = arith.constant 0 : i32
      %dma_wait3A_87 = arith.constant 0 : i32
      %dma_wait3A_88 = tpu.memref_slice %arg11[%dma_wait3A, %dma_wait3A_87] : memref<128x128xf32, #tpu.memory_space<vmem>> -> memref<128x128xf32, #tpu.memory_space<vmem>>
      %dma_wait3A_89 = arith.constant 0 : i32
      %dma_wait3A_90 = tpu.memref_slice %arg13[%add3A_25, %dma_wait3A_89] : memref<10000x128xf32, #tpu.memory_space<vmem_shared>> -> memref<128x128xf32, #tpu.memory_space<vmem_shared>>
      %dma_wait3A_91 = arith.constant 0 : i32
      %dma_wait3A_92 = tpu.memref_slice %arg13[%add3A_25, %dma_wait3A_91] : memref<10000x128xf32, #tpu.memory_space<vmem_shared>> -> memref<128x128xf32, #tpu.memory_space<vmem_shared>>
      %dma_wait3A_93 = arith.constant 0 : i32
      %dma_wait3A_94 = arith.constant 0 : i32
      %dma_wait3A_95 = tpu.memref_slice %arg11[%dma_wait3A_93, %dma_wait3A_94] : memref<128x128xf32, #tpu.memory_space<vmem>> -> memref<128x128xf32, #tpu.memory_space<vmem>>
      tpu.wait_dma2 semaphore(%run_scoped3A : memref<!tpu.dma_semaphore, #tpu.memory_space<semaphore_mem>>) src(%dma_wait3A_95 : memref<128x128xf32, #tpu.memory_space<vmem>>) dst(%dma_wait3A_92 : memref<128x128xf32, #tpu.memory_space<vmem_shared>>)
      tpu.yield
    }) : () -> ()
    "tpu.region"() ({
      %run_scoped3A = tpu.sem_alloc : memref<!tpu.dma_semaphore, #tpu.memory_space<semaphore_mem>>
      tpu.enqueue_dma source(%arg5 : memref<64xf32, #tpu.memory_space<hbm>>) target(%arg12 : memref<64xf32, #tpu.memory_space<vmem>>) target_semaphore(%run_scoped3A : memref<!tpu.dma_semaphore, #tpu.memory_space<semaphore_mem>>)
      tpu.wait_dma2 semaphore(%run_scoped3A : memref<!tpu.dma_semaphore, #tpu.memory_space<semaphore_mem>>) src(%arg5 : memref<64xf32, #tpu.memory_space<hbm>>) dst(%arg12 : memref<64xf32, #tpu.memory_space<vmem>>)
      tpu.yield
    }) : () -> ()
    %barrier3A = arith.constant 0 : index
    tpu.barrier barrier_id(%barrier3A)
    %lt3A = arith.constant 4 : i32
    %lt3A_26 = arith.cmpi slt, %add3A, %lt3A : i32
    %jit3A = arith.constant 79 : i32
    %jit3A_27 = arith.constant 78 : i32
    %select_n3A = arith.select %lt3A_26, %jit3A, %jit3A_27 : i32
    %while3A = arith.constant 0 : i32
    %while3A_28 = arith.constant 0 : i32
    %while3A_29 = arith.subi %select_n3A, %while3A_28 : i32
    %while3A_30 = arith.addi %while3A_28, %while3A_29 : i32
    %while3A_31 = arith.constant 1 : i32
    %while3A_32 = arith.divsi %while3A_29, %while3A_31 : i32
    %while3A_33 = arith.muli %while3A_32, %while3A_31 : i32
    %while3A_34 = arith.addi %while3A_28, %while3A_33 : i32
    %while3A_35 = arith.constant 1 : i32
    scf.for %while3A_78 = %while3A_28 to %while3A_34 step %while3A_35  : i32 {
      %mul3A_79 = arith.constant 32 : i32
      %mul3A_80 = arith.muli %while3A_78, %mul3A_79 : i32
      %add3A_81 = arith.addi %add3A, %mul3A_80 : i32
      %mul3A_82 = arith.constant 128 : i32
      %mul3A_83 = arith.muli %add3A_81, %mul3A_82 : i32
      "tpu.region"() ({
        %run_scoped3A = tpu.sem_alloc : memref<!tpu.dma_semaphore, #tpu.memory_space<semaphore_mem>>
        %dma_start3A_100 = tpu.memref_slice %arg3[%mul3A_83] : memref<320000xi32, #tpu.memory_space<hbm>> -> memref<128xi32, #tpu.memory_space<hbm>>
        %dma_start3A_101 = tpu.memref_slice %arg3[%mul3A_83] : memref<320000xi32, #tpu.memory_space<hbm>> -> memref<128xi32, #tpu.memory_space<hbm>>
        tpu.enqueue_dma source(%dma_start3A_101 : memref<128xi32, #tpu.memory_space<hbm>>) target(%arg7 : memref<128xi32, #tpu.memory_space<vmem>>) target_semaphore(%run_scoped3A : memref<!tpu.dma_semaphore, #tpu.memory_space<semaphore_mem>>)
        %dma_wait3A_102 = tpu.memref_slice %arg3[%mul3A_83] : memref<320000xi32, #tpu.memory_space<hbm>> -> memref<128xi32, #tpu.memory_space<hbm>>
        %dma_wait3A_103 = tpu.memref_slice %arg3[%mul3A_83] : memref<320000xi32, #tpu.memory_space<hbm>> -> memref<128xi32, #tpu.memory_space<hbm>>
        tpu.wait_dma2 semaphore(%run_scoped3A : memref<!tpu.dma_semaphore, #tpu.memory_space<semaphore_mem>>) src(%dma_wait3A_103 : memref<128xi32, #tpu.memory_space<hbm>>) dst(%arg7 : memref<128xi32, #tpu.memory_space<vmem>>)
        tpu.yield
      }) : () -> ()
      "tpu.region"() ({
        %run_scoped3A = tpu.sem_alloc : memref<!tpu.dma_semaphore, #tpu.memory_space<semaphore_mem>>
        %dma_start3A_100 = tpu.memref_slice %arg4[%mul3A_83] : memref<320000xi32, #tpu.memory_space<hbm>> -> memref<128xi32, #tpu.memory_space<hbm>>
        %dma_start3A_101 = tpu.memref_slice %arg4[%mul3A_83] : memref<320000xi32, #tpu.memory_space<hbm>> -> memref<128xi32, #tpu.memory_space<hbm>>
        tpu.enqueue_dma source(%dma_start3A_101 : memref<128xi32, #tpu.memory_space<hbm>>) target(%arg8 : memref<128xi32, #tpu.memory_space<vmem>>) target_semaphore(%run_scoped3A : memref<!tpu.dma_semaphore, #tpu.memory_space<semaphore_mem>>)
        %dma_wait3A_102 = tpu.memref_slice %arg4[%mul3A_83] : memref<320000xi32, #tpu.memory_space<hbm>> -> memref<128xi32, #tpu.memory_space<hbm>>
        %dma_wait3A_103 = tpu.memref_slice %arg4[%mul3A_83] : memref<320000xi32, #tpu.memory_space<hbm>> -> memref<128xi32, #tpu.memory_space<hbm>>
        tpu.wait_dma2 semaphore(%run_scoped3A : memref<!tpu.dma_semaphore, #tpu.memory_space<semaphore_mem>>) src(%dma_wait3A_103 : memref<128xi32, #tpu.memory_space<hbm>>) dst(%arg8 : memref<128xi32, #tpu.memory_space<vmem>>)
        tpu.yield
      }) : () -> ()
      %dma_start3A = arith.constant 0 : i32
      %dma_start3A_84 = arith.constant 0 : i32
      %dma_start3A_85 = tpu.memref_slice %arg2[%dma_start3A, %dma_start3A_84] : memref<10000x128xf32, #tpu.memory_space<hbm>> -> memref<10000x128xf32, #tpu.memory_space<hbm>>
      tpu.enqueue_indirect_dma source(%dma_start3A_85 : memref<10000x128xf32, #tpu.memory_space<hbm>>) target(%arg9 : memref<128x128xf32, #tpu.memory_space<vmem>>) offsets(%arg7 : memref<128xi32, #tpu.memory_space<vmem>>) semaphore(%arg14 : memref<!tpu.dma_semaphore, #tpu.memory_space<semaphore_mem>>)
      %dma_start3A_86 = arith.constant 0 : i32
      %dma_start3A_87 = arith.constant 0 : i32
      %dma_start3A_88 = tpu.memref_slice %arg2[%dma_start3A_86, %dma_start3A_87] : memref<10000x128xf32, #tpu.memory_space<hbm>> -> memref<10000x128xf32, #tpu.memory_space<hbm>>
      tpu.enqueue_indirect_dma source(%dma_start3A_88 : memref<10000x128xf32, #tpu.memory_space<hbm>>) target(%arg10 : memref<128x128xf32, #tpu.memory_space<vmem>>) offsets(%arg8 : memref<128xi32, #tpu.memory_space<vmem>>) semaphore(%arg15 : memref<!tpu.dma_semaphore, #tpu.memory_space<semaphore_mem>>)
      %dma_wait3A = arith.constant 0 : i32
      %dma_wait3A_89 = arith.constant 0 : i32
      %dma_wait3A_90 = tpu.memref_slice %arg2[%dma_wait3A, %dma_wait3A_89] : memref<10000x128xf32, #tpu.memory_space<hbm>> -> memref<10000x128xf32, #tpu.memory_space<hbm>>
      tpu.wait_indirect_dma semaphore(%arg14 : memref<!tpu.dma_semaphore, #tpu.memory_space<semaphore_mem>>) src(%dma_wait3A_90 : memref<10000x128xf32, #tpu.memory_space<hbm>>) dst(%arg9 : memref<128x128xf32, #tpu.memory_space<vmem>>)
      %dma_wait3A_91 = arith.constant 0 : i32
      %dma_wait3A_92 = arith.constant 0 : i32
      %dma_wait3A_93 = tpu.memref_slice %arg2[%dma_wait3A_91, %dma_wait3A_92] : memref<10000x128xf32, #tpu.memory_space<hbm>> -> memref<10000x128xf32, #tpu.memory_space<hbm>>
      tpu.wait_indirect_dma semaphore(%arg15 : memref<!tpu.dma_semaphore, #tpu.memory_space<semaphore_mem>>) src(%dma_wait3A_93 : memref<10000x128xf32, #tpu.memory_space<hbm>>) dst(%arg10 : memref<128x128xf32, #tpu.memory_space<vmem>>)
      %scan3A_94 = arith.constant 0 : i32
      %scan3A_95 = arith.constant 0 : i32
      %scan3A_96 = arith.constant 128 : i32
      %scan3A_97 = arith.addi %scan3A_95, %scan3A_96 : i32
      %scan3A_98 = arith.constant 1 : i32
      scf.for %scan3A_100 = %scan3A_95 to %scan3A_97 step %scan3A_98  : i32 {
        %get3A = arith.constant 0 : index
        %get3A_101 = tpu.vector_load %arg12[%get3A] {strides = array<i32>} : memref<64xf32, #tpu.memory_space<vmem>>, vector<16xf32>,
        %get3A_102 = vector.shape_cast %get3A_101 : vector<16xf32> to vector<16xf32>
        %get3A_103 = arith.constant 16 : index
        %get3A_104 = tpu.vector_load %arg12[%get3A_103] {strides = array<i32>} : memref<64xf32, #tpu.memory_space<vmem>>, vector<16xf32>,
        %get3A_105 = vector.shape_cast %get3A_104 : vector<16xf32> to vector<16xf32>
        %get3A_106 = arith.constant 32 : index
        %get3A_107 = tpu.vector_load %arg12[%get3A_106] {strides = array<i32>} : memref<64xf32, #tpu.memory_space<vmem>>, vector<16xf32>,
        %get3A_108 = vector.shape_cast %get3A_107 : vector<16xf32> to vector<16xf32>
        %get3A_109 = arith.constant 48 : index
        %get3A_110 = tpu.vector_load %arg12[%get3A_109] {strides = array<i32>} : memref<64xf32, #tpu.memory_space<vmem>>, vector<16xf32>,
        %get3A_111 = vector.shape_cast %get3A_110 : vector<16xf32> to vector<16xf32>
        %get3A_112 = arith.index_cast %scan3A_100 : i32 to index
        %get3A_113 = arith.constant 0 : index
        %get3A_114 = tpu.vector_load %arg9[%get3A_112, %get3A_113] {strides = array<i32>} : memref<128x128xf32, #tpu.memory_space<vmem>>, vector<1x16xf32>,
        %get3A_115 = vector.shape_cast %get3A_114 : vector<1x16xf32> to vector<16xf32>
        %get3A_116 = arith.index_cast %scan3A_100 : i32 to index
        %get3A_117 = arith.constant 16 : index
        %get3A_118 = tpu.vector_load %arg9[%get3A_116, %get3A_117] {strides = array<i32>} : memref<128x128xf32, #tpu.memory_space<vmem>>, vector<1x16xf32>,
        %get3A_119 = vector.shape_cast %get3A_118 : vector<1x16xf32> to vector<16xf32>
        %get3A_120 = arith.index_cast %scan3A_100 : i32 to index
        %get3A_121 = arith.constant 32 : index
        %get3A_122 = tpu.vector_load %arg9[%get3A_120, %get3A_121] {strides = array<i32>} : memref<128x128xf32, #tpu.memory_space<vmem>>, vector<1x16xf32>,
        %get3A_123 = vector.shape_cast %get3A_122 : vector<1x16xf32> to vector<16xf32>
        %get3A_124 = arith.index_cast %scan3A_100 : i32 to index
        %get3A_125 = arith.constant 48 : index
        %get3A_126 = tpu.vector_load %arg9[%get3A_124, %get3A_125] {strides = array<i32>} : memref<128x128xf32, #tpu.memory_space<vmem>>, vector<1x16xf32>,
        %get3A_127 = vector.shape_cast %get3A_126 : vector<1x16xf32> to vector<16xf32>
        %get3A_128 = arith.index_cast %scan3A_100 : i32 to index
        %get3A_129 = arith.constant 64 : index
        %get3A_130 = tpu.vector_load %arg10[%get3A_128, %get3A_129] {strides = array<i32>} : memref<128x128xf32, #tpu.memory_space<vmem>>, vector<1x16xf32>,
        %get3A_131 = vector.shape_cast %get3A_130 : vector<1x16xf32> to vector<16xf32>
        %get3A_132 = arith.index_cast %scan3A_100 : i32 to index
        %get3A_133 = arith.constant 80 : index
        %get3A_134 = tpu.vector_load %arg10[%get3A_132, %get3A_133] {strides = array<i32>} : memref<128x128xf32, #tpu.memory_space<vmem>>, vector<1x16xf32>,
        %get3A_135 = vector.shape_cast %get3A_134 : vector<1x16xf32> to vector<16xf32>
        %get3A_136 = arith.index_cast %scan3A_100 : i32 to index
        %get3A_137 = arith.constant 96 : index
        %get3A_138 = tpu.vector_load %arg10[%get3A_136, %get3A_137] {strides = array<i32>} : memref<128x128xf32, #tpu.memory_space<vmem>>, vector<1x16xf32>,
        %get3A_139 = vector.shape_cast %get3A_138 : vector<1x16xf32> to vector<16xf32>
        %get3A_140 = arith.index_cast %scan3A_100 : i32 to index
        %get3A_141 = arith.constant 112 : index
        %get3A_142 = tpu.vector_load %arg10[%get3A_140, %get3A_141] {strides = array<i32>} : memref<128x128xf32, #tpu.memory_space<vmem>>, vector<1x16xf32>,
        %get3A_143 = vector.shape_cast %get3A_142 : vector<1x16xf32> to vector<16xf32>
        %add3A_144 = arith.addf %get3A_115, %get3A_131 : vector<16xf32>
        %add3A_145 = arith.addf %get3A_119, %get3A_135 : vector<16xf32>
        %add3A_146 = arith.addf %get3A_123, %get3A_139 : vector<16xf32>
        %add3A_147 = arith.addf %get3A_127, %get3A_143 : vector<16xf32>
        %mul3A_148 = arith.constant 2.000000e-01 : f32
        %mul3A_149 = vector.broadcast %mul3A_148 : f32 to vector<16xf32>
        %mul3A_150 = arith.mulf %mul3A_149, %add3A_144 : vector<16xf32>
        %max3A = arith.maximumf %add3A_144, %mul3A_150 : vector<16xf32>
        %mul3A_151 = arith.constant 2.000000e-01 : f32
        %mul3A_152 = vector.broadcast %mul3A_151 : f32 to vector<16xf32>
        %mul3A_153 = arith.mulf %mul3A_152, %add3A_145 : vector<16xf32>
        %max3A_154 = arith.maximumf %add3A_145, %mul3A_153 : vector<16xf32>
        %mul3A_155 = arith.constant 2.000000e-01 : f32
        %mul3A_156 = vector.broadcast %mul3A_155 : f32 to vector<16xf32>
        %mul3A_157 = arith.mulf %mul3A_156, %add3A_146 : vector<16xf32>
        %max3A_158 = arith.maximumf %add3A_146, %mul3A_157 : vector<16xf32>
        %mul3A_159 = arith.constant 2.000000e-01 : f32
        %mul3A_160 = vector.broadcast %mul3A_159 : f32 to vector<16xf32>
        %mul3A_161 = arith.mulf %mul3A_160, %add3A_147 : vector<16xf32>
        %max3A_162 = arith.maximumf %add3A_147, %mul3A_161 : vector<16xf32>
        %mul3A_163 = arith.mulf %max3A, %get3A_102 : vector<16xf32>
        %mul3A_164 = arith.mulf %max3A_154, %get3A_105 : vector<16xf32>
        %add3A_165 = arith.addf %mul3A_163, %mul3A_164 : vector<16xf32>
        %iota3A = tpu.iota {dimensions = array<i32: 0>} : vector<16xi32>
        %add3A_166 = arith.constant 8 : i32
        %add3A_167 = vector.broadcast %add3A_166 : i32 to vector<16xi32>
        %add3A_168 = arith.addi %iota3A, %add3A_167 : vector<16xi32>
        %jit3A_169 = arith.constant 16 : i32
        %eq3A = arith.constant 0 : i32
        %eq3A_170 = arith.cmpi eq, %jit3A_169, %eq3A : i32
        %jit3A_171 = arith.constant 1 : i32
        %select_n3A_172 = arith.select %eq3A_170, %jit3A_171, %jit3A_169 : i32
        %rem3A = vector.broadcast %select_n3A_172 : i32 to vector<16xi32>
        %rem3A_173 = arith.remsi %add3A_168, %rem3A : vector<16xi32>
        %ne3A = arith.constant 0 : i32
        %ne3A_174 = vector.broadcast %ne3A : i32 to vector<16xi32>
        %ne3A_175 = arith.cmpi ne, %rem3A_173, %ne3A_174 : vector<16xi32>
        %lt3A_176 = arith.constant 0 : i32
        %lt3A_177 = vector.broadcast %lt3A_176 : i32 to vector<16xi32>
        %lt3A_178 = arith.cmpi slt, %rem3A_173, %lt3A_177 : vector<16xi32>
        %lt3A_179 = arith.constant 0 : i32
        %lt3A_180 = arith.cmpi slt, %select_n3A_172, %lt3A_179 : i32
        %ne3A_181 = vector.broadcast %lt3A_180 : i1 to vector<16xi1>
        %ne3A_182 = vector.broadcast %ne3A_181 : vector<16xi1> to vector<16xi1>
        %ne3A_183 = arith.xori %lt3A_178, %ne3A_182 : vector<16xi1>
        %and3A = arith.andi %ne3A_183, %ne3A_175 : vector<16xi1>
        %add3A_184 = vector.broadcast %select_n3A_172 : i32 to vector<16xi32>
        %add3A_185 = arith.addi %rem3A_173, %add3A_184 : vector<16xi32>
        %select_n3A_186 = arith.select %and3A, %add3A_185, %rem3A_173 : vector<16xi1>, vector<16xi32>
        %broadcast_in_dim3A = vector.shape_cast %select_n3A_186 : vector<16xi32> to vector<16x1xi32>
        %gather3A = vector.shape_cast %broadcast_in_dim3A : vector<16x1xi32> to vector<16xi32>
        %gather3A_187 = tpu.dynamic_gather %add3A_165[%gather3A] in [0] : vector<16xf32>, vector<16xi32> -> vector<16xf32>
        %add3A_188 = arith.addf %add3A_165, %gather3A_187 : vector<16xf32>
        %add3A_189 = arith.constant 4 : i32
        %add3A_190 = vector.broadcast %add3A_189 : i32 to vector<16xi32>
        %add3A_191 = arith.addi %iota3A, %add3A_190 : vector<16xi32>
        %jit3A_192 = arith.constant 16 : i32
        %eq3A_193 = arith.constant 0 : i32
        %eq3A_194 = arith.cmpi eq, %jit3A_192, %eq3A_193 : i32
        %jit3A_195 = arith.constant 1 : i32
        %select_n3A_196 = arith.select %eq3A_194, %jit3A_195, %jit3A_192 : i32
        %rem3A_197 = vector.broadcast %select_n3A_196 : i32 to vector<16xi32>
        %rem3A_198 = arith.remsi %add3A_191, %rem3A_197 : vector<16xi32>
        %ne3A_199 = arith.constant 0 : i32
        %ne3A_200 = vector.broadcast %ne3A_199 : i32 to vector<16xi32>
        %ne3A_201 = arith.cmpi ne, %rem3A_198, %ne3A_200 : vector<16xi32>
        %lt3A_202 = arith.constant 0 : i32
        %lt3A_203 = vector.broadcast %lt3A_202 : i32 to vector<16xi32>
        %lt3A_204 = arith.cmpi slt, %rem3A_198, %lt3A_203 : vector<16xi32>
        %lt3A_205 = arith.constant 0 : i32
        %lt3A_206 = arith.cmpi slt, %select_n3A_196, %lt3A_205 : i32
        %ne3A_207 = vector.broadcast %lt3A_206 : i1 to vector<16xi1>
        %ne3A_208 = vector.broadcast %ne3A_207 : vector<16xi1> to vector<16xi1>
        %ne3A_209 = arith.xori %lt3A_204, %ne3A_208 : vector<16xi1>
        %and3A_210 = arith.andi %ne3A_209, %ne3A_201 : vector<16xi1>
        %add3A_211 = vector.broadcast %select_n3A_196 : i32 to vector<16xi32>
        %add3A_212 = arith.addi %rem3A_198, %add3A_211 : vector<16xi32>
        %select_n3A_213 = arith.select %and3A_210, %add3A_212, %rem3A_198 : vector<16xi1>, vector<16xi32>
        %broadcast_in_dim3A_214 = vector.shape_cast %select_n3A_213 : vector<16xi32> to vector<16x1xi32>
        %gather3A_215 = vector.shape_cast %broadcast_in_dim3A_214 : vector<16x1xi32> to vector<16xi32>
        %gather3A_216 = tpu.dynamic_gather %add3A_188[%gather3A_215] in [0] : vector<16xf32>, vector<16xi32> -> vector<16xf32>
        %add3A_217 = arith.addf %add3A_188, %gather3A_216 : vector<16xf32>
        %add3A_218 = arith.constant 2 : i32
        %add3A_219 = vector.broadcast %add3A_218 : i32 to vector<16xi32>
        %add3A_220 = arith.addi %iota3A, %add3A_219 : vector<16xi32>
        %jit3A_221 = arith.constant 16 : i32
        %eq3A_222 = arith.constant 0 : i32
        %eq3A_223 = arith.cmpi eq, %jit3A_221, %eq3A_222 : i32
        %jit3A_224 = arith.constant 1 : i32
        %select_n3A_225 = arith.select %eq3A_223, %jit3A_224, %jit3A_221 : i32
        %rem3A_226 = vector.broadcast %select_n3A_225 : i32 to vector<16xi32>
        %rem3A_227 = arith.remsi %add3A_220, %rem3A_226 : vector<16xi32>
        %ne3A_228 = arith.constant 0 : i32
        %ne3A_229 = vector.broadcast %ne3A_228 : i32 to vector<16xi32>
        %ne3A_230 = arith.cmpi ne, %rem3A_227, %ne3A_229 : vector<16xi32>
        %lt3A_231 = arith.constant 0 : i32
        %lt3A_232 = vector.broadcast %lt3A_231 : i32 to vector<16xi32>
        %lt3A_233 = arith.cmpi slt, %rem3A_227, %lt3A_232 : vector<16xi32>
        %lt3A_234 = arith.constant 0 : i32
        %lt3A_235 = arith.cmpi slt, %select_n3A_225, %lt3A_234 : i32
        %ne3A_236 = vector.broadcast %lt3A_235 : i1 to vector<16xi1>
        %ne3A_237 = vector.broadcast %ne3A_236 : vector<16xi1> to vector<16xi1>
        %ne3A_238 = arith.xori %lt3A_233, %ne3A_237 : vector<16xi1>
        %and3A_239 = arith.andi %ne3A_238, %ne3A_230 : vector<16xi1>
        %add3A_240 = vector.broadcast %select_n3A_225 : i32 to vector<16xi32>
        %add3A_241 = arith.addi %rem3A_227, %add3A_240 : vector<16xi32>
        %select_n3A_242 = arith.select %and3A_239, %add3A_241, %rem3A_227 : vector<16xi1>, vector<16xi32>
        %broadcast_in_dim3A_243 = vector.shape_cast %select_n3A_242 : vector<16xi32> to vector<16x1xi32>
        %gather3A_244 = vector.shape_cast %broadcast_in_dim3A_243 : vector<16x1xi32> to vector<16xi32>
        %gather3A_245 = tpu.dynamic_gather %add3A_217[%gather3A_244] in [0] : vector<16xf32>, vector<16xi32> -> vector<16xf32>
        %add3A_246 = arith.addf %add3A_217, %gather3A_245 : vector<16xf32>
        %add3A_247 = arith.constant 1 : i32
        %add3A_248 = vector.broadcast %add3A_247 : i32 to vector<16xi32>
        %add3A_249 = arith.addi %iota3A, %add3A_248 : vector<16xi32>
        %jit3A_250 = arith.constant 16 : i32
        %eq3A_251 = arith.constant 0 : i32
        %eq3A_252 = arith.cmpi eq, %jit3A_250, %eq3A_251 : i32
        %jit3A_253 = arith.constant 1 : i32
        %select_n3A_254 = arith.select %eq3A_252, %jit3A_253, %jit3A_250 : i32
        %rem3A_255 = vector.broadcast %select_n3A_254 : i32 to vector<16xi32>
        %rem3A_256 = arith.remsi %add3A_249, %rem3A_255 : vector<16xi32>
        %ne3A_257 = arith.constant 0 : i32
        %ne3A_258 = vector.broadcast %ne3A_257 : i32 to vector<16xi32>
        %ne3A_259 = arith.cmpi ne, %rem3A_256, %ne3A_258 : vector<16xi32>
        %lt3A_260 = arith.constant 0 : i32
        %lt3A_261 = vector.broadcast %lt3A_260 : i32 to vector<16xi32>
        %lt3A_262 = arith.cmpi slt, %rem3A_256, %lt3A_261 : vector<16xi32>
        %lt3A_263 = arith.constant 0 : i32
        %lt3A_264 = arith.cmpi slt, %select_n3A_254, %lt3A_263 : i32
        %ne3A_265 = vector.broadcast %lt3A_264 : i1 to vector<16xi1>
        %ne3A_266 = vector.broadcast %ne3A_265 : vector<16xi1> to vector<16xi1>
        %ne3A_267 = arith.xori %lt3A_262, %ne3A_266 : vector<16xi1>
        %and3A_268 = arith.andi %ne3A_267, %ne3A_259 : vector<16xi1>
        %add3A_269 = vector.broadcast %select_n3A_254 : i32 to vector<16xi32>
        %add3A_270 = arith.addi %rem3A_256, %add3A_269 : vector<16xi32>
        %select_n3A_271 = arith.select %and3A_268, %add3A_270, %rem3A_256 : vector<16xi1>, vector<16xi32>
        %broadcast_in_dim3A_272 = vector.shape_cast %select_n3A_271 : vector<16xi32> to vector<16x1xi32>
        %gather3A_273 = vector.shape_cast %broadcast_in_dim3A_272 : vector<16x1xi32> to vector<16xi32>
        %gather3A_274 = tpu.dynamic_gather %add3A_246[%gather3A_273] in [0] : vector<16xf32>, vector<16xi32> -> vector<16xf32>
        %add3A_275 = arith.addf %add3A_246, %gather3A_274 : vector<16xf32>
        %mul3A_276 = arith.mulf %max3A_158, %get3A_108 : vector<16xf32>
        %mul3A_277 = arith.mulf %max3A_162, %get3A_111 : vector<16xf32>
        %add3A_278 = arith.addf %mul3A_276, %mul3A_277 : vector<16xf32>
        %iota3A_279 = tpu.iota {dimensions = array<i32: 0>} : vector<16xi32>
        %add3A_280 = arith.constant 8 : i32
        %add3A_281 = vector.broadcast %add3A_280 : i32 to vector<16xi32>
        %add3A_282 = arith.addi %iota3A_279, %add3A_281 : vector<16xi32>
        %jit3A_283 = arith.constant 16 : i32
        %eq3A_284 = arith.constant 0 : i32
        %eq3A_285 = arith.cmpi eq, %jit3A_283, %eq3A_284 : i32
        %jit3A_286 = arith.constant 1 : i32
        %select_n3A_287 = arith.select %eq3A_285, %jit3A_286, %jit3A_283 : i32
        %rem3A_288 = vector.broadcast %select_n3A_287 : i32 to vector<16xi32>
        %rem3A_289 = arith.remsi %add3A_282, %rem3A_288 : vector<16xi32>
        %ne3A_290 = arith.constant 0 : i32
        %ne3A_291 = vector.broadcast %ne3A_290 : i32 to vector<16xi32>
        %ne3A_292 = arith.cmpi ne, %rem3A_289, %ne3A_291 : vector<16xi32>
        %lt3A_293 = arith.constant 0 : i32
        %lt3A_294 = vector.broadcast %lt3A_293 : i32 to vector<16xi32>
        %lt3A_295 = arith.cmpi slt, %rem3A_289, %lt3A_294 : vector<16xi32>
        %lt3A_296 = arith.constant 0 : i32
        %lt3A_297 = arith.cmpi slt, %select_n3A_287, %lt3A_296 : i32
        %ne3A_298 = vector.broadcast %lt3A_297 : i1 to vector<16xi1>
        %ne3A_299 = vector.broadcast %ne3A_298 : vector<16xi1> to vector<16xi1>
        %ne3A_300 = arith.xori %lt3A_295, %ne3A_299 : vector<16xi1>
        %and3A_301 = arith.andi %ne3A_300, %ne3A_292 : vector<16xi1>
        %add3A_302 = vector.broadcast %select_n3A_287 : i32 to vector<16xi32>
        %add3A_303 = arith.addi %rem3A_289, %add3A_302 : vector<16xi32>
        %select_n3A_304 = arith.select %and3A_301, %add3A_303, %rem3A_289 : vector<16xi1>, vector<16xi32>
        %broadcast_in_dim3A_305 = vector.shape_cast %select_n3A_304 : vector<16xi32> to vector<16x1xi32>
        %gather3A_306 = vector.shape_cast %broadcast_in_dim3A_305 : vector<16x1xi32> to vector<16xi32>
        %gather3A_307 = tpu.dynamic_gather %add3A_278[%gather3A_306] in [0] : vector<16xf32>, vector<16xi32> -> vector<16xf32>
        %add3A_308 = arith.addf %add3A_278, %gather3A_307 : vector<16xf32>
        %add3A_309 = arith.constant 4 : i32
        %add3A_310 = vector.broadcast %add3A_309 : i32 to vector<16xi32>
        %add3A_311 = arith.addi %iota3A_279, %add3A_310 : vector<16xi32>
        %jit3A_312 = arith.constant 16 : i32
        %eq3A_313 = arith.constant 0 : i32
        %eq3A_314 = arith.cmpi eq, %jit3A_312, %eq3A_313 : i32
        %jit3A_315 = arith.constant 1 : i32
        %select_n3A_316 = arith.select %eq3A_314, %jit3A_315, %jit3A_312 : i32
        %rem3A_317 = vector.broadcast %select_n3A_316 : i32 to vector<16xi32>
        %rem3A_318 = arith.remsi %add3A_311, %rem3A_317 : vector<16xi32>
        %ne3A_319 = arith.constant 0 : i32
        %ne3A_320 = vector.broadcast %ne3A_319 : i32 to vector<16xi32>
        %ne3A_321 = arith.cmpi ne, %rem3A_318, %ne3A_320 : vector<16xi32>
        %lt3A_322 = arith.constant 0 : i32
        %lt3A_323 = vector.broadcast %lt3A_322 : i32 to vector<16xi32>
        %lt3A_324 = arith.cmpi slt, %rem3A_318, %lt3A_323 : vector<16xi32>
        %lt3A_325 = arith.constant 0 : i32
        %lt3A_326 = arith.cmpi slt, %select_n3A_316, %lt3A_325 : i32
        %ne3A_327 = vector.broadcast %lt3A_326 : i1 to vector<16xi1>
        %ne3A_328 = vector.broadcast %ne3A_327 : vector<16xi1> to vector<16xi1>
        %ne3A_329 = arith.xori %lt3A_324, %ne3A_328 : vector<16xi1>
        %and3A_330 = arith.andi %ne3A_329, %ne3A_321 : vector<16xi1>
        %add3A_331 = vector.broadcast %select_n3A_316 : i32 to vector<16xi32>
        %add3A_332 = arith.addi %rem3A_318, %add3A_331 : vector<16xi32>
        %select_n3A_333 = arith.select %and3A_330, %add3A_332, %rem3A_318 : vector<16xi1>, vector<16xi32>
        %broadcast_in_dim3A_334 = vector.shape_cast %select_n3A_333 : vector<16xi32> to vector<16x1xi32>
        %gather3A_335 = vector.shape_cast %broadcast_in_dim3A_334 : vector<16x1xi32> to vector<16xi32>
        %gather3A_336 = tpu.dynamic_gather %add3A_308[%gather3A_335] in [0] : vector<16xf32>, vector<16xi32> -> vector<16xf32>
        %add3A_337 = arith.addf %add3A_308, %gather3A_336 : vector<16xf32>
        %add3A_338 = arith.constant 2 : i32
        %add3A_339 = vector.broadcast %add3A_338 : i32 to vector<16xi32>
        %add3A_340 = arith.addi %iota3A_279, %add3A_339 : vector<16xi32>
        %jit3A_341 = arith.constant 16 : i32
        %eq3A_342 = arith.constant 0 : i32
        %eq3A_343 = arith.cmpi eq, %jit3A_341, %eq3A_342 : i32
        %jit3A_344 = arith.constant 1 : i32
        %select_n3A_345 = arith.select %eq3A_343, %jit3A_344, %jit3A_341 : i32
        %rem3A_346 = vector.broadcast %select_n3A_345 : i32 to vector<16xi32>
        %rem3A_347 = arith.remsi %add3A_340, %rem3A_346 : vector<16xi32>
        %ne3A_348 = arith.constant 0 : i32
        %ne3A_349 = vector.broadcast %ne3A_348 : i32 to vector<16xi32>
        %ne3A_350 = arith.cmpi ne, %rem3A_347, %ne3A_349 : vector<16xi32>
        %lt3A_351 = arith.constant 0 : i32
        %lt3A_352 = vector.broadcast %lt3A_351 : i32 to vector<16xi32>
        %lt3A_353 = arith.cmpi slt, %rem3A_347, %lt3A_352 : vector<16xi32>
        %lt3A_354 = arith.constant 0 : i32
        %lt3A_355 = arith.cmpi slt, %select_n3A_345, %lt3A_354 : i32
        %ne3A_356 = vector.broadcast %lt3A_355 : i1 to vector<16xi1>
        %ne3A_357 = vector.broadcast %ne3A_356 : vector<16xi1> to vector<16xi1>
        %ne3A_358 = arith.xori %lt3A_353, %ne3A_357 : vector<16xi1>
        %and3A_359 = arith.andi %ne3A_358, %ne3A_350 : vector<16xi1>
        %add3A_360 = vector.broadcast %select_n3A_345 : i32 to vector<16xi32>
        %add3A_361 = arith.addi %rem3A_347, %add3A_360 : vector<16xi32>
        %select_n3A_362 = arith.select %and3A_359, %add3A_361, %rem3A_347 : vector<16xi1>, vector<16xi32>
        %broadcast_in_dim3A_363 = vector.shape_cast %select_n3A_362 : vector<16xi32> to vector<16x1xi32>
        %gather3A_364 = vector.shape_cast %broadcast_in_dim3A_363 : vector<16x1xi32> to vector<16xi32>
        %gather3A_365 = tpu.dynamic_gather %add3A_337[%gather3A_364] in [0] : vector<16xf32>, vector<16xi32> -> vector<16xf32>
        %add3A_366 = arith.addf %add3A_337, %gather3A_365 : vector<16xf32>
        %add3A_367 = arith.constant 1 : i32
        %add3A_368 = vector.broadcast %add3A_367 : i32 to vector<16xi32>
        %add3A_369 = arith.addi %iota3A_279, %add3A_368 : vector<16xi32>
        %jit3A_370 = arith.constant 16 : i32
        %eq3A_371 = arith.constant 0 : i32
        %eq3A_372 = arith.cmpi eq, %jit3A_370, %eq3A_371 : i32
        %jit3A_373 = arith.constant 1 : i32
        %select_n3A_374 = arith.select %eq3A_372, %jit3A_373, %jit3A_370 : i32
        %rem3A_375 = vector.broadcast %select_n3A_374 : i32 to vector<16xi32>
        %rem3A_376 = arith.remsi %add3A_369, %rem3A_375 : vector<16xi32>
        %ne3A_377 = arith.constant 0 : i32
        %ne3A_378 = vector.broadcast %ne3A_377 : i32 to vector<16xi32>
        %ne3A_379 = arith.cmpi ne, %rem3A_376, %ne3A_378 : vector<16xi32>
        %lt3A_380 = arith.constant 0 : i32
        %lt3A_381 = vector.broadcast %lt3A_380 : i32 to vector<16xi32>
        %lt3A_382 = arith.cmpi slt, %rem3A_376, %lt3A_381 : vector<16xi32>
        %lt3A_383 = arith.constant 0 : i32
        %lt3A_384 = arith.cmpi slt, %select_n3A_374, %lt3A_383 : i32
        %ne3A_385 = vector.broadcast %lt3A_384 : i1 to vector<16xi1>
        %ne3A_386 = vector.broadcast %ne3A_385 : vector<16xi1> to vector<16xi1>
        %ne3A_387 = arith.xori %lt3A_382, %ne3A_386 : vector<16xi1>
        %and3A_388 = arith.andi %ne3A_387, %ne3A_379 : vector<16xi1>
        %add3A_389 = vector.broadcast %select_n3A_374 : i32 to vector<16xi32>
        %add3A_390 = arith.addi %rem3A_376, %add3A_389 : vector<16xi32>
        %select_n3A_391 = arith.select %and3A_388, %add3A_390, %rem3A_376 : vector<16xi1>, vector<16xi32>
        %broadcast_in_dim3A_392 = vector.shape_cast %select_n3A_391 : vector<16xi32> to vector<16x1xi32>
        %gather3A_393 = vector.shape_cast %broadcast_in_dim3A_392 : vector<16x1xi32> to vector<16xi32>
        %gather3A_394 = tpu.dynamic_gather %add3A_366[%gather3A_393] in [0] : vector<16xf32>, vector<16xi32> -> vector<16xf32>
        %add3A_395 = arith.addf %add3A_366, %gather3A_394 : vector<16xf32>
        %exp3A = math.exp %add3A_275 : vector<16xf32>
        %exp3A_396 = math.exp %add3A_395 : vector<16xf32>
        %mul3A_397 = arith.mulf %get3A_115, %exp3A : vector<16xf32>
        %swap3A = arith.index_cast %scan3A_100 : i32 to index
        %swap3A_398 = arith.constant 0 : index
        %swap3A_399 = tpu.vector_load %arg11[%swap3A, %swap3A_398] {strides = array<i32>} : memref<128x128xf32, #tpu.memory_space<vmem>>, vector<1x16xf32>,
        %swap3A_400 = vector.shape_cast %swap3A_399 : vector<1x16xf32> to vector<16xf32>
        %swap3A_401 = vector.shape_cast %mul3A_397 : vector<16xf32> to vector<1x16xf32>
        tpu.vector_store %arg11[%swap3A, %swap3A_398], %swap3A_401 {strides = array<i32>} : memref<128x128xf32, #tpu.memory_space<vmem>>, vector<1x16xf32>,
        %mul3A_402 = arith.mulf %get3A_119, %exp3A : vector<16xf32>
        %swap3A_403 = arith.index_cast %scan3A_100 : i32 to index
        %swap3A_404 = arith.constant 16 : index
        %swap3A_405 = tpu.vector_load %arg11[%swap3A_403, %swap3A_404] {strides = array<i32>} : memref<128x128xf32, #tpu.memory_space<vmem>>, vector<1x16xf32>,
        %swap3A_406 = vector.shape_cast %swap3A_405 : vector<1x16xf32> to vector<16xf32>
        %swap3A_407 = vector.shape_cast %mul3A_402 : vector<16xf32> to vector<1x16xf32>
        tpu.vector_store %arg11[%swap3A_403, %swap3A_404], %swap3A_407 {strides = array<i32>} : memref<128x128xf32, #tpu.memory_space<vmem>>, vector<1x16xf32>,
        %mul3A_408 = arith.mulf %get3A_123, %exp3A_396 : vector<16xf32>
        %swap3A_409 = arith.index_cast %scan3A_100 : i32 to index
        %swap3A_410 = arith.constant 32 : index
        %swap3A_411 = tpu.vector_load %arg11[%swap3A_409, %swap3A_410] {strides = array<i32>} : memref<128x128xf32, #tpu.memory_space<vmem>>, vector<1x16xf32>,
        %swap3A_412 = vector.shape_cast %swap3A_411 : vector<1x16xf32> to vector<16xf32>
        %swap3A_413 = vector.shape_cast %mul3A_408 : vector<16xf32> to vector<1x16xf32>
        tpu.vector_store %arg11[%swap3A_409, %swap3A_410], %swap3A_413 {strides = array<i32>} : memref<128x128xf32, #tpu.memory_space<vmem>>, vector<1x16xf32>,
        %mul3A_414 = arith.mulf %get3A_127, %exp3A_396 : vector<16xf32>
        %swap3A_415 = arith.index_cast %scan3A_100 : i32 to index
        %swap3A_416 = arith.constant 48 : index
        %swap3A_417 = tpu.vector_load %arg11[%swap3A_415, %swap3A_416] {strides = array<i32>} : memref<128x128xf32, #tpu.memory_space<vmem>>, vector<1x16xf32>,
        %swap3A_418 = vector.shape_cast %swap3A_417 : vector<1x16xf32> to vector<16xf32>
        %swap3A_419 = vector.shape_cast %mul3A_414 : vector<16xf32> to vector<1x16xf32>
        tpu.vector_store %arg11[%swap3A_415, %swap3A_416], %swap3A_419 {strides = array<i32>} : memref<128x128xf32, #tpu.memory_space<vmem>>, vector<1x16xf32>,
        %iota3A_420 = tpu.iota {dimensions = array<i32: 0>} : vector<16xi32>
        %eq3A_421 = arith.constant 0 : i32
        %eq3A_422 = vector.broadcast %eq3A_421 : i32 to vector<16xi32>
        %eq3A_423 = arith.cmpi eq, %iota3A_420, %eq3A_422 : vector<16xi32>
        %eq3A_424 = arith.constant 1 : i32
        %eq3A_425 = vector.broadcast %eq3A_424 : i32 to vector<16xi32>
        %eq3A_426 = arith.cmpi eq, %iota3A_420, %eq3A_425 : vector<16xi32>
        %broadcast_in_dim3A_427 = arith.constant 0.000000e+00 : f32
        %broadcast_in_dim3A_428 = vector.broadcast %broadcast_in_dim3A_427 : f32 to vector<16xf32>
        %select_n3A_429 = arith.select %eq3A_426, %exp3A_396, %broadcast_in_dim3A_428 : vector<16xi1>, vector<16xf32>
        %select_n3A_430 = arith.select %eq3A_423, %exp3A, %select_n3A_429 : vector<16xi1>, vector<16xf32>
        %swap3A_431 = arith.index_cast %scan3A_100 : i32 to index
        %swap3A_432 = arith.constant 64 : index
        %swap3A_433 = tpu.vector_load %arg11[%swap3A_431, %swap3A_432] {strides = array<i32>} : memref<128x128xf32, #tpu.memory_space<vmem>>, vector<1x16xf32>,
        %swap3A_434 = vector.shape_cast %swap3A_433 : vector<1x16xf32> to vector<16xf32>
        %swap3A_435 = vector.shape_cast %select_n3A_430 : vector<16xf32> to vector<1x16xf32>
        tpu.vector_store %arg11[%swap3A_431, %swap3A_432], %swap3A_435 {strides = array<i32>} : memref<128x128xf32, #tpu.memory_space<vmem>>, vector<1x16xf32>,
      }
      %scan3A_99 = arith.constant 128 : i32
      "tpu.region"() ({
        %run_scoped3A = tpu.sem_alloc : memref<!tpu.dma_semaphore, #tpu.memory_space<semaphore_mem>>
        %dma_start3A_100 = arith.constant 0 : i32
        %dma_start3A_101 = arith.constant 0 : i32
        %dma_start3A_102 = tpu.memref_slice %arg13[%dma_start3A_100, %dma_start3A_101] : memref<10000x128xf32, #tpu.memory_space<vmem_shared>> -> memref<10000x128xf32, #tpu.memory_space<vmem_shared>>
        tpu.enqueue_indirect_dma source(%arg11 : memref<128x128xf32, #tpu.memory_space<vmem>>) target(%dma_start3A_102 : memref<10000x128xf32, #tpu.memory_space<vmem_shared>>) offsets(%arg8 : memref<128xi32, #tpu.memory_space<vmem>>) semaphore(%run_scoped3A : memref<!tpu.dma_semaphore, #tpu.memory_space<semaphore_mem>>) {add = true}
        %dma_wait3A_103 = arith.constant 0 : i32
        %dma_wait3A_104 = arith.constant 0 : i32
        %dma_wait3A_105 = tpu.memref_slice %arg13[%dma_wait3A_103, %dma_wait3A_104] : memref<10000x128xf32, #tpu.memory_space<vmem_shared>> -> memref<10000x128xf32, #tpu.memory_space<vmem_shared>>
        tpu.wait_indirect_dma semaphore(%run_scoped3A : memref<!tpu.dma_semaphore, #tpu.memory_space<semaphore_mem>>) src(%arg11 : memref<128x128xf32, #tpu.memory_space<vmem>>) dst(%dma_wait3A_105 : memref<10000x128xf32, #tpu.memory_space<vmem_shared>>)
        tpu.yield
      }) : () -> ()
    }
    %while3A_36 = arith.constant 1 : i32
    scf.for %while3A_78 = %while3A_34 to %while3A_30 step %while3A_36  : i32 {
      %mul3A_79 = arith.constant 32 : i32
      %mul3A_80 = arith.muli %while3A_78, %mul3A_79 : i32
      %add3A_81 = arith.addi %add3A, %mul3A_80 : i32
      %mul3A_82 = arith.constant 128 : i32
      %mul3A_83 = arith.muli %add3A_81, %mul3A_82 : i32
      "tpu.region"() ({
        %run_scoped3A = tpu.sem_alloc : memref<!tpu.dma_semaphore, #tpu.memory_space<semaphore_mem>>
        %dma_start3A_100 = tpu.memref_slice %arg3[%mul3A_83] : memref<320000xi32, #tpu.memory_space<hbm>> -> memref<128xi32, #tpu.memory_space<hbm>>
        %dma_start3A_101 = tpu.memref_slice %arg3[%mul3A_83] : memref<320000xi32, #tpu.memory_space<hbm>> -> memref<128xi32, #tpu.memory_space<hbm>>
        tpu.enqueue_dma source(%dma_start3A_101 : memref<128xi32, #tpu.memory_space<hbm>>) target(%arg7 : memref<128xi32, #tpu.memory_space<vmem>>) target_semaphore(%run_scoped3A : memref<!tpu.dma_semaphore, #tpu.memory_space<semaphore_mem>>)
        %dma_wait3A_102 = tpu.memref_slice %arg3[%mul3A_83] : memref<320000xi32, #tpu.memory_space<hbm>> -> memref<128xi32, #tpu.memory_space<hbm>>
        %dma_wait3A_103 = tpu.memref_slice %arg3[%mul3A_83] : memref<320000xi32, #tpu.memory_space<hbm>> -> memref<128xi32, #tpu.memory_space<hbm>>
        tpu.wait_dma2 semaphore(%run_scoped3A : memref<!tpu.dma_semaphore, #tpu.memory_space<semaphore_mem>>) src(%dma_wait3A_103 : memref<128xi32, #tpu.memory_space<hbm>>) dst(%arg7 : memref<128xi32, #tpu.memory_space<vmem>>)
        tpu.yield
      }) : () -> ()
      "tpu.region"() ({
        %run_scoped3A = tpu.sem_alloc : memref<!tpu.dma_semaphore, #tpu.memory_space<semaphore_mem>>
        %dma_start3A_100 = tpu.memref_slice %arg4[%mul3A_83] : memref<320000xi32, #tpu.memory_space<hbm>> -> memref<128xi32, #tpu.memory_space<hbm>>
        %dma_start3A_101 = tpu.memref_slice %arg4[%mul3A_83] : memref<320000xi32, #tpu.memory_space<hbm>> -> memref<128xi32, #tpu.memory_space<hbm>>
        tpu.enqueue_dma source(%dma_start3A_101 : memref<128xi32, #tpu.memory_space<hbm>>) target(%arg8 : memref<128xi32, #tpu.memory_space<vmem>>) target_semaphore(%run_scoped3A : memref<!tpu.dma_semaphore, #tpu.memory_space<semaphore_mem>>)
        %dma_wait3A_102 = tpu.memref_slice %arg4[%mul3A_83] : memref<320000xi32, #tpu.memory_space<hbm>> -> memref<128xi32, #tpu.memory_space<hbm>>
        %dma_wait3A_103 = tpu.memref_slice %arg4[%mul3A_83] : memref<320000xi32, #tpu.memory_space<hbm>> -> memref<128xi32, #tpu.memory_space<hbm>>
        tpu.wait_dma2 semaphore(%run_scoped3A : memref<!tpu.dma_semaphore, #tpu.memory_space<semaphore_mem>>) src(%dma_wait3A_103 : memref<128xi32, #tpu.memory_space<hbm>>) dst(%arg8 : memref<128xi32, #tpu.memory_space<vmem>>)
        tpu.yield
      }) : () -> ()
      %dma_start3A = arith.constant 0 : i32
      %dma_start3A_84 = arith.constant 0 : i32
      %dma_start3A_85 = tpu.memref_slice %arg2[%dma_start3A, %dma_start3A_84] : memref<10000x128xf32, #tpu.memory_space<hbm>> -> memref<10000x128xf32, #tpu.memory_space<hbm>>
      tpu.enqueue_indirect_dma source(%dma_start3A_85 : memref<10000x128xf32, #tpu.memory_space<hbm>>) target(%arg9 : memref<128x128xf32, #tpu.memory_space<vmem>>) offsets(%arg7 : memref<128xi32, #tpu.memory_space<vmem>>) semaphore(%arg14 : memref<!tpu.dma_semaphore, #tpu.memory_space<semaphore_mem>>)
      %dma_start3A_86 = arith.constant 0 : i32
      %dma_start3A_87 = arith.constant 0 : i32
      %dma_start3A_88 = tpu.memref_slice %arg2[%dma_start3A_86, %dma_start3A_87] : memref<10000x128xf32, #tpu.memory_space<hbm>> -> memref<10000x128xf32, #tpu.memory_space<hbm>>
      tpu.enqueue_indirect_dma source(%dma_start3A_88 : memref<10000x128xf32, #tpu.memory_space<hbm>>) target(%arg10 : memref<128x128xf32, #tpu.memory_space<vmem>>) offsets(%arg8 : memref<128xi32, #tpu.memory_space<vmem>>) semaphore(%arg15 : memref<!tpu.dma_semaphore, #tpu.memory_space<semaphore_mem>>)
      %dma_wait3A = arith.constant 0 : i32
      %dma_wait3A_89 = arith.constant 0 : i32
      %dma_wait3A_90 = tpu.memref_slice %arg2[%dma_wait3A, %dma_wait3A_89] : memref<10000x128xf32, #tpu.memory_space<hbm>> -> memref<10000x128xf32, #tpu.memory_space<hbm>>
      tpu.wait_indirect_dma semaphore(%arg14 : memref<!tpu.dma_semaphore, #tpu.memory_space<semaphore_mem>>) src(%dma_wait3A_90 : memref<10000x128xf32, #tpu.memory_space<hbm>>) dst(%arg9 : memref<128x128xf32, #tpu.memory_space<vmem>>)
      %dma_wait3A_91 = arith.constant 0 : i32
      %dma_wait3A_92 = arith.constant 0 : i32
      %dma_wait3A_93 = tpu.memref_slice %arg2[%dma_wait3A_91, %dma_wait3A_92] : memref<10000x128xf32, #tpu.memory_space<hbm>> -> memref<10000x128xf32, #tpu.memory_space<hbm>>
      tpu.wait_indirect_dma semaphore(%arg15 : memref<!tpu.dma_semaphore, #tpu.memory_space<semaphore_mem>>) src(%dma_wait3A_93 : memref<10000x128xf32, #tpu.memory_space<hbm>>) dst(%arg10 : memref<128x128xf32, #tpu.memory_space<vmem>>)
      %scan3A_94 = arith.constant 0 : i32
      %scan3A_95 = arith.constant 0 : i32
      %scan3A_96 = arith.constant 128 : i32
      %scan3A_97 = arith.addi %scan3A_95, %scan3A_96 : i32
      %scan3A_98 = arith.constant 1 : i32
      scf.for %scan3A_100 = %scan3A_95 to %scan3A_97 step %scan3A_98  : i32 {
        %get3A = arith.constant 0 : index
        %get3A_101 = tpu.vector_load %arg12[%get3A] {strides = array<i32>} : memref<64xf32, #tpu.memory_space<vmem>>, vector<16xf32>,
        %get3A_102 = vector.shape_cast %get3A_101 : vector<16xf32> to vector<16xf32>
        %get3A_103 = arith.constant 16 : index
        %get3A_104 = tpu.vector_load %arg12[%get3A_103] {strides = array<i32>} : memref<64xf32, #tpu.memory_space<vmem>>, vector<16xf32>,
        %get3A_105 = vector.shape_cast %get3A_104 : vector<16xf32> to vector<16xf32>
        %get3A_106 = arith.constant 32 : index
        %get3A_107 = tpu.vector_load %arg12[%get3A_106] {strides = array<i32>} : memref<64xf32, #tpu.memory_space<vmem>>, vector<16xf32>,
        %get3A_108 = vector.shape_cast %get3A_107 : vector<16xf32> to vector<16xf32>
        %get3A_109 = arith.constant 48 : index
        %get3A_110 = tpu.vector_load %arg12[%get3A_109] {strides = array<i32>} : memref<64xf32, #tpu.memory_space<vmem>>, vector<16xf32>,
        %get3A_111 = vector.shape_cast %get3A_110 : vector<16xf32> to vector<16xf32>
        %get3A_112 = arith.index_cast %scan3A_100 : i32 to index
        %get3A_113 = arith.constant 0 : index
        %get3A_114 = tpu.vector_load %arg9[%get3A_112, %get3A_113] {strides = array<i32>} : memref<128x128xf32, #tpu.memory_space<vmem>>, vector<1x16xf32>,
        %get3A_115 = vector.shape_cast %get3A_114 : vector<1x16xf32> to vector<16xf32>
        %get3A_116 = arith.index_cast %scan3A_100 : i32 to index
        %get3A_117 = arith.constant 16 : index
        %get3A_118 = tpu.vector_load %arg9[%get3A_116, %get3A_117] {strides = array<i32>} : memref<128x128xf32, #tpu.memory_space<vmem>>, vector<1x16xf32>,
        %get3A_119 = vector.shape_cast %get3A_118 : vector<1x16xf32> to vector<16xf32>
        %get3A_120 = arith.index_cast %scan3A_100 : i32 to index
        %get3A_121 = arith.constant 32 : index
        %get3A_122 = tpu.vector_load %arg9[%get3A_120, %get3A_121] {strides = array<i32>} : memref<128x128xf32, #tpu.memory_space<vmem>>, vector<1x16xf32>,
        %get3A_123 = vector.shape_cast %get3A_122 : vector<1x16xf32> to vector<16xf32>
        %get3A_124 = arith.index_cast %scan3A_100 : i32 to index
        %get3A_125 = arith.constant 48 : index
        %get3A_126 = tpu.vector_load %arg9[%get3A_124, %get3A_125] {strides = array<i32>} : memref<128x128xf32, #tpu.memory_space<vmem>>, vector<1x16xf32>,
        %get3A_127 = vector.shape_cast %get3A_126 : vector<1x16xf32> to vector<16xf32>
        %get3A_128 = arith.index_cast %scan3A_100 : i32 to index
        %get3A_129 = arith.constant 64 : index
        %get3A_130 = tpu.vector_load %arg10[%get3A_128, %get3A_129] {strides = array<i32>} : memref<128x128xf32, #tpu.memory_space<vmem>>, vector<1x16xf32>,
        %get3A_131 = vector.shape_cast %get3A_130 : vector<1x16xf32> to vector<16xf32>
        %get3A_132 = arith.index_cast %scan3A_100 : i32 to index
        %get3A_133 = arith.constant 80 : index
        %get3A_134 = tpu.vector_load %arg10[%get3A_132, %get3A_133] {strides = array<i32>} : memref<128x128xf32, #tpu.memory_space<vmem>>, vector<1x16xf32>,
        %get3A_135 = vector.shape_cast %get3A_134 : vector<1x16xf32> to vector<16xf32>
        %get3A_136 = arith.index_cast %scan3A_100 : i32 to index
        %get3A_137 = arith.constant 96 : index
        %get3A_138 = tpu.vector_load %arg10[%get3A_136, %get3A_137] {strides = array<i32>} : memref<128x128xf32, #tpu.memory_space<vmem>>, vector<1x16xf32>,
        %get3A_139 = vector.shape_cast %get3A_138 : vector<1x16xf32> to vector<16xf32>
        %get3A_140 = arith.index_cast %scan3A_100 : i32 to index
        %get3A_141 = arith.constant 112 : index
        %get3A_142 = tpu.vector_load %arg10[%get3A_140, %get3A_141] {strides = array<i32>} : memref<128x128xf32, #tpu.memory_space<vmem>>, vector<1x16xf32>,
        %get3A_143 = vector.shape_cast %get3A_142 : vector<1x16xf32> to vector<16xf32>
        %add3A_144 = arith.addf %get3A_115, %get3A_131 : vector<16xf32>
        %add3A_145 = arith.addf %get3A_119, %get3A_135 : vector<16xf32>
        %add3A_146 = arith.addf %get3A_123, %get3A_139 : vector<16xf32>
        %add3A_147 = arith.addf %get3A_127, %get3A_143 : vector<16xf32>
        %mul3A_148 = arith.constant 2.000000e-01 : f32
        %mul3A_149 = vector.broadcast %mul3A_148 : f32 to vector<16xf32>
        %mul3A_150 = arith.mulf %mul3A_149, %add3A_144 : vector<16xf32>
        %max3A = arith.maximumf %add3A_144, %mul3A_150 : vector<16xf32>
        %mul3A_151 = arith.constant 2.000000e-01 : f32
        %mul3A_152 = vector.broadcast %mul3A_151 : f32 to vector<16xf32>
        %mul3A_153 = arith.mulf %mul3A_152, %add3A_145 : vector<16xf32>
        %max3A_154 = arith.maximumf %add3A_145, %mul3A_153 : vector<16xf32>
        %mul3A_155 = arith.constant 2.000000e-01 : f32
        %mul3A_156 = vector.broadcast %mul3A_155 : f32 to vector<16xf32>
        %mul3A_157 = arith.mulf %mul3A_156, %add3A_146 : vector<16xf32>
        %max3A_158 = arith.maximumf %add3A_146, %mul3A_157 : vector<16xf32>
        %mul3A_159 = arith.constant 2.000000e-01 : f32
        %mul3A_160 = vector.broadcast %mul3A_159 : f32 to vector<16xf32>
        %mul3A_161 = arith.mulf %mul3A_160, %add3A_147 : vector<16xf32>
        %max3A_162 = arith.maximumf %add3A_147, %mul3A_161 : vector<16xf32>
        %mul3A_163 = arith.mulf %max3A, %get3A_102 : vector<16xf32>
        %mul3A_164 = arith.mulf %max3A_154, %get3A_105 : vector<16xf32>
        %add3A_165 = arith.addf %mul3A_163, %mul3A_164 : vector<16xf32>
        %iota3A = tpu.iota {dimensions = array<i32: 0>} : vector<16xi32>
        %add3A_166 = arith.constant 8 : i32
        %add3A_167 = vector.broadcast %add3A_166 : i32 to vector<16xi32>
        %add3A_168 = arith.addi %iota3A, %add3A_167 : vector<16xi32>
        %jit3A_169 = arith.constant 16 : i32
        %eq3A = arith.constant 0 : i32
        %eq3A_170 = arith.cmpi eq, %jit3A_169, %eq3A : i32
        %jit3A_171 = arith.constant 1 : i32
        %select_n3A_172 = arith.select %eq3A_170, %jit3A_171, %jit3A_169 : i32
        %rem3A = vector.broadcast %select_n3A_172 : i32 to vector<16xi32>
        %rem3A_173 = arith.remsi %add3A_168, %rem3A : vector<16xi32>
        %ne3A = arith.constant 0 : i32
        %ne3A_174 = vector.broadcast %ne3A : i32 to vector<16xi32>
        %ne3A_175 = arith.cmpi ne, %rem3A_173, %ne3A_174 : vector<16xi32>
        %lt3A_176 = arith.constant 0 : i32
        %lt3A_177 = vector.broadcast %lt3A_176 : i32 to vector<16xi32>
        %lt3A_178 = arith.cmpi slt, %rem3A_173, %lt3A_177 : vector<16xi32>
        %lt3A_179 = arith.constant 0 : i32
        %lt3A_180 = arith.cmpi slt, %select_n3A_172, %lt3A_179 : i32
        %ne3A_181 = vector.broadcast %lt3A_180 : i1 to vector<16xi1>
        %ne3A_182 = vector.broadcast %ne3A_181 : vector<16xi1> to vector<16xi1>
        %ne3A_183 = arith.xori %lt3A_178, %ne3A_182 : vector<16xi1>
        %and3A = arith.andi %ne3A_183, %ne3A_175 : vector<16xi1>
        %add3A_184 = vector.broadcast %select_n3A_172 : i32 to vector<16xi32>
        %add3A_185 = arith.addi %rem3A_173, %add3A_184 : vector<16xi32>
        %select_n3A_186 = arith.select %and3A, %add3A_185, %rem3A_173 : vector<16xi1>, vector<16xi32>
        %broadcast_in_dim3A = vector.shape_cast %select_n3A_186 : vector<16xi32> to vector<16x1xi32>
        %gather3A = vector.shape_cast %broadcast_in_dim3A : vector<16x1xi32> to vector<16xi32>
        %gather3A_187 = tpu.dynamic_gather %add3A_165[%gather3A] in [0] : vector<16xf32>, vector<16xi32> -> vector<16xf32>
        %add3A_188 = arith.addf %add3A_165, %gather3A_187 : vector<16xf32>
        %add3A_189 = arith.constant 4 : i32
        %add3A_190 = vector.broadcast %add3A_189 : i32 to vector<16xi32>
        %add3A_191 = arith.addi %iota3A, %add3A_190 : vector<16xi32>
        %jit3A_192 = arith.constant 16 : i32
        %eq3A_193 = arith.constant 0 : i32
        %eq3A_194 = arith.cmpi eq, %jit3A_192, %eq3A_193 : i32
        %jit3A_195 = arith.constant 1 : i32
        %select_n3A_196 = arith.select %eq3A_194, %jit3A_195, %jit3A_192 : i32
        %rem3A_197 = vector.broadcast %select_n3A_196 : i32 to vector<16xi32>
        %rem3A_198 = arith.remsi %add3A_191, %rem3A_197 : vector<16xi32>
        %ne3A_199 = arith.constant 0 : i32
        %ne3A_200 = vector.broadcast %ne3A_199 : i32 to vector<16xi32>
        %ne3A_201 = arith.cmpi ne, %rem3A_198, %ne3A_200 : vector<16xi32>
        %lt3A_202 = arith.constant 0 : i32
        %lt3A_203 = vector.broadcast %lt3A_202 : i32 to vector<16xi32>
        %lt3A_204 = arith.cmpi slt, %rem3A_198, %lt3A_203 : vector<16xi32>
        %lt3A_205 = arith.constant 0 : i32
        %lt3A_206 = arith.cmpi slt, %select_n3A_196, %lt3A_205 : i32
        %ne3A_207 = vector.broadcast %lt3A_206 : i1 to vector<16xi1>
        %ne3A_208 = vector.broadcast %ne3A_207 : vector<16xi1> to vector<16xi1>
        %ne3A_209 = arith.xori %lt3A_204, %ne3A_208 : vector<16xi1>
        %and3A_210 = arith.andi %ne3A_209, %ne3A_201 : vector<16xi1>
        %add3A_211 = vector.broadcast %select_n3A_196 : i32 to vector<16xi32>
        %add3A_212 = arith.addi %rem3A_198, %add3A_211 : vector<16xi32>
        %select_n3A_213 = arith.select %and3A_210, %add3A_212, %rem3A_198 : vector<16xi1>, vector<16xi32>
        %broadcast_in_dim3A_214 = vector.shape_cast %select_n3A_213 : vector<16xi32> to vector<16x1xi32>
        %gather3A_215 = vector.shape_cast %broadcast_in_dim3A_214 : vector<16x1xi32> to vector<16xi32>
        %gather3A_216 = tpu.dynamic_gather %add3A_188[%gather3A_215] in [0] : vector<16xf32>, vector<16xi32> -> vector<16xf32>
        %add3A_217 = arith.addf %add3A_188, %gather3A_216 : vector<16xf32>
        %add3A_218 = arith.constant 2 : i32
        %add3A_219 = vector.broadcast %add3A_218 : i32 to vector<16xi32>
        %add3A_220 = arith.addi %iota3A, %add3A_219 : vector<16xi32>
        %jit3A_221 = arith.constant 16 : i32
        %eq3A_222 = arith.constant 0 : i32
        %eq3A_223 = arith.cmpi eq, %jit3A_221, %eq3A_222 : i32
        %jit3A_224 = arith.constant 1 : i32
        %select_n3A_225 = arith.select %eq3A_223, %jit3A_224, %jit3A_221 : i32
        %rem3A_226 = vector.broadcast %select_n3A_225 : i32 to vector<16xi32>
        %rem3A_227 = arith.remsi %add3A_220, %rem3A_226 : vector<16xi32>
        %ne3A_228 = arith.constant 0 : i32
        %ne3A_229 = vector.broadcast %ne3A_228 : i32 to vector<16xi32>
        %ne3A_230 = arith.cmpi ne, %rem3A_227, %ne3A_229 : vector<16xi32>
        %lt3A_231 = arith.constant 0 : i32
        %lt3A_232 = vector.broadcast %lt3A_231 : i32 to vector<16xi32>
        %lt3A_233 = arith.cmpi slt, %rem3A_227, %lt3A_232 : vector<16xi32>
        %lt3A_234 = arith.constant 0 : i32
        %lt3A_235 = arith.cmpi slt, %select_n3A_225, %lt3A_234 : i32
        %ne3A_236 = vector.broadcast %lt3A_235 : i1 to vector<16xi1>
        %ne3A_237 = vector.broadcast %ne3A_236 : vector<16xi1> to vector<16xi1>
        %ne3A_238 = arith.xori %lt3A_233, %ne3A_237 : vector<16xi1>
        %and3A_239 = arith.andi %ne3A_238, %ne3A_230 : vector<16xi1>
        %add3A_240 = vector.broadcast %select_n3A_225 : i32 to vector<16xi32>
        %add3A_241 = arith.addi %rem3A_227, %add3A_240 : vector<16xi32>
        %select_n3A_242 = arith.select %and3A_239, %add3A_241, %rem3A_227 : vector<16xi1>, vector<16xi32>
        %broadcast_in_dim3A_243 = vector.shape_cast %select_n3A_242 : vector<16xi32> to vector<16x1xi32>
        %gather3A_244 = vector.shape_cast %broadcast_in_dim3A_243 : vector<16x1xi32> to vector<16xi32>
        %gather3A_245 = tpu.dynamic_gather %add3A_217[%gather3A_244] in [0] : vector<16xf32>, vector<16xi32> -> vector<16xf32>
        %add3A_246 = arith.addf %add3A_217, %gather3A_245 : vector<16xf32>
        %add3A_247 = arith.constant 1 : i32
        %add3A_248 = vector.broadcast %add3A_247 : i32 to vector<16xi32>
        %add3A_249 = arith.addi %iota3A, %add3A_248 : vector<16xi32>
        %jit3A_250 = arith.constant 16 : i32
        %eq3A_251 = arith.constant 0 : i32
        %eq3A_252 = arith.cmpi eq, %jit3A_250, %eq3A_251 : i32
        %jit3A_253 = arith.constant 1 : i32
        %select_n3A_254 = arith.select %eq3A_252, %jit3A_253, %jit3A_250 : i32
        %rem3A_255 = vector.broadcast %select_n3A_254 : i32 to vector<16xi32>
        %rem3A_256 = arith.remsi %add3A_249, %rem3A_255 : vector<16xi32>
        %ne3A_257 = arith.constant 0 : i32
        %ne3A_258 = vector.broadcast %ne3A_257 : i32 to vector<16xi32>
        %ne3A_259 = arith.cmpi ne, %rem3A_256, %ne3A_258 : vector<16xi32>
        %lt3A_260 = arith.constant 0 : i32
        %lt3A_261 = vector.broadcast %lt3A_260 : i32 to vector<16xi32>
        %lt3A_262 = arith.cmpi slt, %rem3A_256, %lt3A_261 : vector<16xi32>
        %lt3A_263 = arith.constant 0 : i32
        %lt3A_264 = arith.cmpi slt, %select_n3A_254, %lt3A_263 : i32
        %ne3A_265 = vector.broadcast %lt3A_264 : i1 to vector<16xi1>
        %ne3A_266 = vector.broadcast %ne3A_265 : vector<16xi1> to vector<16xi1>
        %ne3A_267 = arith.xori %lt3A_262, %ne3A_266 : vector<16xi1>
        %and3A_268 = arith.andi %ne3A_267, %ne3A_259 : vector<16xi1>
        %add3A_269 = vector.broadcast %select_n3A_254 : i32 to vector<16xi32>
        %add3A_270 = arith.addi %rem3A_256, %add3A_269 : vector<16xi32>
        %select_n3A_271 = arith.select %and3A_268, %add3A_270, %rem3A_256 : vector<16xi1>, vector<16xi32>
        %broadcast_in_dim3A_272 = vector.shape_cast %select_n3A_271 : vector<16xi32> to vector<16x1xi32>
        %gather3A_273 = vector.shape_cast %broadcast_in_dim3A_272 : vector<16x1xi32> to vector<16xi32>
        %gather3A_274 = tpu.dynamic_gather %add3A_246[%gather3A_273] in [0] : vector<16xf32>, vector<16xi32> -> vector<16xf32>
        %add3A_275 = arith.addf %add3A_246, %gather3A_274 : vector<16xf32>
        %mul3A_276 = arith.mulf %max3A_158, %get3A_108 : vector<16xf32>
        %mul3A_277 = arith.mulf %max3A_162, %get3A_111 : vector<16xf32>
        %add3A_278 = arith.addf %mul3A_276, %mul3A_277 : vector<16xf32>
        %iota3A_279 = tpu.iota {dimensions = array<i32: 0>} : vector<16xi32>
        %add3A_280 = arith.constant 8 : i32
        %add3A_281 = vector.broadcast %add3A_280 : i32 to vector<16xi32>
        %add3A_282 = arith.addi %iota3A_279, %add3A_281 : vector<16xi32>
        %jit3A_283 = arith.constant 16 : i32
        %eq3A_284 = arith.constant 0 : i32
        %eq3A_285 = arith.cmpi eq, %jit3A_283, %eq3A_284 : i32
        %jit3A_286 = arith.constant 1 : i32
        %select_n3A_287 = arith.select %eq3A_285, %jit3A_286, %jit3A_283 : i32
        %rem3A_288 = vector.broadcast %select_n3A_287 : i32 to vector<16xi32>
        %rem3A_289 = arith.remsi %add3A_282, %rem3A_288 : vector<16xi32>
        %ne3A_290 = arith.constant 0 : i32
        %ne3A_291 = vector.broadcast %ne3A_290 : i32 to vector<16xi32>
        %ne3A_292 = arith.cmpi ne, %rem3A_289, %ne3A_291 : vector<16xi32>
        %lt3A_293 = arith.constant 0 : i32
        %lt3A_294 = vector.broadcast %lt3A_293 : i32 to vector<16xi32>
        %lt3A_295 = arith.cmpi slt, %rem3A_289, %lt3A_294 : vector<16xi32>
        %lt3A_296 = arith.constant 0 : i32
        %lt3A_297 = arith.cmpi slt, %select_n3A_287, %lt3A_296 : i32
        %ne3A_298 = vector.broadcast %lt3A_297 : i1 to vector<16xi1>
        %ne3A_299 = vector.broadcast %ne3A_298 : vector<16xi1> to vector<16xi1>
        %ne3A_300 = arith.xori %lt3A_295, %ne3A_299 : vector<16xi1>
        %and3A_301 = arith.andi %ne3A_300, %ne3A_292 : vector<16xi1>
        %add3A_302 = vector.broadcast %select_n3A_287 : i32 to vector<16xi32>
        %add3A_303 = arith.addi %rem3A_289, %add3A_302 : vector<16xi32>
        %select_n3A_304 = arith.select %and3A_301, %add3A_303, %rem3A_289 : vector<16xi1>, vector<16xi32>
        %broadcast_in_dim3A_305 = vector.shape_cast %select_n3A_304 : vector<16xi32> to vector<16x1xi32>
        %gather3A_306 = vector.shape_cast %broadcast_in_dim3A_305 : vector<16x1xi32> to vector<16xi32>
        %gather3A_307 = tpu.dynamic_gather %add3A_278[%gather3A_306] in [0] : vector<16xf32>, vector<16xi32> -> vector<16xf32>
        %add3A_308 = arith.addf %add3A_278, %gather3A_307 : vector<16xf32>
        %add3A_309 = arith.constant 4 : i32
        %add3A_310 = vector.broadcast %add3A_309 : i32 to vector<16xi32>
        %add3A_311 = arith.addi %iota3A_279, %add3A_310 : vector<16xi32>
        %jit3A_312 = arith.constant 16 : i32
        %eq3A_313 = arith.constant 0 : i32
        %eq3A_314 = arith.cmpi eq, %jit3A_312, %eq3A_313 : i32
        %jit3A_315 = arith.constant 1 : i32
        %select_n3A_316 = arith.select %eq3A_314, %jit3A_315, %jit3A_312 : i32
        %rem3A_317 = vector.broadcast %select_n3A_316 : i32 to vector<16xi32>
        %rem3A_318 = arith.remsi %add3A_311, %rem3A_317 : vector<16xi32>
        %ne3A_319 = arith.constant 0 : i32
        %ne3A_320 = vector.broadcast %ne3A_319 : i32 to vector<16xi32>
        %ne3A_321 = arith.cmpi ne, %rem3A_318, %ne3A_320 : vector<16xi32>
        %lt3A_322 = arith.constant 0 : i32
        %lt3A_323 = vector.broadcast %lt3A_322 : i32 to vector<16xi32>
        %lt3A_324 = arith.cmpi slt, %rem3A_318, %lt3A_323 : vector<16xi32>
        %lt3A_325 = arith.constant 0 : i32
        %lt3A_326 = arith.cmpi slt, %select_n3A_316, %lt3A_325 : i32
        %ne3A_327 = vector.broadcast %lt3A_326 : i1 to vector<16xi1>
        %ne3A_328 = vector.broadcast %ne3A_327 : vector<16xi1> to vector<16xi1>
        %ne3A_329 = arith.xori %lt3A_324, %ne3A_328 : vector<16xi1>
        %and3A_330 = arith.andi %ne3A_329, %ne3A_321 : vector<16xi1>
        %add3A_331 = vector.broadcast %select_n3A_316 : i32 to vector<16xi32>
        %add3A_332 = arith.addi %rem3A_318, %add3A_331 : vector<16xi32>
        %select_n3A_333 = arith.select %and3A_330, %add3A_332, %rem3A_318 : vector<16xi1>, vector<16xi32>
        %broadcast_in_dim3A_334 = vector.shape_cast %select_n3A_333 : vector<16xi32> to vector<16x1xi32>
        %gather3A_335 = vector.shape_cast %broadcast_in_dim3A_334 : vector<16x1xi32> to vector<16xi32>
        %gather3A_336 = tpu.dynamic_gather %add3A_308[%gather3A_335] in [0] : vector<16xf32>, vector<16xi32> -> vector<16xf32>
        %add3A_337 = arith.addf %add3A_308, %gather3A_336 : vector<16xf32>
        %add3A_338 = arith.constant 2 : i32
        %add3A_339 = vector.broadcast %add3A_338 : i32 to vector<16xi32>
        %add3A_340 = arith.addi %iota3A_279, %add3A_339 : vector<16xi32>
        %jit3A_341 = arith.constant 16 : i32
        %eq3A_342 = arith.constant 0 : i32
        %eq3A_343 = arith.cmpi eq, %jit3A_341, %eq3A_342 : i32
        %jit3A_344 = arith.constant 1 : i32
        %select_n3A_345 = arith.select %eq3A_343, %jit3A_344, %jit3A_341 : i32
        %rem3A_346 = vector.broadcast %select_n3A_345 : i32 to vector<16xi32>
        %rem3A_347 = arith.remsi %add3A_340, %rem3A_346 : vector<16xi32>
        %ne3A_348 = arith.constant 0 : i32
        %ne3A_349 = vector.broadcast %ne3A_348 : i32 to vector<16xi32>
        %ne3A_350 = arith.cmpi ne, %rem3A_347, %ne3A_349 : vector<16xi32>
        %lt3A_351 = arith.constant 0 : i32
        %lt3A_352 = vector.broadcast %lt3A_351 : i32 to vector<16xi32>
        %lt3A_353 = arith.cmpi slt, %rem3A_347, %lt3A_352 : vector<16xi32>
        %lt3A_354 = arith.constant 0 : i32
        %lt3A_355 = arith.cmpi slt, %select_n3A_345, %lt3A_354 : i32
        %ne3A_356 = vector.broadcast %lt3A_355 : i1 to vector<16xi1>
        %ne3A_357 = vector.broadcast %ne3A_356 : vector<16xi1> to vector<16xi1>
        %ne3A_358 = arith.xori %lt3A_353, %ne3A_357 : vector<16xi1>
        %and3A_359 = arith.andi %ne3A_358, %ne3A_350 : vector<16xi1>
        %add3A_360 = vector.broadcast %select_n3A_345 : i32 to vector<16xi32>
        %add3A_361 = arith.addi %rem3A_347, %add3A_360 : vector<16xi32>
        %select_n3A_362 = arith.select %and3A_359, %add3A_361, %rem3A_347 : vector<16xi1>, vector<16xi32>
        %broadcast_in_dim3A_363 = vector.shape_cast %select_n3A_362 : vector<16xi32> to vector<16x1xi32>
        %gather3A_364 = vector.shape_cast %broadcast_in_dim3A_363 : vector<16x1xi32> to vector<16xi32>
        %gather3A_365 = tpu.dynamic_gather %add3A_337[%gather3A_364] in [0] : vector<16xf32>, vector<16xi32> -> vector<16xf32>
        %add3A_366 = arith.addf %add3A_337, %gather3A_365 : vector<16xf32>
        %add3A_367 = arith.constant 1 : i32
        %add3A_368 = vector.broadcast %add3A_367 : i32 to vector<16xi32>
        %add3A_369 = arith.addi %iota3A_279, %add3A_368 : vector<16xi32>
        %jit3A_370 = arith.constant 16 : i32
        %eq3A_371 = arith.constant 0 : i32
        %eq3A_372 = arith.cmpi eq, %jit3A_370, %eq3A_371 : i32
        %jit3A_373 = arith.constant 1 : i32
        %select_n3A_374 = arith.select %eq3A_372, %jit3A_373, %jit3A_370 : i32
        %rem3A_375 = vector.broadcast %select_n3A_374 : i32 to vector<16xi32>
        %rem3A_376 = arith.remsi %add3A_369, %rem3A_375 : vector<16xi32>
        %ne3A_377 = arith.constant 0 : i32
        %ne3A_378 = vector.broadcast %ne3A_377 : i32 to vector<16xi32>
        %ne3A_379 = arith.cmpi ne, %rem3A_376, %ne3A_378 : vector<16xi32>
        %lt3A_380 = arith.constant 0 : i32
        %lt3A_381 = vector.broadcast %lt3A_380 : i32 to vector<16xi32>
        %lt3A_382 = arith.cmpi slt, %rem3A_376, %lt3A_381 : vector<16xi32>
        %lt3A_383 = arith.constant 0 : i32
        %lt3A_384 = arith.cmpi slt, %select_n3A_374, %lt3A_383 : i32
        %ne3A_385 = vector.broadcast %lt3A_384 : i1 to vector<16xi1>
        %ne3A_386 = vector.broadcast %ne3A_385 : vector<16xi1> to vector<16xi1>
        %ne3A_387 = arith.xori %lt3A_382, %ne3A_386 : vector<16xi1>
        %and3A_388 = arith.andi %ne3A_387, %ne3A_379 : vector<16xi1>
        %add3A_389 = vector.broadcast %select_n3A_374 : i32 to vector<16xi32>
        %add3A_390 = arith.addi %rem3A_376, %add3A_389 : vector<16xi32>
        %select_n3A_391 = arith.select %and3A_388, %add3A_390, %rem3A_376 : vector<16xi1>, vector<16xi32>
        %broadcast_in_dim3A_392 = vector.shape_cast %select_n3A_391 : vector<16xi32> to vector<16x1xi32>
        %gather3A_393 = vector.shape_cast %broadcast_in_dim3A_392 : vector<16x1xi32> to vector<16xi32>
        %gather3A_394 = tpu.dynamic_gather %add3A_366[%gather3A_393] in [0] : vector<16xf32>, vector<16xi32> -> vector<16xf32>
        %add3A_395 = arith.addf %add3A_366, %gather3A_394 : vector<16xf32>
        %exp3A = math.exp %add3A_275 : vector<16xf32>
        %exp3A_396 = math.exp %add3A_395 : vector<16xf32>
        %mul3A_397 = arith.mulf %get3A_115, %exp3A : vector<16xf32>
        %swap3A = arith.index_cast %scan3A_100 : i32 to index
        %swap3A_398 = arith.constant 0 : index
        %swap3A_399 = tpu.vector_load %arg11[%swap3A, %swap3A_398] {strides = array<i32>} : memref<128x128xf32, #tpu.memory_space<vmem>>, vector<1x16xf32>,
        %swap3A_400 = vector.shape_cast %swap3A_399 : vector<1x16xf32> to vector<16xf32>
        %swap3A_401 = vector.shape_cast %mul3A_397 : vector<16xf32> to vector<1x16xf32>
        tpu.vector_store %arg11[%swap3A, %swap3A_398], %swap3A_401 {strides = array<i32>} : memref<128x128xf32, #tpu.memory_space<vmem>>, vector<1x16xf32>,
        %mul3A_402 = arith.mulf %get3A_119, %exp3A : vector<16xf32>
        %swap3A_403 = arith.index_cast %scan3A_100 : i32 to index
        %swap3A_404 = arith.constant 16 : index
        %swap3A_405 = tpu.vector_load %arg11[%swap3A_403, %swap3A_404] {strides = array<i32>} : memref<128x128xf32, #tpu.memory_space<vmem>>, vector<1x16xf32>,
        %swap3A_406 = vector.shape_cast %swap3A_405 : vector<1x16xf32> to vector<16xf32>
        %swap3A_407 = vector.shape_cast %mul3A_402 : vector<16xf32> to vector<1x16xf32>
        tpu.vector_store %arg11[%swap3A_403, %swap3A_404], %swap3A_407 {strides = array<i32>} : memref<128x128xf32, #tpu.memory_space<vmem>>, vector<1x16xf32>,
        %mul3A_408 = arith.mulf %get3A_123, %exp3A_396 : vector<16xf32>
        %swap3A_409 = arith.index_cast %scan3A_100 : i32 to index
        %swap3A_410 = arith.constant 32 : index
        %swap3A_411 = tpu.vector_load %arg11[%swap3A_409, %swap3A_410] {strides = array<i32>} : memref<128x128xf32, #tpu.memory_space<vmem>>, vector<1x16xf32>,
        %swap3A_412 = vector.shape_cast %swap3A_411 : vector<1x16xf32> to vector<16xf32>
        %swap3A_413 = vector.shape_cast %mul3A_408 : vector<16xf32> to vector<1x16xf32>
        tpu.vector_store %arg11[%swap3A_409, %swap3A_410], %swap3A_413 {strides = array<i32>} : memref<128x128xf32, #tpu.memory_space<vmem>>, vector<1x16xf32>,
        %mul3A_414 = arith.mulf %get3A_127, %exp3A_396 : vector<16xf32>
        %swap3A_415 = arith.index_cast %scan3A_100 : i32 to index
        %swap3A_416 = arith.constant 48 : index
        %swap3A_417 = tpu.vector_load %arg11[%swap3A_415, %swap3A_416] {strides = array<i32>} : memref<128x128xf32, #tpu.memory_space<vmem>>, vector<1x16xf32>,
        %swap3A_418 = vector.shape_cast %swap3A_417 : vector<1x16xf32> to vector<16xf32>
        %swap3A_419 = vector.shape_cast %mul3A_414 : vector<16xf32> to vector<1x16xf32>
        tpu.vector_store %arg11[%swap3A_415, %swap3A_416], %swap3A_419 {strides = array<i32>} : memref<128x128xf32, #tpu.memory_space<vmem>>, vector<1x16xf32>,
        %iota3A_420 = tpu.iota {dimensions = array<i32: 0>} : vector<16xi32>
        %eq3A_421 = arith.constant 0 : i32
        %eq3A_422 = vector.broadcast %eq3A_421 : i32 to vector<16xi32>
        %eq3A_423 = arith.cmpi eq, %iota3A_420, %eq3A_422 : vector<16xi32>
        %eq3A_424 = arith.constant 1 : i32
        %eq3A_425 = vector.broadcast %eq3A_424 : i32 to vector<16xi32>
        %eq3A_426 = arith.cmpi eq, %iota3A_420, %eq3A_425 : vector<16xi32>
        %broadcast_in_dim3A_427 = arith.constant 0.000000e+00 : f32
        %broadcast_in_dim3A_428 = vector.broadcast %broadcast_in_dim3A_427 : f32 to vector<16xf32>
        %select_n3A_429 = arith.select %eq3A_426, %exp3A_396, %broadcast_in_dim3A_428 : vector<16xi1>, vector<16xf32>
        %select_n3A_430 = arith.select %eq3A_423, %exp3A, %select_n3A_429 : vector<16xi1>, vector<16xf32>
        %swap3A_431 = arith.index_cast %scan3A_100 : i32 to index
        %swap3A_432 = arith.constant 64 : index
        %swap3A_433 = tpu.vector_load %arg11[%swap3A_431, %swap3A_432] {strides = array<i32>} : memref<128x128xf32, #tpu.memory_space<vmem>>, vector<1x16xf32>,
        %swap3A_434 = vector.shape_cast %swap3A_433 : vector<1x16xf32> to vector<16xf32>
        %swap3A_435 = vector.shape_cast %select_n3A_430 : vector<16xf32> to vector<1x16xf32>
        tpu.vector_store %arg11[%swap3A_431, %swap3A_432], %swap3A_435 {strides = array<i32>} : memref<128x128xf32, #tpu.memory_space<vmem>>, vector<1x16xf32>,
      }
      %scan3A_99 = arith.constant 128 : i32
      "tpu.region"() ({
        %run_scoped3A = tpu.sem_alloc : memref<!tpu.dma_semaphore, #tpu.memory_space<semaphore_mem>>
        %dma_start3A_100 = arith.constant 0 : i32
        %dma_start3A_101 = arith.constant 0 : i32
        %dma_start3A_102 = tpu.memref_slice %arg13[%dma_start3A_100, %dma_start3A_101] : memref<10000x128xf32, #tpu.memory_space<vmem_shared>> -> memref<10000x128xf32, #tpu.memory_space<vmem_shared>>
        tpu.enqueue_indirect_dma source(%arg11 : memref<128x128xf32, #tpu.memory_space<vmem>>) target(%dma_start3A_102 : memref<10000x128xf32, #tpu.memory_space<vmem_shared>>) offsets(%arg8 : memref<128xi32, #tpu.memory_space<vmem>>) semaphore(%run_scoped3A : memref<!tpu.dma_semaphore, #tpu.memory_space<semaphore_mem>>) {add = true}
        %dma_wait3A_103 = arith.constant 0 : i32
        %dma_wait3A_104 = arith.constant 0 : i32
        %dma_wait3A_105 = tpu.memref_slice %arg13[%dma_wait3A_103, %dma_wait3A_104] : memref<10000x128xf32, #tpu.memory_space<vmem_shared>> -> memref<10000x128xf32, #tpu.memory_space<vmem_shared>>
        tpu.wait_indirect_dma semaphore(%run_scoped3A : memref<!tpu.dma_semaphore, #tpu.memory_space<semaphore_mem>>) src(%arg11 : memref<128x128xf32, #tpu.memory_space<vmem>>) dst(%dma_wait3A_105 : memref<10000x128xf32, #tpu.memory_space<vmem_shared>>)
        tpu.yield
      }) : () -> ()
    }
    %barrier3A_37 = arith.constant 0 : index
    tpu.barrier barrier_id(%barrier3A_37)
    %mul3A_38 = arith.constant 624 : i32
    %mul3A_39 = arith.muli %arg1, %mul3A_38 : i32
    %add3A_40 = arith.constant 0 : i32
    %add3A_41 = arith.addi %mul3A_39, %add3A_40 : i32
    %mul3A_42 = arith.constant 624 : i32
    %mul3A_43 = arith.muli %arg1, %mul3A_42 : i32
    %add3A_44 = arith.constant 0 : i32
    %add3A_45 = arith.addi %mul3A_43, %add3A_44 : i32
    "tpu.region"() ({
      %run_scoped3A = tpu.sem_alloc : memref<!tpu.dma_semaphore, #tpu.memory_space<semaphore_mem>>
      %dma_start3A = arith.constant 0 : i32
      %dma_start3A_78 = tpu.memref_slice %arg6[%arg0, %add3A_45, %dma_start3A] : memref<2x10000x128xf32, #tpu.memory_space<hbm>> -> memref<1x128x128xf32, #tpu.memory_space<hbm>>
      %dma_start3A_79 = tpu.memref_squeeze %dma_start3A_78 : memref<1x128x128xf32, #tpu.memory_space<hbm>> -> memref<128x128xf32, #tpu.memory_space<hbm>>
      %dma_start3A_80 = arith.constant 0 : i32
      %dma_start3A_81 = tpu.memref_slice %arg13[%add3A_41, %dma_start3A_80] : memref<10000x128xf32, #tpu.memory_space<vmem_shared>> -> memref<128x128xf32, #tpu.memory_space<vmem_shared>>
      tpu.enqueue_dma source(%dma_start3A_81 : memref<128x128xf32, #tpu.memory_space<vmem_shared>>) target(%dma_start3A_79 : memref<128x128xf32, #tpu.memory_space<hbm>>) target_semaphore(%run_scoped3A : memref<!tpu.dma_semaphore, #tpu.memory_space<semaphore_mem>>)
      %dma_wait3A = arith.constant 0 : i32
      %dma_wait3A_82 = tpu.memref_slice %arg6[%arg0, %add3A_45, %dma_wait3A] : memref<2x10000x128xf32, #tpu.memory_space<hbm>> -> memref<1x128x128xf32, #tpu.memory_space<hbm>>
      %dma_wait3A_83 = tpu.memref_squeeze %dma_wait3A_82 : memref<1x128x128xf32, #tpu.memory_space<hbm>> -> memref<128x128xf32, #tpu.memory_space<hbm>>
      %dma_wait3A_84 = arith.constant 0 : i32
      %dma_wait3A_85 = tpu.memref_slice %arg13[%add3A_41, %dma_wait3A_84] : memref<10000x128xf32, #tpu.memory_space<vmem_shared>> -> memref<128x128xf32, #tpu.memory_space<vmem_shared>>
      tpu.wait_dma2 semaphore(%run_scoped3A : memref<!tpu.dma_semaphore, #tpu.memory_space<semaphore_mem>>) src(%dma_wait3A_85 : memref<128x128xf32, #tpu.memory_space<vmem_shared>>) dst(%dma_wait3A_83 : memref<128x128xf32, #tpu.memory_space<hbm>>)
      tpu.yield
    }) : () -> ()
    %mul3A_46 = arith.constant 624 : i32
    %mul3A_47 = arith.muli %arg1, %mul3A_46 : i32
    %add3A_48 = arith.constant 128 : i32
    %add3A_49 = arith.addi %mul3A_47, %add3A_48 : i32
    %mul3A_50 = arith.constant 624 : i32
    %mul3A_51 = arith.muli %arg1, %mul3A_50 : i32
    %add3A_52 = arith.constant 128 : i32
    %add3A_53 = arith.addi %mul3A_51, %add3A_52 : i32
    "tpu.region"() ({
      %run_scoped3A = tpu.sem_alloc : memref<!tpu.dma_semaphore, #tpu.memory_space<semaphore_mem>>
      %dma_start3A = arith.constant 0 : i32
      %dma_start3A_78 = tpu.memref_slice %arg6[%arg0, %add3A_53, %dma_start3A] : memref<2x10000x128xf32, #tpu.memory_space<hbm>> -> memref<1x128x128xf32, #tpu.memory_space<hbm>>
      %dma_start3A_79 = tpu.memref_squeeze %dma_start3A_78 : memref<1x128x128xf32, #tpu.memory_space<hbm>> -> memref<128x128xf32, #tpu.memory_space<hbm>>
      %dma_start3A_80 = arith.constant 0 : i32
      %dma_start3A_81 = tpu.memref_slice %arg13[%add3A_49, %dma_start3A_80] : memref<10000x128xf32, #tpu.memory_space<vmem_shared>> -> memref<128x128xf32, #tpu.memory_space<vmem_shared>>
      tpu.enqueue_dma source(%dma_start3A_81 : memref<128x128xf32, #tpu.memory_space<vmem_shared>>) target(%dma_start3A_79 : memref<128x128xf32, #tpu.memory_space<hbm>>) target_semaphore(%run_scoped3A : memref<!tpu.dma_semaphore, #tpu.memory_space<semaphore_mem>>)
      %dma_wait3A = arith.constant 0 : i32
      %dma_wait3A_82 = tpu.memref_slice %arg6[%arg0, %add3A_53, %dma_wait3A] : memref<2x10000x128xf32, #tpu.memory_space<hbm>> -> memref<1x128x128xf32, #tpu.memory_space<hbm>>
      %dma_wait3A_83 = tpu.memref_squeeze %dma_wait3A_82 : memref<1x128x128xf32, #tpu.memory_space<hbm>> -> memref<128x128xf32, #tpu.memory_space<hbm>>
      %dma_wait3A_84 = arith.constant 0 : i32
      %dma_wait3A_85 = tpu.memref_slice %arg13[%add3A_49, %dma_wait3A_84] : memref<10000x128xf32, #tpu.memory_space<vmem_shared>> -> memref<128x128xf32, #tpu.memory_space<vmem_shared>>
      tpu.wait_dma2 semaphore(%run_scoped3A : memref<!tpu.dma_semaphore, #tpu.memory_space<semaphore_mem>>) src(%dma_wait3A_85 : memref<128x128xf32, #tpu.memory_space<vmem_shared>>) dst(%dma_wait3A_83 : memref<128x128xf32, #tpu.memory_space<hbm>>)
      tpu.yield
    }) : () -> ()
    %mul3A_54 = arith.constant 624 : i32
    %mul3A_55 = arith.muli %arg1, %mul3A_54 : i32
    %add3A_56 = arith.constant 256 : i32
    %add3A_57 = arith.addi %mul3A_55, %add3A_56 : i32
    %mul3A_58 = arith.constant 624 : i32
    %mul3A_59 = arith.muli %arg1, %mul3A_58 : i32
    %add3A_60 = arith.constant 256 : i32
    %add3A_61 = arith.addi %mul3A_59, %add3A_60 : i32
    "tpu.region"() ({
      %run_scoped3A = tpu.sem_alloc : memref<!tpu.dma_semaphore, #tpu.memory_space<semaphore_mem>>
      %dma_start3A = arith.constant 0 : i32
      %dma_start3A_78 = tpu.memref_slice %arg6[%arg0, %add3A_61, %dma_start3A] : memref<2x10000x128xf32, #tpu.memory_space<hbm>> -> memref<1x128x128xf32, #tpu.memory_space<hbm>>
      %dma_start3A_79 = tpu.memref_squeeze %dma_start3A_78 : memref<1x128x128xf32, #tpu.memory_space<hbm>> -> memref<128x128xf32, #tpu.memory_space<hbm>>
      %dma_start3A_80 = arith.constant 0 : i32
      %dma_start3A_81 = tpu.memref_slice %arg13[%add3A_57, %dma_start3A_80] : memref<10000x128xf32, #tpu.memory_space<vmem_shared>> -> memref<128x128xf32, #tpu.memory_space<vmem_shared>>
      tpu.enqueue_dma source(%dma_start3A_81 : memref<128x128xf32, #tpu.memory_space<vmem_shared>>) target(%dma_start3A_79 : memref<128x128xf32, #tpu.memory_space<hbm>>) target_semaphore(%run_scoped3A : memref<!tpu.dma_semaphore, #tpu.memory_space<semaphore_mem>>)
      %dma_wait3A = arith.constant 0 : i32
      %dma_wait3A_82 = tpu.memref_slice %arg6[%arg0, %add3A_61, %dma_wait3A] : memref<2x10000x128xf32, #tpu.memory_space<hbm>> -> memref<1x128x128xf32, #tpu.memory_space<hbm>>
      %dma_wait3A_83 = tpu.memref_squeeze %dma_wait3A_82 : memref<1x128x128xf32, #tpu.memory_space<hbm>> -> memref<128x128xf32, #tpu.memory_space<hbm>>
      %dma_wait3A_84 = arith.constant 0 : i32
      %dma_wait3A_85 = tpu.memref_slice %arg13[%add3A_57, %dma_wait3A_84] : memref<10000x128xf32, #tpu.memory_space<vmem_shared>> -> memref<128x128xf32, #tpu.memory_space<vmem_shared>>
      tpu.wait_dma2 semaphore(%run_scoped3A : memref<!tpu.dma_semaphore, #tpu.memory_space<semaphore_mem>>) src(%dma_wait3A_85 : memref<128x128xf32, #tpu.memory_space<vmem_shared>>) dst(%dma_wait3A_83 : memref<128x128xf32, #tpu.memory_space<hbm>>)
      tpu.yield
    }) : () -> ()
    %mul3A_62 = arith.constant 624 : i32
    %mul3A_63 = arith.muli %arg1, %mul3A_62 : i32
    %add3A_64 = arith.constant 384 : i32
    %add3A_65 = arith.addi %mul3A_63, %add3A_64 : i32
    %mul3A_66 = arith.constant 624 : i32
    %mul3A_67 = arith.muli %arg1, %mul3A_66 : i32
    %add3A_68 = arith.constant 384 : i32
    %add3A_69 = arith.addi %mul3A_67, %add3A_68 : i32
    "tpu.region"() ({
      %run_scoped3A = tpu.sem_alloc : memref<!tpu.dma_semaphore, #tpu.memory_space<semaphore_mem>>
      %dma_start3A = arith.constant 0 : i32
      %dma_start3A_78 = tpu.memref_slice %arg6[%arg0, %add3A_69, %dma_start3A] : memref<2x10000x128xf32, #tpu.memory_space<hbm>> -> memref<1x128x128xf32, #tpu.memory_space<hbm>>
      %dma_start3A_79 = tpu.memref_squeeze %dma_start3A_78 : memref<1x128x128xf32, #tpu.memory_space<hbm>> -> memref<128x128xf32, #tpu.memory_space<hbm>>
      %dma_start3A_80 = arith.constant 0 : i32
      %dma_start3A_81 = tpu.memref_slice %arg13[%add3A_65, %dma_start3A_80] : memref<10000x128xf32, #tpu.memory_space<vmem_shared>> -> memref<128x128xf32, #tpu.memory_space<vmem_shared>>
      tpu.enqueue_dma source(%dma_start3A_81 : memref<128x128xf32, #tpu.memory_space<vmem_shared>>) target(%dma_start3A_79 : memref<128x128xf32, #tpu.memory_space<hbm>>) target_semaphore(%run_scoped3A : memref<!tpu.dma_semaphore, #tpu.memory_space<semaphore_mem>>)
      %dma_wait3A = arith.constant 0 : i32
      %dma_wait3A_82 = tpu.memref_slice %arg6[%arg0, %add3A_69, %dma_wait3A] : memref<2x10000x128xf32, #tpu.memory_space<hbm>> -> memref<1x128x128xf32, #tpu.memory_space<hbm>>
      %dma_wait3A_83 = tpu.memref_squeeze %dma_wait3A_82 : memref<1x128x128xf32, #tpu.memory_space<hbm>> -> memref<128x128xf32, #tpu.memory_space<hbm>>
      %dma_wait3A_84 = arith.constant 0 : i32
      %dma_wait3A_85 = tpu.memref_slice %arg13[%add3A_65, %dma_wait3A_84] : memref<10000x128xf32, #tpu.memory_space<vmem_shared>> -> memref<128x128xf32, #tpu.memory_space<vmem_shared>>
      tpu.wait_dma2 semaphore(%run_scoped3A : memref<!tpu.dma_semaphore, #tpu.memory_space<semaphore_mem>>) src(%dma_wait3A_85 : memref<128x128xf32, #tpu.memory_space<vmem_shared>>) dst(%dma_wait3A_83 : memref<128x128xf32, #tpu.memory_space<hbm>>)
      tpu.yield
    }) : () -> ()
    %mul3A_70 = arith.constant 624 : i32
    %mul3A_71 = arith.muli %arg1, %mul3A_70 : i32
    %add3A_72 = arith.constant 512 : i32
    %add3A_73 = arith.addi %mul3A_71, %add3A_72 : i32
    %mul3A_74 = arith.constant 624 : i32
    %mul3A_75 = arith.muli %arg1, %mul3A_74 : i32
    %add3A_76 = arith.constant 512 : i32
    %add3A_77 = arith.addi %mul3A_75, %add3A_76 : i32
    "tpu.region"() ({
      %run_scoped3A = tpu.sem_alloc : memref<!tpu.dma_semaphore, #tpu.memory_space<semaphore_mem>>
      %dma_start3A = arith.constant 0 : i32
      %dma_start3A_78 = tpu.memref_slice %arg6[%arg0, %add3A_77, %dma_start3A] : memref<2x10000x128xf32, #tpu.memory_space<hbm>> -> memref<1x128x128xf32, #tpu.memory_space<hbm>>
      %dma_start3A_79 = tpu.memref_squeeze %dma_start3A_78 : memref<1x128x128xf32, #tpu.memory_space<hbm>> -> memref<128x128xf32, #tpu.memory_space<hbm>>
      %dma_start3A_80 = arith.constant 0 : i32
      %dma_start3A_81 = tpu.memref_slice %arg13[%add3A_73, %dma_start3A_80] : memref<10000x128xf32, #tpu.memory_space<vmem_shared>> -> memref<128x128xf32, #tpu.memory_space<vmem_shared>>
      tpu.enqueue_dma source(%dma_start3A_81 : memref<128x128xf32, #tpu.memory_space<vmem_shared>>) target(%dma_start3A_79 : memref<128x128xf32, #tpu.memory_space<hbm>>) target_semaphore(%run_scoped3A : memref<!tpu.dma_semaphore, #tpu.memory_space<semaphore_mem>>)
      %dma_wait3A = arith.constant 0 : i32
      %dma_wait3A_82 = tpu.memref_slice %arg6[%arg0, %add3A_77, %dma_wait3A] : memref<2x10000x128xf32, #tpu.memory_space<hbm>> -> memref<1x128x128xf32, #tpu.memory_space<hbm>>
      %dma_wait3A_83 = tpu.memref_squeeze %dma_wait3A_82 : memref<1x128x128xf32, #tpu.memory_space<hbm>> -> memref<128x128xf32, #tpu.memory_space<hbm>>
      %dma_wait3A_84 = arith.constant 0 : i32
      %dma_wait3A_85 = tpu.memref_slice %arg13[%add3A_73, %dma_wait3A_84] : memref<10000x128xf32, #tpu.memory_space<vmem_shared>> -> memref<128x128xf32, #tpu.memory_space<vmem_shared>>
      tpu.wait_dma2 semaphore(%run_scoped3A : memref<!tpu.dma_semaphore, #tpu.memory_space<semaphore_mem>>) src(%dma_wait3A_85 : memref<128x128xf32, #tpu.memory_space<vmem_shared>>) dst(%dma_wait3A_83 : memref<128x128xf32, #tpu.memory_space<hbm>>)
      tpu.yield
    }) : () -> ()
    return
  }
}

#map = affine_map<(d0, d1) -> (0, 0)>
#map1 = affine_map<(d0, d1) -> (0)>
#map2 = affine_map<(d0, d1) -> (0, 0, 0)>
module attributes {stable_mosaic.version = 14 : i64} {
  func.func @_edge_pass(%arg0: i32, %arg1: i32, %arg2: memref<10000x128xf32, #tpu.memory_space<hbm>>, %arg3: memref<320000xi32, #tpu.memory_space<hbm>>, %arg4: memref<320000xi32, #tpu.memory_space<hbm>>, %arg5: memref<64xf32, #tpu.memory_space<hbm>>, %arg6: memref<2x10000x128xf32, #tpu.memory_space<hbm>>, %arg7: memref<128xi32, #tpu.memory_space<vmem>>, %arg8: memref<128xi32, #tpu.memory_space<vmem>>, %arg9: memref<128x128xf32, #tpu.memory_space<vmem>>, %arg10: memref<128x128xf32, #tpu.memory_space<vmem>>, %arg11: memref<128x128xf32, #tpu.memory_space<vmem>>, %arg12: memref<64xf32, #tpu.memory_space<vmem>>, %arg13: memref<10000x128xf32, #tpu.memory_space<vmem_shared>>, %arg14: memref<!tpu.dma_semaphore, #tpu.memory_space<semaphore_mem>>, %arg15: memref<!tpu.dma_semaphore, #tpu.memory_space<semaphore_mem>>) attributes {dimension_semantics = [#tpu.dimension_semantics<core_parallel>, #tpu.dimension_semantics<subcore_parallel>], iteration_bounds = array<i64: 2, 16>, scalar_prefetch = 0 : i64, scratch_operands = 9 : i64, tpu.core_type = #tpu.core_type<sc_vector_subcore>, window_params = [{transform_indices = #map}, {transform_indices = #map1}, {transform_indices = #map1}, {transform_indices = #map1}, {transform_indices = #map2}]} {
    %mul3A = arith.constant 2 : i32
    %mul3A_0 = arith.muli %arg1, %mul3A : i32
    %add3A = arith.addi %mul3A_0, %arg0 : i32
    %scan3A = arith.constant 0 : i32
    %scan3A_1 = arith.constant 0 : i32
    %scan3A_2 = arith.constant 128 : i32
    %scan3A_3 = arith.addi %scan3A_1, %scan3A_2 : i32
    %scan3A_4 = arith.constant 1 : i32
    scf.for %scan3A_78 = %scan3A_1 to %scan3A_3 step %scan3A_4  : i32 {
      %broadcast_in_dim3A = arith.constant 0.000000e+00 : f32
      %broadcast_in_dim3A_79 = vector.broadcast %broadcast_in_dim3A : f32 to vector<16xf32>
      %swap3A = arith.index_cast %scan3A_78 : i32 to index
      %swap3A_80 = arith.constant 0 : index
      %swap3A_81 = tpu.vector_load %arg11[%swap3A, %swap3A_80] {strides = array<i32>} : memref<128x128xf32, #tpu.memory_space<vmem>>, vector<1x16xf32>,
      %swap3A_82 = vector.shape_cast %swap3A_81 : vector<1x16xf32> to vector<16xf32>
      %swap3A_83 = vector.shape_cast %broadcast_in_dim3A_79 : vector<16xf32> to vector<1x16xf32>
      tpu.vector_store %arg11[%swap3A, %swap3A_80], %swap3A_83 {strides = array<i32>} : memref<128x128xf32, #tpu.memory_space<vmem>>, vector<1x16xf32>,
      %broadcast_in_dim3A_84 = arith.constant 0.000000e+00 : f32
      %broadcast_in_dim3A_85 = vector.broadcast %broadcast_in_dim3A_84 : f32 to vector<16xf32>
      %swap3A_86 = arith.index_cast %scan3A_78 : i32 to index
      %swap3A_87 = arith.constant 16 : index
      %swap3A_88 = tpu.vector_load %arg11[%swap3A_86, %swap3A_87] {strides = array<i32>} : memref<128x128xf32, #tpu.memory_space<vmem>>, vector<1x16xf32>,
      %swap3A_89 = vector.shape_cast %swap3A_88 : vector<1x16xf32> to vector<16xf32>
      %swap3A_90 = vector.shape_cast %broadcast_in_dim3A_85 : vector<16xf32> to vector<1x16xf32>
      tpu.vector_store %arg11[%swap3A_86, %swap3A_87], %swap3A_90 {strides = array<i32>} : memref<128x128xf32, #tpu.memory_space<vmem>>, vector<1x16xf32>,
      %broadcast_in_dim3A_91 = arith.constant 0.000000e+00 : f32
      %broadcast_in_dim3A_92 = vector.broadcast %broadcast_in_dim3A_91 : f32 to vector<16xf32>
      %swap3A_93 = arith.index_cast %scan3A_78 : i32 to index
      %swap3A_94 = arith.constant 32 : index
      %swap3A_95 = tpu.vector_load %arg11[%swap3A_93, %swap3A_94] {strides = array<i32>} : memref<128x128xf32, #tpu.memory_space<vmem>>, vector<1x16xf32>,
      %swap3A_96 = vector.shape_cast %swap3A_95 : vector<1x16xf32> to vector<16xf32>
      %swap3A_97 = vector.shape_cast %broadcast_in_dim3A_92 : vector<16xf32> to vector<1x16xf32>
      tpu.vector_store %arg11[%swap3A_93, %swap3A_94], %swap3A_97 {strides = array<i32>} : memref<128x128xf32, #tpu.memory_space<vmem>>, vector<1x16xf32>,
      %broadcast_in_dim3A_98 = arith.constant 0.000000e+00 : f32
      %broadcast_in_dim3A_99 = vector.broadcast %broadcast_in_dim3A_98 : f32 to vector<16xf32>
      %swap3A_100 = arith.index_cast %scan3A_78 : i32 to index
      %swap3A_101 = arith.constant 48 : index
      %swap3A_102 = tpu.vector_load %arg11[%swap3A_100, %swap3A_101] {strides = array<i32>} : memref<128x128xf32, #tpu.memory_space<vmem>>, vector<1x16xf32>,
      %swap3A_103 = vector.shape_cast %swap3A_102 : vector<1x16xf32> to vector<16xf32>
      %swap3A_104 = vector.shape_cast %broadcast_in_dim3A_99 : vector<16xf32> to vector<1x16xf32>
      tpu.vector_store %arg11[%swap3A_100, %swap3A_101], %swap3A_104 {strides = array<i32>} : memref<128x128xf32, #tpu.memory_space<vmem>>, vector<1x16xf32>,
      %broadcast_in_dim3A_105 = arith.constant 0.000000e+00 : f32
      %broadcast_in_dim3A_106 = vector.broadcast %broadcast_in_dim3A_105 : f32 to vector<16xf32>
      %swap3A_107 = arith.index_cast %scan3A_78 : i32 to index
      %swap3A_108 = arith.constant 64 : index
      %swap3A_109 = tpu.vector_load %arg11[%swap3A_107, %swap3A_108] {strides = array<i32>} : memref<128x128xf32, #tpu.memory_space<vmem>>, vector<1x16xf32>,
      %swap3A_110 = vector.shape_cast %swap3A_109 : vector<1x16xf32> to vector<16xf32>
      %swap3A_111 = vector.shape_cast %broadcast_in_dim3A_106 : vector<16xf32> to vector<1x16xf32>
      tpu.vector_store %arg11[%swap3A_107, %swap3A_108], %swap3A_111 {strides = array<i32>} : memref<128x128xf32, #tpu.memory_space<vmem>>, vector<1x16xf32>,
      %broadcast_in_dim3A_112 = arith.constant 0.000000e+00 : f32
      %broadcast_in_dim3A_113 = vector.broadcast %broadcast_in_dim3A_112 : f32 to vector<16xf32>
      %swap3A_114 = arith.index_cast %scan3A_78 : i32 to index
      %swap3A_115 = arith.constant 80 : index
      %swap3A_116 = tpu.vector_load %arg11[%swap3A_114, %swap3A_115] {strides = array<i32>} : memref<128x128xf32, #tpu.memory_space<vmem>>, vector<1x16xf32>,
      %swap3A_117 = vector.shape_cast %swap3A_116 : vector<1x16xf32> to vector<16xf32>
      %swap3A_118 = vector.shape_cast %broadcast_in_dim3A_113 : vector<16xf32> to vector<1x16xf32>
      tpu.vector_store %arg11[%swap3A_114, %swap3A_115], %swap3A_118 {strides = array<i32>} : memref<128x128xf32, #tpu.memory_space<vmem>>, vector<1x16xf32>,
      %broadcast_in_dim3A_119 = arith.constant 0.000000e+00 : f32
      %broadcast_in_dim3A_120 = vector.broadcast %broadcast_in_dim3A_119 : f32 to vector<16xf32>
      %swap3A_121 = arith.index_cast %scan3A_78 : i32 to index
      %swap3A_122 = arith.constant 96 : index
      %swap3A_123 = tpu.vector_load %arg11[%swap3A_121, %swap3A_122] {strides = array<i32>} : memref<128x128xf32, #tpu.memory_space<vmem>>, vector<1x16xf32>,
      %swap3A_124 = vector.shape_cast %swap3A_123 : vector<1x16xf32> to vector<16xf32>
      %swap3A_125 = vector.shape_cast %broadcast_in_dim3A_120 : vector<16xf32> to vector<1x16xf32>
      tpu.vector_store %arg11[%swap3A_121, %swap3A_122], %swap3A_125 {strides = array<i32>} : memref<128x128xf32, #tpu.memory_space<vmem>>, vector<1x16xf32>,
      %broadcast_in_dim3A_126 = arith.constant 0.000000e+00 : f32
      %broadcast_in_dim3A_127 = vector.broadcast %broadcast_in_dim3A_126 : f32 to vector<16xf32>
      %swap3A_128 = arith.index_cast %scan3A_78 : i32 to index
      %swap3A_129 = arith.constant 112 : index
      %swap3A_130 = tpu.vector_load %arg11[%swap3A_128, %swap3A_129] {strides = array<i32>} : memref<128x128xf32, #tpu.memory_space<vmem>>, vector<1x16xf32>,
      %swap3A_131 = vector.shape_cast %swap3A_130 : vector<1x16xf32> to vector<16xf32>
      %swap3A_132 = vector.shape_cast %broadcast_in_dim3A_127 : vector<16xf32> to vector<1x16xf32>
      tpu.vector_store %arg11[%swap3A_128, %swap3A_129], %swap3A_132 {strides = array<i32>} : memref<128x128xf32, #tpu.memory_space<vmem>>, vector<1x16xf32>,
    }
    %scan3A_5 = arith.constant 128 : i32
    %mul3A_6 = arith.constant 624 : i32
    %mul3A_7 = arith.muli %arg1, %mul3A_6 : i32
    %add3A_8 = arith.constant 0 : i32
    %add3A_9 = arith.addi %mul3A_7, %add3A_8 : i32
    "tpu.region"() ({
      %run_scoped3A = tpu.sem_alloc : memref<!tpu.dma_semaphore, #tpu.memory_space<semaphore_mem>>
      %dma_start3A = arith.constant 0 : i32
      %dma_start3A_78 = arith.constant 0 : i32
      %dma_start3A_79 = tpu.memref_slice %arg11[%dma_start3A, %dma_start3A_78] : memref<128x128xf32, #tpu.memory_space<vmem>> -> memref<128x128xf32, #tpu.memory_space<vmem>>
      %dma_start3A_80 = arith.constant 0 : i32
      %dma_start3A_81 = tpu.memref_slice %arg13[%add3A_9, %dma_start3A_80] : memref<10000x128xf32, #tpu.memory_space<vmem_shared>> -> memref<128x128xf32, #tpu.memory_space<vmem_shared>>
      %dma_start3A_82 = arith.constant 0 : i32
      %dma_start3A_83 = tpu.memref_slice %arg13[%add3A_9, %dma_start3A_82] : memref<10000x128xf32, #tpu.memory_space<vmem_shared>> -> memref<128x128xf32, #tpu.memory_space<vmem_shared>>
      %dma_start3A_84 = arith.constant 0 : i32
      %dma_start3A_85 = arith.constant 0 : i32
      %dma_start3A_86 = tpu.memref_slice %arg11[%dma_start3A_84, %dma_start3A_85] : memref<128x128xf32, #tpu.memory_space<vmem>> -> memref<128x128xf32, #tpu.memory_space<vmem>>
      tpu.enqueue_dma source(%dma_start3A_86 : memref<128x128xf32, #tpu.memory_space<vmem>>) target(%dma_start3A_83 : memref<128x128xf32, #tpu.memory_space<vmem_shared>>) target_semaphore(%run_scoped3A : memref<!tpu.dma_semaphore, #tpu.memory_space<semaphore_mem>>)
      %dma_wait3A = arith.constant 0 : i32
      %dma_wait3A_87 = arith.constant 0 : i32
      %dma_wait3A_88 = tpu.memref_slice %arg11[%dma_wait3A, %dma_wait3A_87] : memref<128x128xf32, #tpu.memory_space<vmem>> -> memref<128x128xf32, #tpu.memory_space<vmem>>
      %dma_wait3A_89 = arith.constant 0 : i32
      %dma_wait3A_90 = tpu.memref_slice %arg13[%add3A_9, %dma_wait3A_89] : memref<10000x128xf32, #tpu.memory_space<vmem_shared>> -> memref<128x128xf32, #tpu.memory_space<vmem_shared>>
      %dma_wait3A_91 = arith.constant 0 : i32
      %dma_wait3A_92 = tpu.memref_slice %arg13[%add3A_9, %dma_wait3A_91] : memref<10000x128xf32, #tpu.memory_space<vmem_shared>> -> memref<128x128xf32, #tpu.memory_space<vmem_shared>>
      %dma_wait3A_93 = arith.constant 0 : i32
      %dma_wait3A_94 = arith.constant 0 : i32
      %dma_wait3A_95 = tpu.memref_slice %arg11[%dma_wait3A_93, %dma_wait3A_94] : memref<128x128xf32, #tpu.memory_space<vmem>> -> memref<128x128xf32, #tpu.memory_space<vmem>>
      tpu.wait_dma2 semaphore(%run_scoped3A : memref<!tpu.dma_semaphore, #tpu.memory_space<semaphore_mem>>) src(%dma_wait3A_95 : memref<128x128xf32, #tpu.memory_space<vmem>>) dst(%dma_wait3A_92 : memref<128x128xf32, #tpu.memory_space<vmem_shared>>)
      tpu.yield
    }) : () -> ()
    %mul3A_10 = arith.constant 624 : i32
    %mul3A_11 = arith.muli %arg1, %mul3A_10 : i32
    %add3A_12 = arith.constant 128 : i32
    %add3A_13 = arith.addi %mul3A_11, %add3A_12 : i32
    "tpu.region"() ({
      %run_scoped3A = tpu.sem_alloc : memref<!tpu.dma_semaphore, #tpu.memory_space<semaphore_mem>>
      %dma_start3A = arith.constant 0 : i32
      %dma_start3A_78 = arith.constant 0 : i32
      %dma_start3A_79 = tpu.memref_slice %arg11[%dma_start3A, %dma_start3A_78] : memref<128x128xf32, #tpu.memory_space<vmem>> -> memref<128x128xf32, #tpu.memory_space<vmem>>
      %dma_start3A_80 = arith.constant 0 : i32
      %dma_start3A_81 = tpu.memref_slice %arg13[%add3A_13, %dma_start3A_80] : memref<10000x128xf32, #tpu.memory_space<vmem_shared>> -> memref<128x128xf32, #tpu.memory_space<vmem_shared>>
      %dma_start3A_82 = arith.constant 0 : i32
      %dma_start3A_83 = tpu.memref_slice %arg13[%add3A_13, %dma_start3A_82] : memref<10000x128xf32, #tpu.memory_space<vmem_shared>> -> memref<128x128xf32, #tpu.memory_space<vmem_shared>>
      %dma_start3A_84 = arith.constant 0 : i32
      %dma_start3A_85 = arith.constant 0 : i32
      %dma_start3A_86 = tpu.memref_slice %arg11[%dma_start3A_84, %dma_start3A_85] : memref<128x128xf32, #tpu.memory_space<vmem>> -> memref<128x128xf32, #tpu.memory_space<vmem>>
      tpu.enqueue_dma source(%dma_start3A_86 : memref<128x128xf32, #tpu.memory_space<vmem>>) target(%dma_start3A_83 : memref<128x128xf32, #tpu.memory_space<vmem_shared>>) target_semaphore(%run_scoped3A : memref<!tpu.dma_semaphore, #tpu.memory_space<semaphore_mem>>)
      %dma_wait3A = arith.constant 0 : i32
      %dma_wait3A_87 = arith.constant 0 : i32
      %dma_wait3A_88 = tpu.memref_slice %arg11[%dma_wait3A, %dma_wait3A_87] : memref<128x128xf32, #tpu.memory_space<vmem>> -> memref<128x128xf32, #tpu.memory_space<vmem>>
      %dma_wait3A_89 = arith.constant 0 : i32
      %dma_wait3A_90 = tpu.memref_slice %arg13[%add3A_13, %dma_wait3A_89] : memref<10000x128xf32, #tpu.memory_space<vmem_shared>> -> memref<128x128xf32, #tpu.memory_space<vmem_shared>>
      %dma_wait3A_91 = arith.constant 0 : i32
      %dma_wait3A_92 = tpu.memref_slice %arg13[%add3A_13, %dma_wait3A_91] : memref<10000x128xf32, #tpu.memory_space<vmem_shared>> -> memref<128x128xf32, #tpu.memory_space<vmem_shared>>
      %dma_wait3A_93 = arith.constant 0 : i32
      %dma_wait3A_94 = arith.constant 0 : i32
      %dma_wait3A_95 = tpu.memref_slice %arg11[%dma_wait3A_93, %dma_wait3A_94] : memref<128x128xf32, #tpu.memory_space<vmem>> -> memref<128x128xf32, #tpu.memory_space<vmem>>
      tpu.wait_dma2 semaphore(%run_scoped3A : memref<!tpu.dma_semaphore, #tpu.memory_space<semaphore_mem>>) src(%dma_wait3A_95 : memref<128x128xf32, #tpu.memory_space<vmem>>) dst(%dma_wait3A_92 : memref<128x128xf32, #tpu.memory_space<vmem_shared>>)
      tpu.yield
    }) : () -> ()
    %mul3A_14 = arith.constant 624 : i32
    %mul3A_15 = arith.muli %arg1, %mul3A_14 : i32
    %add3A_16 = arith.constant 256 : i32
    %add3A_17 = arith.addi %mul3A_15, %add3A_16 : i32
    "tpu.region"() ({
      %run_scoped3A = tpu.sem_alloc : memref<!tpu.dma_semaphore, #tpu.memory_space<semaphore_mem>>
      %dma_start3A = arith.constant 0 : i32
      %dma_start3A_78 = arith.constant 0 : i32
      %dma_start3A_79 = tpu.memref_slice %arg11[%dma_start3A, %dma_start3A_78] : memref<128x128xf32, #tpu.memory_space<vmem>> -> memref<128x128xf32, #tpu.memory_space<vmem>>
      %dma_start3A_80 = arith.constant 0 : i32
      %dma_start3A_81 = tpu.memref_slice %arg13[%add3A_17, %dma_start3A_80] : memref<10000x128xf32, #tpu.memory_space<vmem_shared>> -> memref<128x128xf32, #tpu.memory_space<vmem_shared>>
      %dma_start3A_82 = arith.constant 0 : i32
      %dma_start3A_83 = tpu.memref_slice %arg13[%add3A_17, %dma_start3A_82] : memref<10000x128xf32, #tpu.memory_space<vmem_shared>> -> memref<128x128xf32, #tpu.memory_space<vmem_shared>>
      %dma_start3A_84 = arith.constant 0 : i32
      %dma_start3A_85 = arith.constant 0 : i32
      %dma_start3A_86 = tpu.memref_slice %arg11[%dma_start3A_84, %dma_start3A_85] : memref<128x128xf32, #tpu.memory_space<vmem>> -> memref<128x128xf32, #tpu.memory_space<vmem>>
      tpu.enqueue_dma source(%dma_start3A_86 : memref<128x128xf32, #tpu.memory_space<vmem>>) target(%dma_start3A_83 : memref<128x128xf32, #tpu.memory_space<vmem_shared>>) target_semaphore(%run_scoped3A : memref<!tpu.dma_semaphore, #tpu.memory_space<semaphore_mem>>)
      %dma_wait3A = arith.constant 0 : i32
      %dma_wait3A_87 = arith.constant 0 : i32
      %dma_wait3A_88 = tpu.memref_slice %arg11[%dma_wait3A, %dma_wait3A_87] : memref<128x128xf32, #tpu.memory_space<vmem>> -> memref<128x128xf32, #tpu.memory_space<vmem>>
      %dma_wait3A_89 = arith.constant 0 : i32
      %dma_wait3A_90 = tpu.memref_slice %arg13[%add3A_17, %dma_wait3A_89] : memref<10000x128xf32, #tpu.memory_space<vmem_shared>> -> memref<128x128xf32, #tpu.memory_space<vmem_shared>>
      %dma_wait3A_91 = arith.constant 0 : i32
      %dma_wait3A_92 = tpu.memref_slice %arg13[%add3A_17, %dma_wait3A_91] : memref<10000x128xf32, #tpu.memory_space<vmem_shared>> -> memref<128x128xf32, #tpu.memory_space<vmem_shared>>
      %dma_wait3A_93 = arith.constant 0 : i32
      %dma_wait3A_94 = arith.constant 0 : i32
      %dma_wait3A_95 = tpu.memref_slice %arg11[%dma_wait3A_93, %dma_wait3A_94] : memref<128x128xf32, #tpu.memory_space<vmem>> -> memref<128x128xf32, #tpu.memory_space<vmem>>
      tpu.wait_dma2 semaphore(%run_scoped3A : memref<!tpu.dma_semaphore, #tpu.memory_space<semaphore_mem>>) src(%dma_wait3A_95 : memref<128x128xf32, #tpu.memory_space<vmem>>) dst(%dma_wait3A_92 : memref<128x128xf32, #tpu.memory_space<vmem_shared>>)
      tpu.yield
    }) : () -> ()
    %mul3A_18 = arith.constant 624 : i32
    %mul3A_19 = arith.muli %arg1, %mul3A_18 : i32
    %add3A_20 = arith.constant 384 : i32
    %add3A_21 = arith.addi %mul3A_19, %add3A_20 : i32
    "tpu.region"() ({
      %run_scoped3A = tpu.sem_alloc : memref<!tpu.dma_semaphore, #tpu.memory_space<semaphore_mem>>
      %dma_start3A = arith.constant 0 : i32
      %dma_start3A_78 = arith.constant 0 : i32
      %dma_start3A_79 = tpu.memref_slice %arg11[%dma_start3A, %dma_start3A_78] : memref<128x128xf32, #tpu.memory_space<vmem>> -> memref<128x128xf32, #tpu.memory_space<vmem>>
      %dma_start3A_80 = arith.constant 0 : i32
      %dma_start3A_81 = tpu.memref_slice %arg13[%add3A_21, %dma_start3A_80] : memref<10000x128xf32, #tpu.memory_space<vmem_shared>> -> memref<128x128xf32, #tpu.memory_space<vmem_shared>>
      %dma_start3A_82 = arith.constant 0 : i32
      %dma_start3A_83 = tpu.memref_slice %arg13[%add3A_21, %dma_start3A_82] : memref<10000x128xf32, #tpu.memory_space<vmem_shared>> -> memref<128x128xf32, #tpu.memory_space<vmem_shared>>
      %dma_start3A_84 = arith.constant 0 : i32
      %dma_start3A_85 = arith.constant 0 : i32
      %dma_start3A_86 = tpu.memref_slice %arg11[%dma_start3A_84, %dma_start3A_85] : memref<128x128xf32, #tpu.memory_space<vmem>> -> memref<128x128xf32, #tpu.memory_space<vmem>>
      tpu.enqueue_dma source(%dma_start3A_86 : memref<128x128xf32, #tpu.memory_space<vmem>>) target(%dma_start3A_83 : memref<128x128xf32, #tpu.memory_space<vmem_shared>>) target_semaphore(%run_scoped3A : memref<!tpu.dma_semaphore, #tpu.memory_space<semaphore_mem>>)
      %dma_wait3A = arith.constant 0 : i32
      %dma_wait3A_87 = arith.constant 0 : i32
      %dma_wait3A_88 = tpu.memref_slice %arg11[%dma_wait3A, %dma_wait3A_87] : memref<128x128xf32, #tpu.memory_space<vmem>> -> memref<128x128xf32, #tpu.memory_space<vmem>>
      %dma_wait3A_89 = arith.constant 0 : i32
      %dma_wait3A_90 = tpu.memref_slice %arg13[%add3A_21, %dma_wait3A_89] : memref<10000x128xf32, #tpu.memory_space<vmem_shared>> -> memref<128x128xf32, #tpu.memory_space<vmem_shared>>
      %dma_wait3A_91 = arith.constant 0 : i32
      %dma_wait3A_92 = tpu.memref_slice %arg13[%add3A_21, %dma_wait3A_91] : memref<10000x128xf32, #tpu.memory_space<vmem_shared>> -> memref<128x128xf32, #tpu.memory_space<vmem_shared>>
      %dma_wait3A_93 = arith.constant 0 : i32
      %dma_wait3A_94 = arith.constant 0 : i32
      %dma_wait3A_95 = tpu.memref_slice %arg11[%dma_wait3A_93, %dma_wait3A_94] : memref<128x128xf32, #tpu.memory_space<vmem>> -> memref<128x128xf32, #tpu.memory_space<vmem>>
      tpu.wait_dma2 semaphore(%run_scoped3A : memref<!tpu.dma_semaphore, #tpu.memory_space<semaphore_mem>>) src(%dma_wait3A_95 : memref<128x128xf32, #tpu.memory_space<vmem>>) dst(%dma_wait3A_92 : memref<128x128xf32, #tpu.memory_space<vmem_shared>>)
      tpu.yield
    }) : () -> ()
    %mul3A_22 = arith.constant 624 : i32
    %mul3A_23 = arith.muli %arg1, %mul3A_22 : i32
    %add3A_24 = arith.constant 512 : i32
    %add3A_25 = arith.addi %mul3A_23, %add3A_24 : i32
    "tpu.region"() ({
      %run_scoped3A = tpu.sem_alloc : memref<!tpu.dma_semaphore, #tpu.memory_space<semaphore_mem>>
      %dma_start3A = arith.constant 0 : i32
      %dma_start3A_78 = arith.constant 0 : i32
      %dma_start3A_79 = tpu.memref_slice %arg11[%dma_start3A, %dma_start3A_78] : memref<128x128xf32, #tpu.memory_space<vmem>> -> memref<128x128xf32, #tpu.memory_space<vmem>>
      %dma_start3A_80 = arith.constant 0 : i32
      %dma_start3A_81 = tpu.memref_slice %arg13[%add3A_25, %dma_start3A_80] : memref<10000x128xf32, #tpu.memory_space<vmem_shared>> -> memref<128x128xf32, #tpu.memory_space<vmem_shared>>
      %dma_start3A_82 = arith.constant 0 : i32
      %dma_start3A_83 = tpu.memref_slice %arg13[%add3A_25, %dma_start3A_82] : memref<10000x128xf32, #tpu.memory_space<vmem_shared>> -> memref<128x128xf32, #tpu.memory_space<vmem_shared>>
      %dma_start3A_84 = arith.constant 0 : i32
      %dma_start3A_85 = arith.constant 0 : i32
      %dma_start3A_86 = tpu.memref_slice %arg11[%dma_start3A_84, %dma_start3A_85] : memref<128x128xf32, #tpu.memory_space<vmem>> -> memref<128x128xf32, #tpu.memory_space<vmem>>
      tpu.enqueue_dma source(%dma_start3A_86 : memref<128x128xf32, #tpu.memory_space<vmem>>) target(%dma_start3A_83 : memref<128x128xf32, #tpu.memory_space<vmem_shared>>) target_semaphore(%run_scoped3A : memref<!tpu.dma_semaphore, #tpu.memory_space<semaphore_mem>>)
      %dma_wait3A = arith.constant 0 : i32
      %dma_wait3A_87 = arith.constant 0 : i32
      %dma_wait3A_88 = tpu.memref_slice %arg11[%dma_wait3A, %dma_wait3A_87] : memref<128x128xf32, #tpu.memory_space<vmem>> -> memref<128x128xf32, #tpu.memory_space<vmem>>
      %dma_wait3A_89 = arith.constant 0 : i32
      %dma_wait3A_90 = tpu.memref_slice %arg13[%add3A_25, %dma_wait3A_89] : memref<10000x128xf32, #tpu.memory_space<vmem_shared>> -> memref<128x128xf32, #tpu.memory_space<vmem_shared>>
      %dma_wait3A_91 = arith.constant 0 : i32
      %dma_wait3A_92 = tpu.memref_slice %arg13[%add3A_25, %dma_wait3A_91] : memref<10000x128xf32, #tpu.memory_space<vmem_shared>> -> memref<128x128xf32, #tpu.memory_space<vmem_shared>>
      %dma_wait3A_93 = arith.constant 0 : i32
      %dma_wait3A_94 = arith.constant 0 : i32
      %dma_wait3A_95 = tpu.memref_slice %arg11[%dma_wait3A_93, %dma_wait3A_94] : memref<128x128xf32, #tpu.memory_space<vmem>> -> memref<128x128xf32, #tpu.memory_space<vmem>>
      tpu.wait_dma2 semaphore(%run_scoped3A : memref<!tpu.dma_semaphore, #tpu.memory_space<semaphore_mem>>) src(%dma_wait3A_95 : memref<128x128xf32, #tpu.memory_space<vmem>>) dst(%dma_wait3A_92 : memref<128x128xf32, #tpu.memory_space<vmem_shared>>)
      tpu.yield
    }) : () -> ()
    "tpu.region"() ({
      %run_scoped3A = tpu.sem_alloc : memref<!tpu.dma_semaphore, #tpu.memory_space<semaphore_mem>>
      tpu.enqueue_dma source(%arg5 : memref<64xf32, #tpu.memory_space<hbm>>) target(%arg12 : memref<64xf32, #tpu.memory_space<vmem>>) target_semaphore(%run_scoped3A : memref<!tpu.dma_semaphore, #tpu.memory_space<semaphore_mem>>)
      tpu.wait_dma2 semaphore(%run_scoped3A : memref<!tpu.dma_semaphore, #tpu.memory_space<semaphore_mem>>) src(%arg5 : memref<64xf32, #tpu.memory_space<hbm>>) dst(%arg12 : memref<64xf32, #tpu.memory_space<vmem>>)
      tpu.yield
    }) : () -> ()
    %barrier3A = arith.constant 0 : index
    tpu.barrier barrier_id(%barrier3A)
    %lt3A = arith.constant 4 : i32
    %lt3A_26 = arith.cmpi slt, %add3A, %lt3A : i32
    %jit3A = arith.constant 79 : i32
    %jit3A_27 = arith.constant 78 : i32
    %select_n3A = arith.select %lt3A_26, %jit3A, %jit3A_27 : i32
    %while3A = arith.constant 0 : i32
    %while3A_28 = arith.constant 0 : i32
    %while3A_29 = arith.subi %select_n3A, %while3A_28 : i32
    %while3A_30 = arith.addi %while3A_28, %while3A_29 : i32
    %while3A_31 = arith.constant 1 : i32
    %while3A_32 = arith.divsi %while3A_29, %while3A_31 : i32
    %while3A_33 = arith.muli %while3A_32, %while3A_31 : i32
    %while3A_34 = arith.addi %while3A_28, %while3A_33 : i32
    %while3A_35 = arith.constant 1 : i32
    scf.for %while3A_78 = %while3A_28 to %while3A_34 step %while3A_35  : i32 {
      %mul3A_79 = arith.constant 32 : i32
      %mul3A_80 = arith.muli %while3A_78, %mul3A_79 : i32
      %add3A_81 = arith.addi %add3A, %mul3A_80 : i32
      %mul3A_82 = arith.constant 128 : i32
      %mul3A_83 = arith.muli %add3A_81, %mul3A_82 : i32
      "tpu.region"() ({
        %run_scoped3A = tpu.sem_alloc : memref<!tpu.dma_semaphore, #tpu.memory_space<semaphore_mem>>
        %dma_start3A_100 = tpu.memref_slice %arg3[%mul3A_83] : memref<320000xi32, #tpu.memory_space<hbm>> -> memref<128xi32, #tpu.memory_space<hbm>>
        %dma_start3A_101 = tpu.memref_slice %arg3[%mul3A_83] : memref<320000xi32, #tpu.memory_space<hbm>> -> memref<128xi32, #tpu.memory_space<hbm>>
        tpu.enqueue_dma source(%dma_start3A_101 : memref<128xi32, #tpu.memory_space<hbm>>) target(%arg7 : memref<128xi32, #tpu.memory_space<vmem>>) target_semaphore(%run_scoped3A : memref<!tpu.dma_semaphore, #tpu.memory_space<semaphore_mem>>)
        %dma_wait3A_102 = tpu.memref_slice %arg3[%mul3A_83] : memref<320000xi32, #tpu.memory_space<hbm>> -> memref<128xi32, #tpu.memory_space<hbm>>
        %dma_wait3A_103 = tpu.memref_slice %arg3[%mul3A_83] : memref<320000xi32, #tpu.memory_space<hbm>> -> memref<128xi32, #tpu.memory_space<hbm>>
        tpu.wait_dma2 semaphore(%run_scoped3A : memref<!tpu.dma_semaphore, #tpu.memory_space<semaphore_mem>>) src(%dma_wait3A_103 : memref<128xi32, #tpu.memory_space<hbm>>) dst(%arg7 : memref<128xi32, #tpu.memory_space<vmem>>)
        tpu.yield
      }) : () -> ()
      "tpu.region"() ({
        %run_scoped3A = tpu.sem_alloc : memref<!tpu.dma_semaphore, #tpu.memory_space<semaphore_mem>>
        %dma_start3A_100 = tpu.memref_slice %arg4[%mul3A_83] : memref<320000xi32, #tpu.memory_space<hbm>> -> memref<128xi32, #tpu.memory_space<hbm>>
        %dma_start3A_101 = tpu.memref_slice %arg4[%mul3A_83] : memref<320000xi32, #tpu.memory_space<hbm>> -> memref<128xi32, #tpu.memory_space<hbm>>
        tpu.enqueue_dma source(%dma_start3A_101 : memref<128xi32, #tpu.memory_space<hbm>>) target(%arg8 : memref<128xi32, #tpu.memory_space<vmem>>) target_semaphore(%run_scoped3A : memref<!tpu.dma_semaphore, #tpu.memory_space<semaphore_mem>>)
        %dma_wait3A_102 = tpu.memref_slice %arg4[%mul3A_83] : memref<320000xi32, #tpu.memory_space<hbm>> -> memref<128xi32, #tpu.memory_space<hbm>>
        %dma_wait3A_103 = tpu.memref_slice %arg4[%mul3A_83] : memref<320000xi32, #tpu.memory_space<hbm>> -> memref<128xi32, #tpu.memory_space<hbm>>
        tpu.wait_dma2 semaphore(%run_scoped3A : memref<!tpu.dma_semaphore, #tpu.memory_space<semaphore_mem>>) src(%dma_wait3A_103 : memref<128xi32, #tpu.memory_space<hbm>>) dst(%arg8 : memref<128xi32, #tpu.memory_space<vmem>>)
        tpu.yield
      }) : () -> ()
      %dma_start3A = arith.constant 0 : i32
      %dma_start3A_84 = arith.constant 0 : i32
      %dma_start3A_85 = tpu.memref_slice %arg2[%dma_start3A, %dma_start3A_84] : memref<10000x128xf32, #tpu.memory_space<hbm>> -> memref<10000x128xf32, #tpu.memory_space<hbm>>
      tpu.enqueue_indirect_dma source(%dma_start3A_85 : memref<10000x128xf32, #tpu.memory_space<hbm>>) target(%arg9 : memref<128x128xf32, #tpu.memory_space<vmem>>) offsets(%arg7 : memref<128xi32, #tpu.memory_space<vmem>>) semaphore(%arg14 : memref<!tpu.dma_semaphore, #tpu.memory_space<semaphore_mem>>)
      %dma_start3A_86 = arith.constant 0 : i32
      %dma_start3A_87 = arith.constant 0 : i32
      %dma_start3A_88 = tpu.memref_slice %arg2[%dma_start3A_86, %dma_start3A_87] : memref<10000x128xf32, #tpu.memory_space<hbm>> -> memref<10000x128xf32, #tpu.memory_space<hbm>>
      tpu.enqueue_indirect_dma source(%dma_start3A_88 : memref<10000x128xf32, #tpu.memory_space<hbm>>) target(%arg10 : memref<128x128xf32, #tpu.memory_space<vmem>>) offsets(%arg8 : memref<128xi32, #tpu.memory_space<vmem>>) semaphore(%arg15 : memref<!tpu.dma_semaphore, #tpu.memory_space<semaphore_mem>>)
      %dma_wait3A = arith.constant 0 : i32
      %dma_wait3A_89 = arith.constant 0 : i32
      %dma_wait3A_90 = tpu.memref_slice %arg2[%dma_wait3A, %dma_wait3A_89] : memref<10000x128xf32, #tpu.memory_space<hbm>> -> memref<10000x128xf32, #tpu.memory_space<hbm>>
      tpu.wait_indirect_dma semaphore(%arg14 : memref<!tpu.dma_semaphore, #tpu.memory_space<semaphore_mem>>) src(%dma_wait3A_90 : memref<10000x128xf32, #tpu.memory_space<hbm>>) dst(%arg9 : memref<128x128xf32, #tpu.memory_space<vmem>>)
      %dma_wait3A_91 = arith.constant 0 : i32
      %dma_wait3A_92 = arith.constant 0 : i32
      %dma_wait3A_93 = tpu.memref_slice %arg2[%dma_wait3A_91, %dma_wait3A_92] : memref<10000x128xf32, #tpu.memory_space<hbm>> -> memref<10000x128xf32, #tpu.memory_space<hbm>>
      tpu.wait_indirect_dma semaphore(%arg15 : memref<!tpu.dma_semaphore, #tpu.memory_space<semaphore_mem>>) src(%dma_wait3A_93 : memref<10000x128xf32, #tpu.memory_space<hbm>>) dst(%arg10 : memref<128x128xf32, #tpu.memory_space<vmem>>)
      %scan3A_94 = arith.constant 0 : i32
      %scan3A_95 = arith.constant 0 : i32
      %scan3A_96 = arith.constant 128 : i32
      %scan3A_97 = arith.addi %scan3A_95, %scan3A_96 : i32
      %scan3A_98 = arith.constant 1 : i32
      scf.for %scan3A_100 = %scan3A_95 to %scan3A_97 step %scan3A_98  : i32 {
        %get3A = arith.constant 0 : index
        %get3A_101 = tpu.vector_load %arg12[%get3A] {strides = array<i32>} : memref<64xf32, #tpu.memory_space<vmem>>, vector<16xf32>,
        %get3A_102 = vector.shape_cast %get3A_101 : vector<16xf32> to vector<16xf32>
        %get3A_103 = arith.constant 16 : index
        %get3A_104 = tpu.vector_load %arg12[%get3A_103] {strides = array<i32>} : memref<64xf32, #tpu.memory_space<vmem>>, vector<16xf32>,
        %get3A_105 = vector.shape_cast %get3A_104 : vector<16xf32> to vector<16xf32>
        %get3A_106 = arith.constant 32 : index
        %get3A_107 = tpu.vector_load %arg12[%get3A_106] {strides = array<i32>} : memref<64xf32, #tpu.memory_space<vmem>>, vector<16xf32>,
        %get3A_108 = vector.shape_cast %get3A_107 : vector<16xf32> to vector<16xf32>
        %get3A_109 = arith.constant 48 : index
        %get3A_110 = tpu.vector_load %arg12[%get3A_109] {strides = array<i32>} : memref<64xf32, #tpu.memory_space<vmem>>, vector<16xf32>,
        %get3A_111 = vector.shape_cast %get3A_110 : vector<16xf32> to vector<16xf32>
        %get3A_112 = arith.index_cast %scan3A_100 : i32 to index
        %get3A_113 = arith.constant 0 : index
        %get3A_114 = tpu.vector_load %arg9[%get3A_112, %get3A_113] {strides = array<i32>} : memref<128x128xf32, #tpu.memory_space<vmem>>, vector<1x16xf32>,
        %get3A_115 = vector.shape_cast %get3A_114 : vector<1x16xf32> to vector<16xf32>
        %get3A_116 = arith.index_cast %scan3A_100 : i32 to index
        %get3A_117 = arith.constant 16 : index
        %get3A_118 = tpu.vector_load %arg9[%get3A_116, %get3A_117] {strides = array<i32>} : memref<128x128xf32, #tpu.memory_space<vmem>>, vector<1x16xf32>,
        %get3A_119 = vector.shape_cast %get3A_118 : vector<1x16xf32> to vector<16xf32>
        %get3A_120 = arith.index_cast %scan3A_100 : i32 to index
        %get3A_121 = arith.constant 32 : index
        %get3A_122 = tpu.vector_load %arg9[%get3A_120, %get3A_121] {strides = array<i32>} : memref<128x128xf32, #tpu.memory_space<vmem>>, vector<1x16xf32>,
        %get3A_123 = vector.shape_cast %get3A_122 : vector<1x16xf32> to vector<16xf32>
        %get3A_124 = arith.index_cast %scan3A_100 : i32 to index
        %get3A_125 = arith.constant 48 : index
        %get3A_126 = tpu.vector_load %arg9[%get3A_124, %get3A_125] {strides = array<i32>} : memref<128x128xf32, #tpu.memory_space<vmem>>, vector<1x16xf32>,
        %get3A_127 = vector.shape_cast %get3A_126 : vector<1x16xf32> to vector<16xf32>
        %get3A_128 = arith.index_cast %scan3A_100 : i32 to index
        %get3A_129 = arith.constant 64 : index
        %get3A_130 = tpu.vector_load %arg10[%get3A_128, %get3A_129] {strides = array<i32>} : memref<128x128xf32, #tpu.memory_space<vmem>>, vector<1x16xf32>,
        %get3A_131 = vector.shape_cast %get3A_130 : vector<1x16xf32> to vector<16xf32>
        %get3A_132 = arith.index_cast %scan3A_100 : i32 to index
        %get3A_133 = arith.constant 80 : index
        %get3A_134 = tpu.vector_load %arg10[%get3A_132, %get3A_133] {strides = array<i32>} : memref<128x128xf32, #tpu.memory_space<vmem>>, vector<1x16xf32>,
        %get3A_135 = vector.shape_cast %get3A_134 : vector<1x16xf32> to vector<16xf32>
        %get3A_136 = arith.index_cast %scan3A_100 : i32 to index
        %get3A_137 = arith.constant 96 : index
        %get3A_138 = tpu.vector_load %arg10[%get3A_136, %get3A_137] {strides = array<i32>} : memref<128x128xf32, #tpu.memory_space<vmem>>, vector<1x16xf32>,
        %get3A_139 = vector.shape_cast %get3A_138 : vector<1x16xf32> to vector<16xf32>
        %get3A_140 = arith.index_cast %scan3A_100 : i32 to index
        %get3A_141 = arith.constant 112 : index
        %get3A_142 = tpu.vector_load %arg10[%get3A_140, %get3A_141] {strides = array<i32>} : memref<128x128xf32, #tpu.memory_space<vmem>>, vector<1x16xf32>,
        %get3A_143 = vector.shape_cast %get3A_142 : vector<1x16xf32> to vector<16xf32>
        %add3A_144 = arith.addf %get3A_115, %get3A_131 : vector<16xf32>
        %add3A_145 = arith.addf %get3A_119, %get3A_135 : vector<16xf32>
        %add3A_146 = arith.addf %get3A_123, %get3A_139 : vector<16xf32>
        %add3A_147 = arith.addf %get3A_127, %get3A_143 : vector<16xf32>
        %mul3A_148 = arith.constant 2.000000e-01 : f32
        %mul3A_149 = vector.broadcast %mul3A_148 : f32 to vector<16xf32>
        %mul3A_150 = arith.mulf %mul3A_149, %add3A_144 : vector<16xf32>
        %max3A = arith.maximumf %add3A_144, %mul3A_150 : vector<16xf32>
        %mul3A_151 = arith.constant 2.000000e-01 : f32
        %mul3A_152 = vector.broadcast %mul3A_151 : f32 to vector<16xf32>
        %mul3A_153 = arith.mulf %mul3A_152, %add3A_145 : vector<16xf32>
        %max3A_154 = arith.maximumf %add3A_145, %mul3A_153 : vector<16xf32>
        %mul3A_155 = arith.constant 2.000000e-01 : f32
        %mul3A_156 = vector.broadcast %mul3A_155 : f32 to vector<16xf32>
        %mul3A_157 = arith.mulf %mul3A_156, %add3A_146 : vector<16xf32>
        %max3A_158 = arith.maximumf %add3A_146, %mul3A_157 : vector<16xf32>
        %mul3A_159 = arith.constant 2.000000e-01 : f32
        %mul3A_160 = vector.broadcast %mul3A_159 : f32 to vector<16xf32>
        %mul3A_161 = arith.mulf %mul3A_160, %add3A_147 : vector<16xf32>
        %max3A_162 = arith.maximumf %add3A_147, %mul3A_161 : vector<16xf32>
        %mul3A_163 = arith.mulf %max3A, %get3A_102 : vector<16xf32>
        %mul3A_164 = arith.mulf %max3A_154, %get3A_105 : vector<16xf32>
        %add3A_165 = arith.addf %mul3A_163, %mul3A_164 : vector<16xf32>
        %iota3A = tpu.iota {dimensions = array<i32: 0>} : vector<16xi32>
        %add3A_166 = arith.constant 8 : i32
        %add3A_167 = vector.broadcast %add3A_166 : i32 to vector<16xi32>
        %add3A_168 = arith.addi %iota3A, %add3A_167 : vector<16xi32>
        %jit3A_169 = arith.constant 16 : i32
        %eq3A = arith.constant 0 : i32
        %eq3A_170 = arith.cmpi eq, %jit3A_169, %eq3A : i32
        %jit3A_171 = arith.constant 1 : i32
        %select_n3A_172 = arith.select %eq3A_170, %jit3A_171, %jit3A_169 : i32
        %rem3A = vector.broadcast %select_n3A_172 : i32 to vector<16xi32>
        %rem3A_173 = arith.remsi %add3A_168, %rem3A : vector<16xi32>
        %ne3A = arith.constant 0 : i32
        %ne3A_174 = vector.broadcast %ne3A : i32 to vector<16xi32>
        %ne3A_175 = arith.cmpi ne, %rem3A_173, %ne3A_174 : vector<16xi32>
        %lt3A_176 = arith.constant 0 : i32
        %lt3A_177 = vector.broadcast %lt3A_176 : i32 to vector<16xi32>
        %lt3A_178 = arith.cmpi slt, %rem3A_173, %lt3A_177 : vector<16xi32>
        %lt3A_179 = arith.constant 0 : i32
        %lt3A_180 = arith.cmpi slt, %select_n3A_172, %lt3A_179 : i32
        %ne3A_181 = vector.broadcast %lt3A_180 : i1 to vector<16xi1>
        %ne3A_182 = vector.broadcast %ne3A_181 : vector<16xi1> to vector<16xi1>
        %ne3A_183 = arith.xori %lt3A_178, %ne3A_182 : vector<16xi1>
        %and3A = arith.andi %ne3A_183, %ne3A_175 : vector<16xi1>
        %add3A_184 = vector.broadcast %select_n3A_172 : i32 to vector<16xi32>
        %add3A_185 = arith.addi %rem3A_173, %add3A_184 : vector<16xi32>
        %select_n3A_186 = arith.select %and3A, %add3A_185, %rem3A_173 : vector<16xi1>, vector<16xi32>
        %broadcast_in_dim3A = vector.shape_cast %select_n3A_186 : vector<16xi32> to vector<16x1xi32>
        %gather3A = vector.shape_cast %broadcast_in_dim3A : vector<16x1xi32> to vector<16xi32>
        %gather3A_187 = tpu.dynamic_gather %add3A_165[%gather3A] in [0] : vector<16xf32>, vector<16xi32> -> vector<16xf32>
        %add3A_188 = arith.addf %add3A_165, %gather3A_187 : vector<16xf32>
        %add3A_189 = arith.constant 4 : i32
        %add3A_190 = vector.broadcast %add3A_189 : i32 to vector<16xi32>
        %add3A_191 = arith.addi %iota3A, %add3A_190 : vector<16xi32>
        %jit3A_192 = arith.constant 16 : i32
        %eq3A_193 = arith.constant 0 : i32
        %eq3A_194 = arith.cmpi eq, %jit3A_192, %eq3A_193 : i32
        %jit3A_195 = arith.constant 1 : i32
        %select_n3A_196 = arith.select %eq3A_194, %jit3A_195, %jit3A_192 : i32
        %rem3A_197 = vector.broadcast %select_n3A_196 : i32 to vector<16xi32>
        %rem3A_198 = arith.remsi %add3A_191, %rem3A_197 : vector<16xi32>
        %ne3A_199 = arith.constant 0 : i32
        %ne3A_200 = vector.broadcast %ne3A_199 : i32 to vector<16xi32>
        %ne3A_201 = arith.cmpi ne, %rem3A_198, %ne3A_200 : vector<16xi32>
        %lt3A_202 = arith.constant 0 : i32
        %lt3A_203 = vector.broadcast %lt3A_202 : i32 to vector<16xi32>
        %lt3A_204 = arith.cmpi slt, %rem3A_198, %lt3A_203 : vector<16xi32>
        %lt3A_205 = arith.constant 0 : i32
        %lt3A_206 = arith.cmpi slt, %select_n3A_196, %lt3A_205 : i32
        %ne3A_207 = vector.broadcast %lt3A_206 : i1 to vector<16xi1>
        %ne3A_208 = vector.broadcast %ne3A_207 : vector<16xi1> to vector<16xi1>
        %ne3A_209 = arith.xori %lt3A_204, %ne3A_208 : vector<16xi1>
        %and3A_210 = arith.andi %ne3A_209, %ne3A_201 : vector<16xi1>
        %add3A_211 = vector.broadcast %select_n3A_196 : i32 to vector<16xi32>
        %add3A_212 = arith.addi %rem3A_198, %add3A_211 : vector<16xi32>
        %select_n3A_213 = arith.select %and3A_210, %add3A_212, %rem3A_198 : vector<16xi1>, vector<16xi32>
        %broadcast_in_dim3A_214 = vector.shape_cast %select_n3A_213 : vector<16xi32> to vector<16x1xi32>
        %gather3A_215 = vector.shape_cast %broadcast_in_dim3A_214 : vector<16x1xi32> to vector<16xi32>
        %gather3A_216 = tpu.dynamic_gather %add3A_188[%gather3A_215] in [0] : vector<16xf32>, vector<16xi32> -> vector<16xf32>
        %add3A_217 = arith.addf %add3A_188, %gather3A_216 : vector<16xf32>
        %add3A_218 = arith.constant 2 : i32
        %add3A_219 = vector.broadcast %add3A_218 : i32 to vector<16xi32>
        %add3A_220 = arith.addi %iota3A, %add3A_219 : vector<16xi32>
        %jit3A_221 = arith.constant 16 : i32
        %eq3A_222 = arith.constant 0 : i32
        %eq3A_223 = arith.cmpi eq, %jit3A_221, %eq3A_222 : i32
        %jit3A_224 = arith.constant 1 : i32
        %select_n3A_225 = arith.select %eq3A_223, %jit3A_224, %jit3A_221 : i32
        %rem3A_226 = vector.broadcast %select_n3A_225 : i32 to vector<16xi32>
        %rem3A_227 = arith.remsi %add3A_220, %rem3A_226 : vector<16xi32>
        %ne3A_228 = arith.constant 0 : i32
        %ne3A_229 = vector.broadcast %ne3A_228 : i32 to vector<16xi32>
        %ne3A_230 = arith.cmpi ne, %rem3A_227, %ne3A_229 : vector<16xi32>
        %lt3A_231 = arith.constant 0 : i32
        %lt3A_232 = vector.broadcast %lt3A_231 : i32 to vector<16xi32>
        %lt3A_233 = arith.cmpi slt, %rem3A_227, %lt3A_232 : vector<16xi32>
        %lt3A_234 = arith.constant 0 : i32
        %lt3A_235 = arith.cmpi slt, %select_n3A_225, %lt3A_234 : i32
        %ne3A_236 = vector.broadcast %lt3A_235 : i1 to vector<16xi1>
        %ne3A_237 = vector.broadcast %ne3A_236 : vector<16xi1> to vector<16xi1>
        %ne3A_238 = arith.xori %lt3A_233, %ne3A_237 : vector<16xi1>
        %and3A_239 = arith.andi %ne3A_238, %ne3A_230 : vector<16xi1>
        %add3A_240 = vector.broadcast %select_n3A_225 : i32 to vector<16xi32>
        %add3A_241 = arith.addi %rem3A_227, %add3A_240 : vector<16xi32>
        %select_n3A_242 = arith.select %and3A_239, %add3A_241, %rem3A_227 : vector<16xi1>, vector<16xi32>
        %broadcast_in_dim3A_243 = vector.shape_cast %select_n3A_242 : vector<16xi32> to vector<16x1xi32>
        %gather3A_244 = vector.shape_cast %broadcast_in_dim3A_243 : vector<16x1xi32> to vector<16xi32>
        %gather3A_245 = tpu.dynamic_gather %add3A_217[%gather3A_244] in [0] : vector<16xf32>, vector<16xi32> -> vector<16xf32>
        %add3A_246 = arith.addf %add3A_217, %gather3A_245 : vector<16xf32>
        %add3A_247 = arith.constant 1 : i32
        %add3A_248 = vector.broadcast %add3A_247 : i32 to vector<16xi32>
        %add3A_249 = arith.addi %iota3A, %add3A_248 : vector<16xi32>
        %jit3A_250 = arith.constant 16 : i32
        %eq3A_251 = arith.constant 0 : i32
        %eq3A_252 = arith.cmpi eq, %jit3A_250, %eq3A_251 : i32
        %jit3A_253 = arith.constant 1 : i32
        %select_n3A_254 = arith.select %eq3A_252, %jit3A_253, %jit3A_250 : i32
        %rem3A_255 = vector.broadcast %select_n3A_254 : i32 to vector<16xi32>
        %rem3A_256 = arith.remsi %add3A_249, %rem3A_255 : vector<16xi32>
        %ne3A_257 = arith.constant 0 : i32
        %ne3A_258 = vector.broadcast %ne3A_257 : i32 to vector<16xi32>
        %ne3A_259 = arith.cmpi ne, %rem3A_256, %ne3A_258 : vector<16xi32>
        %lt3A_260 = arith.constant 0 : i32
        %lt3A_261 = vector.broadcast %lt3A_260 : i32 to vector<16xi32>
        %lt3A_262 = arith.cmpi slt, %rem3A_256, %lt3A_261 : vector<16xi32>
        %lt3A_263 = arith.constant 0 : i32
        %lt3A_264 = arith.cmpi slt, %select_n3A_254, %lt3A_263 : i32
        %ne3A_265 = vector.broadcast %lt3A_264 : i1 to vector<16xi1>
        %ne3A_266 = vector.broadcast %ne3A_265 : vector<16xi1> to vector<16xi1>
        %ne3A_267 = arith.xori %lt3A_262, %ne3A_266 : vector<16xi1>
        %and3A_268 = arith.andi %ne3A_267, %ne3A_259 : vector<16xi1>
        %add3A_269 = vector.broadcast %select_n3A_254 : i32 to vector<16xi32>
        %add3A_270 = arith.addi %rem3A_256, %add3A_269 : vector<16xi32>
        %select_n3A_271 = arith.select %and3A_268, %add3A_270, %rem3A_256 : vector<16xi1>, vector<16xi32>
        %broadcast_in_dim3A_272 = vector.shape_cast %select_n3A_271 : vector<16xi32> to vector<16x1xi32>
        %gather3A_273 = vector.shape_cast %broadcast_in_dim3A_272 : vector<16x1xi32> to vector<16xi32>
        %gather3A_274 = tpu.dynamic_gather %add3A_246[%gather3A_273] in [0] : vector<16xf32>, vector<16xi32> -> vector<16xf32>
        %add3A_275 = arith.addf %add3A_246, %gather3A_274 : vector<16xf32>
        %mul3A_276 = arith.mulf %max3A_158, %get3A_108 : vector<16xf32>
        %mul3A_277 = arith.mulf %max3A_162, %get3A_111 : vector<16xf32>
        %add3A_278 = arith.addf %mul3A_276, %mul3A_277 : vector<16xf32>
        %iota3A_279 = tpu.iota {dimensions = array<i32: 0>} : vector<16xi32>
        %add3A_280 = arith.constant 8 : i32
        %add3A_281 = vector.broadcast %add3A_280 : i32 to vector<16xi32>
        %add3A_282 = arith.addi %iota3A_279, %add3A_281 : vector<16xi32>
        %jit3A_283 = arith.constant 16 : i32
        %eq3A_284 = arith.constant 0 : i32
        %eq3A_285 = arith.cmpi eq, %jit3A_283, %eq3A_284 : i32
        %jit3A_286 = arith.constant 1 : i32
        %select_n3A_287 = arith.select %eq3A_285, %jit3A_286, %jit3A_283 : i32
        %rem3A_288 = vector.broadcast %select_n3A_287 : i32 to vector<16xi32>
        %rem3A_289 = arith.remsi %add3A_282, %rem3A_288 : vector<16xi32>
        %ne3A_290 = arith.constant 0 : i32
        %ne3A_291 = vector.broadcast %ne3A_290 : i32 to vector<16xi32>
        %ne3A_292 = arith.cmpi ne, %rem3A_289, %ne3A_291 : vector<16xi32>
        %lt3A_293 = arith.constant 0 : i32
        %lt3A_294 = vector.broadcast %lt3A_293 : i32 to vector<16xi32>
        %lt3A_295 = arith.cmpi slt, %rem3A_289, %lt3A_294 : vector<16xi32>
        %lt3A_296 = arith.constant 0 : i32
        %lt3A_297 = arith.cmpi slt, %select_n3A_287, %lt3A_296 : i32
        %ne3A_298 = vector.broadcast %lt3A_297 : i1 to vector<16xi1>
        %ne3A_299 = vector.broadcast %ne3A_298 : vector<16xi1> to vector<16xi1>
        %ne3A_300 = arith.xori %lt3A_295, %ne3A_299 : vector<16xi1>
        %and3A_301 = arith.andi %ne3A_300, %ne3A_292 : vector<16xi1>
        %add3A_302 = vector.broadcast %select_n3A_287 : i32 to vector<16xi32>
        %add3A_303 = arith.addi %rem3A_289, %add3A_302 : vector<16xi32>
        %select_n3A_304 = arith.select %and3A_301, %add3A_303, %rem3A_289 : vector<16xi1>, vector<16xi32>
        %broadcast_in_dim3A_305 = vector.shape_cast %select_n3A_304 : vector<16xi32> to vector<16x1xi32>
        %gather3A_306 = vector.shape_cast %broadcast_in_dim3A_305 : vector<16x1xi32> to vector<16xi32>
        %gather3A_307 = tpu.dynamic_gather %add3A_278[%gather3A_306] in [0] : vector<16xf32>, vector<16xi32> -> vector<16xf32>
        %add3A_308 = arith.addf %add3A_278, %gather3A_307 : vector<16xf32>
        %add3A_309 = arith.constant 4 : i32
        %add3A_310 = vector.broadcast %add3A_309 : i32 to vector<16xi32>
        %add3A_311 = arith.addi %iota3A_279, %add3A_310 : vector<16xi32>
        %jit3A_312 = arith.constant 16 : i32
        %eq3A_313 = arith.constant 0 : i32
        %eq3A_314 = arith.cmpi eq, %jit3A_312, %eq3A_313 : i32
        %jit3A_315 = arith.constant 1 : i32
        %select_n3A_316 = arith.select %eq3A_314, %jit3A_315, %jit3A_312 : i32
        %rem3A_317 = vector.broadcast %select_n3A_316 : i32 to vector<16xi32>
        %rem3A_318 = arith.remsi %add3A_311, %rem3A_317 : vector<16xi32>
        %ne3A_319 = arith.constant 0 : i32
        %ne3A_320 = vector.broadcast %ne3A_319 : i32 to vector<16xi32>
        %ne3A_321 = arith.cmpi ne, %rem3A_318, %ne3A_320 : vector<16xi32>
        %lt3A_322 = arith.constant 0 : i32
        %lt3A_323 = vector.broadcast %lt3A_322 : i32 to vector<16xi32>
        %lt3A_324 = arith.cmpi slt, %rem3A_318, %lt3A_323 : vector<16xi32>
        %lt3A_325 = arith.constant 0 : i32
        %lt3A_326 = arith.cmpi slt, %select_n3A_316, %lt3A_325 : i32
        %ne3A_327 = vector.broadcast %lt3A_326 : i1 to vector<16xi1>
        %ne3A_328 = vector.broadcast %ne3A_327 : vector<16xi1> to vector<16xi1>
        %ne3A_329 = arith.xori %lt3A_324, %ne3A_328 : vector<16xi1>
        %and3A_330 = arith.andi %ne3A_329, %ne3A_321 : vector<16xi1>
        %add3A_331 = vector.broadcast %select_n3A_316 : i32 to vector<16xi32>
        %add3A_332 = arith.addi %rem3A_318, %add3A_331 : vector<16xi32>
        %select_n3A_333 = arith.select %and3A_330, %add3A_332, %rem3A_318 : vector<16xi1>, vector<16xi32>
        %broadcast_in_dim3A_334 = vector.shape_cast %select_n3A_333 : vector<16xi32> to vector<16x1xi32>
        %gather3A_335 = vector.shape_cast %broadcast_in_dim3A_334 : vector<16x1xi32> to vector<16xi32>
        %gather3A_336 = tpu.dynamic_gather %add3A_308[%gather3A_335] in [0] : vector<16xf32>, vector<16xi32> -> vector<16xf32>
        %add3A_337 = arith.addf %add3A_308, %gather3A_336 : vector<16xf32>
        %add3A_338 = arith.constant 2 : i32
        %add3A_339 = vector.broadcast %add3A_338 : i32 to vector<16xi32>
        %add3A_340 = arith.addi %iota3A_279, %add3A_339 : vector<16xi32>
        %jit3A_341 = arith.constant 16 : i32
        %eq3A_342 = arith.constant 0 : i32
        %eq3A_343 = arith.cmpi eq, %jit3A_341, %eq3A_342 : i32
        %jit3A_344 = arith.constant 1 : i32
        %select_n3A_345 = arith.select %eq3A_343, %jit3A_344, %jit3A_341 : i32
        %rem3A_346 = vector.broadcast %select_n3A_345 : i32 to vector<16xi32>
        %rem3A_347 = arith.remsi %add3A_340, %rem3A_346 : vector<16xi32>
        %ne3A_348 = arith.constant 0 : i32
        %ne3A_349 = vector.broadcast %ne3A_348 : i32 to vector<16xi32>
        %ne3A_350 = arith.cmpi ne, %rem3A_347, %ne3A_349 : vector<16xi32>
        %lt3A_351 = arith.constant 0 : i32
        %lt3A_352 = vector.broadcast %lt3A_351 : i32 to vector<16xi32>
        %lt3A_353 = arith.cmpi slt, %rem3A_347, %lt3A_352 : vector<16xi32>
        %lt3A_354 = arith.constant 0 : i32
        %lt3A_355 = arith.cmpi slt, %select_n3A_345, %lt3A_354 : i32
        %ne3A_356 = vector.broadcast %lt3A_355 : i1 to vector<16xi1>
        %ne3A_357 = vector.broadcast %ne3A_356 : vector<16xi1> to vector<16xi1>
        %ne3A_358 = arith.xori %lt3A_353, %ne3A_357 : vector<16xi1>
        %and3A_359 = arith.andi %ne3A_358, %ne3A_350 : vector<16xi1>
        %add3A_360 = vector.broadcast %select_n3A_345 : i32 to vector<16xi32>
        %add3A_361 = arith.addi %rem3A_347, %add3A_360 : vector<16xi32>
        %select_n3A_362 = arith.select %and3A_359, %add3A_361, %rem3A_347 : vector<16xi1>, vector<16xi32>
        %broadcast_in_dim3A_363 = vector.shape_cast %select_n3A_362 : vector<16xi32> to vector<16x1xi32>
        %gather3A_364 = vector.shape_cast %broadcast_in_dim3A_363 : vector<16x1xi32> to vector<16xi32>
        %gather3A_365 = tpu.dynamic_gather %add3A_337[%gather3A_364] in [0] : vector<16xf32>, vector<16xi32> -> vector<16xf32>
        %add3A_366 = arith.addf %add3A_337, %gather3A_365 : vector<16xf32>
        %add3A_367 = arith.constant 1 : i32
        %add3A_368 = vector.broadcast %add3A_367 : i32 to vector<16xi32>
        %add3A_369 = arith.addi %iota3A_279, %add3A_368 : vector<16xi32>
        %jit3A_370 = arith.constant 16 : i32
        %eq3A_371 = arith.constant 0 : i32
        %eq3A_372 = arith.cmpi eq, %jit3A_370, %eq3A_371 : i32
        %jit3A_373 = arith.constant 1 : i32
        %select_n3A_374 = arith.select %eq3A_372, %jit3A_373, %jit3A_370 : i32
        %rem3A_375 = vector.broadcast %select_n3A_374 : i32 to vector<16xi32>
        %rem3A_376 = arith.remsi %add3A_369, %rem3A_375 : vector<16xi32>
        %ne3A_377 = arith.constant 0 : i32
        %ne3A_378 = vector.broadcast %ne3A_377 : i32 to vector<16xi32>
        %ne3A_379 = arith.cmpi ne, %rem3A_376, %ne3A_378 : vector<16xi32>
        %lt3A_380 = arith.constant 0 : i32
        %lt3A_381 = vector.broadcast %lt3A_380 : i32 to vector<16xi32>
        %lt3A_382 = arith.cmpi slt, %rem3A_376, %lt3A_381 : vector<16xi32>
        %lt3A_383 = arith.constant 0 : i32
        %lt3A_384 = arith.cmpi slt, %select_n3A_374, %lt3A_383 : i32
        %ne3A_385 = vector.broadcast %lt3A_384 : i1 to vector<16xi1>
        %ne3A_386 = vector.broadcast %ne3A_385 : vector<16xi1> to vector<16xi1>
        %ne3A_387 = arith.xori %lt3A_382, %ne3A_386 : vector<16xi1>
        %and3A_388 = arith.andi %ne3A_387, %ne3A_379 : vector<16xi1>
        %add3A_389 = vector.broadcast %select_n3A_374 : i32 to vector<16xi32>
        %add3A_390 = arith.addi %rem3A_376, %add3A_389 : vector<16xi32>
        %select_n3A_391 = arith.select %and3A_388, %add3A_390, %rem3A_376 : vector<16xi1>, vector<16xi32>
        %broadcast_in_dim3A_392 = vector.shape_cast %select_n3A_391 : vector<16xi32> to vector<16x1xi32>
        %gather3A_393 = vector.shape_cast %broadcast_in_dim3A_392 : vector<16x1xi32> to vector<16xi32>
        %gather3A_394 = tpu.dynamic_gather %add3A_366[%gather3A_393] in [0] : vector<16xf32>, vector<16xi32> -> vector<16xf32>
        %add3A_395 = arith.addf %add3A_366, %gather3A_394 : vector<16xf32>
        %exp3A = math.exp %add3A_275 : vector<16xf32>
        %exp3A_396 = math.exp %add3A_395 : vector<16xf32>
        %mul3A_397 = arith.mulf %get3A_115, %exp3A : vector<16xf32>
        %swap3A = arith.index_cast %scan3A_100 : i32 to index
        %swap3A_398 = arith.constant 0 : index
        %swap3A_399 = tpu.vector_load %arg11[%swap3A, %swap3A_398] {strides = array<i32>} : memref<128x128xf32, #tpu.memory_space<vmem>>, vector<1x16xf32>,
        %swap3A_400 = vector.shape_cast %swap3A_399 : vector<1x16xf32> to vector<16xf32>
        %swap3A_401 = vector.shape_cast %mul3A_397 : vector<16xf32> to vector<1x16xf32>
        tpu.vector_store %arg11[%swap3A, %swap3A_398], %swap3A_401 {strides = array<i32>} : memref<128x128xf32, #tpu.memory_space<vmem>>, vector<1x16xf32>,
        %mul3A_402 = arith.mulf %get3A_119, %exp3A : vector<16xf32>
        %swap3A_403 = arith.index_cast %scan3A_100 : i32 to index
        %swap3A_404 = arith.constant 16 : index
        %swap3A_405 = tpu.vector_load %arg11[%swap3A_403, %swap3A_404] {strides = array<i32>} : memref<128x128xf32, #tpu.memory_space<vmem>>, vector<1x16xf32>,
        %swap3A_406 = vector.shape_cast %swap3A_405 : vector<1x16xf32> to vector<16xf32>
        %swap3A_407 = vector.shape_cast %mul3A_402 : vector<16xf32> to vector<1x16xf32>
        tpu.vector_store %arg11[%swap3A_403, %swap3A_404], %swap3A_407 {strides = array<i32>} : memref<128x128xf32, #tpu.memory_space<vmem>>, vector<1x16xf32>,
        %mul3A_408 = arith.mulf %get3A_123, %exp3A_396 : vector<16xf32>
        %swap3A_409 = arith.index_cast %scan3A_100 : i32 to index
        %swap3A_410 = arith.constant 32 : index
        %swap3A_411 = tpu.vector_load %arg11[%swap3A_409, %swap3A_410] {strides = array<i32>} : memref<128x128xf32, #tpu.memory_space<vmem>>, vector<1x16xf32>,
        %swap3A_412 = vector.shape_cast %swap3A_411 : vector<1x16xf32> to vector<16xf32>
        %swap3A_413 = vector.shape_cast %mul3A_408 : vector<16xf32> to vector<1x16xf32>
        tpu.vector_store %arg11[%swap3A_409, %swap3A_410], %swap3A_413 {strides = array<i32>} : memref<128x128xf32, #tpu.memory_space<vmem>>, vector<1x16xf32>,
        %mul3A_414 = arith.mulf %get3A_127, %exp3A_396 : vector<16xf32>
        %swap3A_415 = arith.index_cast %scan3A_100 : i32 to index
        %swap3A_416 = arith.constant 48 : index
        %swap3A_417 = tpu.vector_load %arg11[%swap3A_415, %swap3A_416] {strides = array<i32>} : memref<128x128xf32, #tpu.memory_space<vmem>>, vector<1x16xf32>,
        %swap3A_418 = vector.shape_cast %swap3A_417 : vector<1x16xf32> to vector<16xf32>
        %swap3A_419 = vector.shape_cast %mul3A_414 : vector<16xf32> to vector<1x16xf32>
        tpu.vector_store %arg11[%swap3A_415, %swap3A_416], %swap3A_419 {strides = array<i32>} : memref<128x128xf32, #tpu.memory_space<vmem>>, vector<1x16xf32>,
        %iota3A_420 = tpu.iota {dimensions = array<i32: 0>} : vector<16xi32>
        %eq3A_421 = arith.constant 0 : i32
        %eq3A_422 = vector.broadcast %eq3A_421 : i32 to vector<16xi32>
        %eq3A_423 = arith.cmpi eq, %iota3A_420, %eq3A_422 : vector<16xi32>
        %eq3A_424 = arith.constant 1 : i32
        %eq3A_425 = vector.broadcast %eq3A_424 : i32 to vector<16xi32>
        %eq3A_426 = arith.cmpi eq, %iota3A_420, %eq3A_425 : vector<16xi32>
        %broadcast_in_dim3A_427 = arith.constant 0.000000e+00 : f32
        %broadcast_in_dim3A_428 = vector.broadcast %broadcast_in_dim3A_427 : f32 to vector<16xf32>
        %select_n3A_429 = arith.select %eq3A_426, %exp3A_396, %broadcast_in_dim3A_428 : vector<16xi1>, vector<16xf32>
        %select_n3A_430 = arith.select %eq3A_423, %exp3A, %select_n3A_429 : vector<16xi1>, vector<16xf32>
        %swap3A_431 = arith.index_cast %scan3A_100 : i32 to index
        %swap3A_432 = arith.constant 64 : index
        %swap3A_433 = tpu.vector_load %arg11[%swap3A_431, %swap3A_432] {strides = array<i32>} : memref<128x128xf32, #tpu.memory_space<vmem>>, vector<1x16xf32>,
        %swap3A_434 = vector.shape_cast %swap3A_433 : vector<1x16xf32> to vector<16xf32>
        %swap3A_435 = vector.shape_cast %select_n3A_430 : vector<16xf32> to vector<1x16xf32>
        tpu.vector_store %arg11[%swap3A_431, %swap3A_432], %swap3A_435 {strides = array<i32>} : memref<128x128xf32, #tpu.memory_space<vmem>>, vector<1x16xf32>,
      }
      %scan3A_99 = arith.constant 128 : i32
      "tpu.region"() ({
        %run_scoped3A = tpu.sem_alloc : memref<!tpu.dma_semaphore, #tpu.memory_space<semaphore_mem>>
        %dma_start3A_100 = arith.constant 0 : i32
        %dma_start3A_101 = arith.constant 0 : i32
        %dma_start3A_102 = tpu.memref_slice %arg13[%dma_start3A_100, %dma_start3A_101] : memref<10000x128xf32, #tpu.memory_space<vmem_shared>> -> memref<10000x128xf32, #tpu.memory_space<vmem_shared>>
        tpu.enqueue_indirect_dma source(%arg11 : memref<128x128xf32, #tpu.memory_space<vmem>>) target(%dma_start3A_102 : memref<10000x128xf32, #tpu.memory_space<vmem_shared>>) offsets(%arg8 : memref<128xi32, #tpu.memory_space<vmem>>) semaphore(%run_scoped3A : memref<!tpu.dma_semaphore, #tpu.memory_space<semaphore_mem>>) {add = true}
        %dma_wait3A_103 = arith.constant 0 : i32
        %dma_wait3A_104 = arith.constant 0 : i32
        %dma_wait3A_105 = tpu.memref_slice %arg13[%dma_wait3A_103, %dma_wait3A_104] : memref<10000x128xf32, #tpu.memory_space<vmem_shared>> -> memref<10000x128xf32, #tpu.memory_space<vmem_shared>>
        tpu.wait_indirect_dma semaphore(%run_scoped3A : memref<!tpu.dma_semaphore, #tpu.memory_space<semaphore_mem>>) src(%arg11 : memref<128x128xf32, #tpu.memory_space<vmem>>) dst(%dma_wait3A_105 : memref<10000x128xf32, #tpu.memory_space<vmem_shared>>)
        tpu.yield
      }) : () -> ()
    }
    %while3A_36 = arith.constant 1 : i32
    scf.for %while3A_78 = %while3A_34 to %while3A_30 step %while3A_36  : i32 {
      %mul3A_79 = arith.constant 32 : i32
      %mul3A_80 = arith.muli %while3A_78, %mul3A_79 : i32
      %add3A_81 = arith.addi %add3A, %mul3A_80 : i32
      %mul3A_82 = arith.constant 128 : i32
      %mul3A_83 = arith.muli %add3A_81, %mul3A_82 : i32
      "tpu.region"() ({
        %run_scoped3A = tpu.sem_alloc : memref<!tpu.dma_semaphore, #tpu.memory_space<semaphore_mem>>
        %dma_start3A_100 = tpu.memref_slice %arg3[%mul3A_83] : memref<320000xi32, #tpu.memory_space<hbm>> -> memref<128xi32, #tpu.memory_space<hbm>>
        %dma_start3A_101 = tpu.memref_slice %arg3[%mul3A_83] : memref<320000xi32, #tpu.memory_space<hbm>> -> memref<128xi32, #tpu.memory_space<hbm>>
        tpu.enqueue_dma source(%dma_start3A_101 : memref<128xi32, #tpu.memory_space<hbm>>) target(%arg7 : memref<128xi32, #tpu.memory_space<vmem>>) target_semaphore(%run_scoped3A : memref<!tpu.dma_semaphore, #tpu.memory_space<semaphore_mem>>)
        %dma_wait3A_102 = tpu.memref_slice %arg3[%mul3A_83] : memref<320000xi32, #tpu.memory_space<hbm>> -> memref<128xi32, #tpu.memory_space<hbm>>
        %dma_wait3A_103 = tpu.memref_slice %arg3[%mul3A_83] : memref<320000xi32, #tpu.memory_space<hbm>> -> memref<128xi32, #tpu.memory_space<hbm>>
        tpu.wait_dma2 semaphore(%run_scoped3A : memref<!tpu.dma_semaphore, #tpu.memory_space<semaphore_mem>>) src(%dma_wait3A_103 : memref<128xi32, #tpu.memory_space<hbm>>) dst(%arg7 : memref<128xi32, #tpu.memory_space<vmem>>)
        tpu.yield
      }) : () -> ()
      "tpu.region"() ({
        %run_scoped3A = tpu.sem_alloc : memref<!tpu.dma_semaphore, #tpu.memory_space<semaphore_mem>>
        %dma_start3A_100 = tpu.memref_slice %arg4[%mul3A_83] : memref<320000xi32, #tpu.memory_space<hbm>> -> memref<128xi32, #tpu.memory_space<hbm>>
        %dma_start3A_101 = tpu.memref_slice %arg4[%mul3A_83] : memref<320000xi32, #tpu.memory_space<hbm>> -> memref<128xi32, #tpu.memory_space<hbm>>
        tpu.enqueue_dma source(%dma_start3A_101 : memref<128xi32, #tpu.memory_space<hbm>>) target(%arg8 : memref<128xi32, #tpu.memory_space<vmem>>) target_semaphore(%run_scoped3A : memref<!tpu.dma_semaphore, #tpu.memory_space<semaphore_mem>>)
        %dma_wait3A_102 = tpu.memref_slice %arg4[%mul3A_83] : memref<320000xi32, #tpu.memory_space<hbm>> -> memref<128xi32, #tpu.memory_space<hbm>>
        %dma_wait3A_103 = tpu.memref_slice %arg4[%mul3A_83] : memref<320000xi32, #tpu.memory_space<hbm>> -> memref<128xi32, #tpu.memory_space<hbm>>
        tpu.wait_dma2 semaphore(%run_scoped3A : memref<!tpu.dma_semaphore, #tpu.memory_space<semaphore_mem>>) src(%dma_wait3A_103 : memref<128xi32, #tpu.memory_space<hbm>>) dst(%arg8 : memref<128xi32, #tpu.memory_space<vmem>>)
        tpu.yield
      }) : () -> ()
      %dma_start3A = arith.constant 0 : i32
      %dma_start3A_84 = arith.constant 0 : i32
      %dma_start3A_85 = tpu.memref_slice %arg2[%dma_start3A, %dma_start3A_84] : memref<10000x128xf32, #tpu.memory_space<hbm>> -> memref<10000x128xf32, #tpu.memory_space<hbm>>
      tpu.enqueue_indirect_dma source(%dma_start3A_85 : memref<10000x128xf32, #tpu.memory_space<hbm>>) target(%arg9 : memref<128x128xf32, #tpu.memory_space<vmem>>) offsets(%arg7 : memref<128xi32, #tpu.memory_space<vmem>>) semaphore(%arg14 : memref<!tpu.dma_semaphore, #tpu.memory_space<semaphore_mem>>)
      %dma_start3A_86 = arith.constant 0 : i32
      %dma_start3A_87 = arith.constant 0 : i32
      %dma_start3A_88 = tpu.memref_slice %arg2[%dma_start3A_86, %dma_start3A_87] : memref<10000x128xf32, #tpu.memory_space<hbm>> -> memref<10000x128xf32, #tpu.memory_space<hbm>>
      tpu.enqueue_indirect_dma source(%dma_start3A_88 : memref<10000x128xf32, #tpu.memory_space<hbm>>) target(%arg10 : memref<128x128xf32, #tpu.memory_space<vmem>>) offsets(%arg8 : memref<128xi32, #tpu.memory_space<vmem>>) semaphore(%arg15 : memref<!tpu.dma_semaphore, #tpu.memory_space<semaphore_mem>>)
      %dma_wait3A = arith.constant 0 : i32
      %dma_wait3A_89 = arith.constant 0 : i32
      %dma_wait3A_90 = tpu.memref_slice %arg2[%dma_wait3A, %dma_wait3A_89] : memref<10000x128xf32, #tpu.memory_space<hbm>> -> memref<10000x128xf32, #tpu.memory_space<hbm>>
      tpu.wait_indirect_dma semaphore(%arg14 : memref<!tpu.dma_semaphore, #tpu.memory_space<semaphore_mem>>) src(%dma_wait3A_90 : memref<10000x128xf32, #tpu.memory_space<hbm>>) dst(%arg9 : memref<128x128xf32, #tpu.memory_space<vmem>>)
      %dma_wait3A_91 = arith.constant 0 : i32
      %dma_wait3A_92 = arith.constant 0 : i32
      %dma_wait3A_93 = tpu.memref_slice %arg2[%dma_wait3A_91, %dma_wait3A_92] : memref<10000x128xf32, #tpu.memory_space<hbm>> -> memref<10000x128xf32, #tpu.memory_space<hbm>>
      tpu.wait_indirect_dma semaphore(%arg15 : memref<!tpu.dma_semaphore, #tpu.memory_space<semaphore_mem>>) src(%dma_wait3A_93 : memref<10000x128xf32, #tpu.memory_space<hbm>>) dst(%arg10 : memref<128x128xf32, #tpu.memory_space<vmem>>)
      %scan3A_94 = arith.constant 0 : i32
      %scan3A_95 = arith.constant 0 : i32
      %scan3A_96 = arith.constant 128 : i32
      %scan3A_97 = arith.addi %scan3A_95, %scan3A_96 : i32
      %scan3A_98 = arith.constant 1 : i32
      scf.for %scan3A_100 = %scan3A_95 to %scan3A_97 step %scan3A_98  : i32 {
        %get3A = arith.constant 0 : index
        %get3A_101 = tpu.vector_load %arg12[%get3A] {strides = array<i32>} : memref<64xf32, #tpu.memory_space<vmem>>, vector<16xf32>,
        %get3A_102 = vector.shape_cast %get3A_101 : vector<16xf32> to vector<16xf32>
        %get3A_103 = arith.constant 16 : index
        %get3A_104 = tpu.vector_load %arg12[%get3A_103] {strides = array<i32>} : memref<64xf32, #tpu.memory_space<vmem>>, vector<16xf32>,
        %get3A_105 = vector.shape_cast %get3A_104 : vector<16xf32> to vector<16xf32>
        %get3A_106 = arith.constant 32 : index
        %get3A_107 = tpu.vector_load %arg12[%get3A_106] {strides = array<i32>} : memref<64xf32, #tpu.memory_space<vmem>>, vector<16xf32>,
        %get3A_108 = vector.shape_cast %get3A_107 : vector<16xf32> to vector<16xf32>
        %get3A_109 = arith.constant 48 : index
        %get3A_110 = tpu.vector_load %arg12[%get3A_109] {strides = array<i32>} : memref<64xf32, #tpu.memory_space<vmem>>, vector<16xf32>,
        %get3A_111 = vector.shape_cast %get3A_110 : vector<16xf32> to vector<16xf32>
        %get3A_112 = arith.index_cast %scan3A_100 : i32 to index
        %get3A_113 = arith.constant 0 : index
        %get3A_114 = tpu.vector_load %arg9[%get3A_112, %get3A_113] {strides = array<i32>} : memref<128x128xf32, #tpu.memory_space<vmem>>, vector<1x16xf32>,
        %get3A_115 = vector.shape_cast %get3A_114 : vector<1x16xf32> to vector<16xf32>
        %get3A_116 = arith.index_cast %scan3A_100 : i32 to index
        %get3A_117 = arith.constant 16 : index
        %get3A_118 = tpu.vector_load %arg9[%get3A_116, %get3A_117] {strides = array<i32>} : memref<128x128xf32, #tpu.memory_space<vmem>>, vector<1x16xf32>,
        %get3A_119 = vector.shape_cast %get3A_118 : vector<1x16xf32> to vector<16xf32>
        %get3A_120 = arith.index_cast %scan3A_100 : i32 to index
        %get3A_121 = arith.constant 32 : index
        %get3A_122 = tpu.vector_load %arg9[%get3A_120, %get3A_121] {strides = array<i32>} : memref<128x128xf32, #tpu.memory_space<vmem>>, vector<1x16xf32>,
        %get3A_123 = vector.shape_cast %get3A_122 : vector<1x16xf32> to vector<16xf32>
        %get3A_124 = arith.index_cast %scan3A_100 : i32 to index
        %get3A_125 = arith.constant 48 : index
        %get3A_126 = tpu.vector_load %arg9[%get3A_124, %get3A_125] {strides = array<i32>} : memref<128x128xf32, #tpu.memory_space<vmem>>, vector<1x16xf32>,
        %get3A_127 = vector.shape_cast %get3A_126 : vector<1x16xf32> to vector<16xf32>
        %get3A_128 = arith.index_cast %scan3A_100 : i32 to index
        %get3A_129 = arith.constant 64 : index
        %get3A_130 = tpu.vector_load %arg10[%get3A_128, %get3A_129] {strides = array<i32>} : memref<128x128xf32, #tpu.memory_space<vmem>>, vector<1x16xf32>,
        %get3A_131 = vector.shape_cast %get3A_130 : vector<1x16xf32> to vector<16xf32>
        %get3A_132 = arith.index_cast %scan3A_100 : i32 to index
        %get3A_133 = arith.constant 80 : index
        %get3A_134 = tpu.vector_load %arg10[%get3A_132, %get3A_133] {strides = array<i32>} : memref<128x128xf32, #tpu.memory_space<vmem>>, vector<1x16xf32>,
        %get3A_135 = vector.shape_cast %get3A_134 : vector<1x16xf32> to vector<16xf32>
        %get3A_136 = arith.index_cast %scan3A_100 : i32 to index
        %get3A_137 = arith.constant 96 : index
        %get3A_138 = tpu.vector_load %arg10[%get3A_136, %get3A_137] {strides = array<i32>} : memref<128x128xf32, #tpu.memory_space<vmem>>, vector<1x16xf32>,
        %get3A_139 = vector.shape_cast %get3A_138 : vector<1x16xf32> to vector<16xf32>
        %get3A_140 = arith.index_cast %scan3A_100 : i32 to index
        %get3A_141 = arith.constant 112 : index
        %get3A_142 = tpu.vector_load %arg10[%get3A_140, %get3A_141] {strides = array<i32>} : memref<128x128xf32, #tpu.memory_space<vmem>>, vector<1x16xf32>,
        %get3A_143 = vector.shape_cast %get3A_142 : vector<1x16xf32> to vector<16xf32>
        %add3A_144 = arith.addf %get3A_115, %get3A_131 : vector<16xf32>
        %add3A_145 = arith.addf %get3A_119, %get3A_135 : vector<16xf32>
        %add3A_146 = arith.addf %get3A_123, %get3A_139 : vector<16xf32>
        %add3A_147 = arith.addf %get3A_127, %get3A_143 : vector<16xf32>
        %mul3A_148 = arith.constant 2.000000e-01 : f32
        %mul3A_149 = vector.broadcast %mul3A_148 : f32 to vector<16xf32>
        %mul3A_150 = arith.mulf %mul3A_149, %add3A_144 : vector<16xf32>
        %max3A = arith.maximumf %add3A_144, %mul3A_150 : vector<16xf32>
        %mul3A_151 = arith.constant 2.000000e-01 : f32
        %mul3A_152 = vector.broadcast %mul3A_151 : f32 to vector<16xf32>
        %mul3A_153 = arith.mulf %mul3A_152, %add3A_145 : vector<16xf32>
        %max3A_154 = arith.maximumf %add3A_145, %mul3A_153 : vector<16xf32>
        %mul3A_155 = arith.constant 2.000000e-01 : f32
        %mul3A_156 = vector.broadcast %mul3A_155 : f32 to vector<16xf32>
        %mul3A_157 = arith.mulf %mul3A_156, %add3A_146 : vector<16xf32>
        %max3A_158 = arith.maximumf %add3A_146, %mul3A_157 : vector<16xf32>
        %mul3A_159 = arith.constant 2.000000e-01 : f32
        %mul3A_160 = vector.broadcast %mul3A_159 : f32 to vector<16xf32>
        %mul3A_161 = arith.mulf %mul3A_160, %add3A_147 : vector<16xf32>
        %max3A_162 = arith.maximumf %add3A_147, %mul3A_161 : vector<16xf32>
        %mul3A_163 = arith.mulf %max3A, %get3A_102 : vector<16xf32>
        %mul3A_164 = arith.mulf %max3A_154, %get3A_105 : vector<16xf32>
        %add3A_165 = arith.addf %mul3A_163, %mul3A_164 : vector<16xf32>
        %iota3A = tpu.iota {dimensions = array<i32: 0>} : vector<16xi32>
        %add3A_166 = arith.constant 8 : i32
        %add3A_167 = vector.broadcast %add3A_166 : i32 to vector<16xi32>
        %add3A_168 = arith.addi %iota3A, %add3A_167 : vector<16xi32>
        %jit3A_169 = arith.constant 16 : i32
        %eq3A = arith.constant 0 : i32
        %eq3A_170 = arith.cmpi eq, %jit3A_169, %eq3A : i32
        %jit3A_171 = arith.constant 1 : i32
        %select_n3A_172 = arith.select %eq3A_170, %jit3A_171, %jit3A_169 : i32
        %rem3A = vector.broadcast %select_n3A_172 : i32 to vector<16xi32>
        %rem3A_173 = arith.remsi %add3A_168, %rem3A : vector<16xi32>
        %ne3A = arith.constant 0 : i32
        %ne3A_174 = vector.broadcast %ne3A : i32 to vector<16xi32>
        %ne3A_175 = arith.cmpi ne, %rem3A_173, %ne3A_174 : vector<16xi32>
        %lt3A_176 = arith.constant 0 : i32
        %lt3A_177 = vector.broadcast %lt3A_176 : i32 to vector<16xi32>
        %lt3A_178 = arith.cmpi slt, %rem3A_173, %lt3A_177 : vector<16xi32>
        %lt3A_179 = arith.constant 0 : i32
        %lt3A_180 = arith.cmpi slt, %select_n3A_172, %lt3A_179 : i32
        %ne3A_181 = vector.broadcast %lt3A_180 : i1 to vector<16xi1>
        %ne3A_182 = vector.broadcast %ne3A_181 : vector<16xi1> to vector<16xi1>
        %ne3A_183 = arith.xori %lt3A_178, %ne3A_182 : vector<16xi1>
        %and3A = arith.andi %ne3A_183, %ne3A_175 : vector<16xi1>
        %add3A_184 = vector.broadcast %select_n3A_172 : i32 to vector<16xi32>
        %add3A_185 = arith.addi %rem3A_173, %add3A_184 : vector<16xi32>
        %select_n3A_186 = arith.select %and3A, %add3A_185, %rem3A_173 : vector<16xi1>, vector<16xi32>
        %broadcast_in_dim3A = vector.shape_cast %select_n3A_186 : vector<16xi32> to vector<16x1xi32>
        %gather3A = vector.shape_cast %broadcast_in_dim3A : vector<16x1xi32> to vector<16xi32>
        %gather3A_187 = tpu.dynamic_gather %add3A_165[%gather3A] in [0] : vector<16xf32>, vector<16xi32> -> vector<16xf32>
        %add3A_188 = arith.addf %add3A_165, %gather3A_187 : vector<16xf32>
        %add3A_189 = arith.constant 4 : i32
        %add3A_190 = vector.broadcast %add3A_189 : i32 to vector<16xi32>
        %add3A_191 = arith.addi %iota3A, %add3A_190 : vector<16xi32>
        %jit3A_192 = arith.constant 16 : i32
        %eq3A_193 = arith.constant 0 : i32
        %eq3A_194 = arith.cmpi eq, %jit3A_192, %eq3A_193 : i32
        %jit3A_195 = arith.constant 1 : i32
        %select_n3A_196 = arith.select %eq3A_194, %jit3A_195, %jit3A_192 : i32
        %rem3A_197 = vector.broadcast %select_n3A_196 : i32 to vector<16xi32>
        %rem3A_198 = arith.remsi %add3A_191, %rem3A_197 : vector<16xi32>
        %ne3A_199 = arith.constant 0 : i32
        %ne3A_200 = vector.broadcast %ne3A_199 : i32 to vector<16xi32>
        %ne3A_201 = arith.cmpi ne, %rem3A_198, %ne3A_200 : vector<16xi32>
        %lt3A_202 = arith.constant 0 : i32
        %lt3A_203 = vector.broadcast %lt3A_202 : i32 to vector<16xi32>
        %lt3A_204 = arith.cmpi slt, %rem3A_198, %lt3A_203 : vector<16xi32>
        %lt3A_205 = arith.constant 0 : i32
        %lt3A_206 = arith.cmpi slt, %select_n3A_196, %lt3A_205 : i32
        %ne3A_207 = vector.broadcast %lt3A_206 : i1 to vector<16xi1>
        %ne3A_208 = vector.broadcast %ne3A_207 : vector<16xi1> to vector<16xi1>
        %ne3A_209 = arith.xori %lt3A_204, %ne3A_208 : vector<16xi1>
        %and3A_210 = arith.andi %ne3A_209, %ne3A_201 : vector<16xi1>
        %add3A_211 = vector.broadcast %select_n3A_196 : i32 to vector<16xi32>
        %add3A_212 = arith.addi %rem3A_198, %add3A_211 : vector<16xi32>
        %select_n3A_213 = arith.select %and3A_210, %add3A_212, %rem3A_198 : vector<16xi1>, vector<16xi32>
        %broadcast_in_dim3A_214 = vector.shape_cast %select_n3A_213 : vector<16xi32> to vector<16x1xi32>
        %gather3A_215 = vector.shape_cast %broadcast_in_dim3A_214 : vector<16x1xi32> to vector<16xi32>
        %gather3A_216 = tpu.dynamic_gather %add3A_188[%gather3A_215] in [0] : vector<16xf32>, vector<16xi32> -> vector<16xf32>
        %add3A_217 = arith.addf %add3A_188, %gather3A_216 : vector<16xf32>
        %add3A_218 = arith.constant 2 : i32
        %add3A_219 = vector.broadcast %add3A_218 : i32 to vector<16xi32>
        %add3A_220 = arith.addi %iota3A, %add3A_219 : vector<16xi32>
        %jit3A_221 = arith.constant 16 : i32
        %eq3A_222 = arith.constant 0 : i32
        %eq3A_223 = arith.cmpi eq, %jit3A_221, %eq3A_222 : i32
        %jit3A_224 = arith.constant 1 : i32
        %select_n3A_225 = arith.select %eq3A_223, %jit3A_224, %jit3A_221 : i32
        %rem3A_226 = vector.broadcast %select_n3A_225 : i32 to vector<16xi32>
        %rem3A_227 = arith.remsi %add3A_220, %rem3A_226 : vector<16xi32>
        %ne3A_228 = arith.constant 0 : i32
        %ne3A_229 = vector.broadcast %ne3A_228 : i32 to vector<16xi32>
        %ne3A_230 = arith.cmpi ne, %rem3A_227, %ne3A_229 : vector<16xi32>
        %lt3A_231 = arith.constant 0 : i32
        %lt3A_232 = vector.broadcast %lt3A_231 : i32 to vector<16xi32>
        %lt3A_233 = arith.cmpi slt, %rem3A_227, %lt3A_232 : vector<16xi32>
        %lt3A_234 = arith.constant 0 : i32
        %lt3A_235 = arith.cmpi slt, %select_n3A_225, %lt3A_234 : i32
        %ne3A_236 = vector.broadcast %lt3A_235 : i1 to vector<16xi1>
        %ne3A_237 = vector.broadcast %ne3A_236 : vector<16xi1> to vector<16xi1>
        %ne3A_238 = arith.xori %lt3A_233, %ne3A_237 : vector<16xi1>
        %and3A_239 = arith.andi %ne3A_238, %ne3A_230 : vector<16xi1>
        %add3A_240 = vector.broadcast %select_n3A_225 : i32 to vector<16xi32>
        %add3A_241 = arith.addi %rem3A_227, %add3A_240 : vector<16xi32>
        %select_n3A_242 = arith.select %and3A_239, %add3A_241, %rem3A_227 : vector<16xi1>, vector<16xi32>
        %broadcast_in_dim3A_243 = vector.shape_cast %select_n3A_242 : vector<16xi32> to vector<16x1xi32>
        %gather3A_244 = vector.shape_cast %broadcast_in_dim3A_243 : vector<16x1xi32> to vector<16xi32>
        %gather3A_245 = tpu.dynamic_gather %add3A_217[%gather3A_244] in [0] : vector<16xf32>, vector<16xi32> -> vector<16xf32>
        %add3A_246 = arith.addf %add3A_217, %gather3A_245 : vector<16xf32>
        %add3A_247 = arith.constant 1 : i32
        %add3A_248 = vector.broadcast %add3A_247 : i32 to vector<16xi32>
        %add3A_249 = arith.addi %iota3A, %add3A_248 : vector<16xi32>
        %jit3A_250 = arith.constant 16 : i32
        %eq3A_251 = arith.constant 0 : i32
        %eq3A_252 = arith.cmpi eq, %jit3A_250, %eq3A_251 : i32
        %jit3A_253 = arith.constant 1 : i32
        %select_n3A_254 = arith.select %eq3A_252, %jit3A_253, %jit3A_250 : i32
        %rem3A_255 = vector.broadcast %select_n3A_254 : i32 to vector<16xi32>
        %rem3A_256 = arith.remsi %add3A_249, %rem3A_255 : vector<16xi32>
        %ne3A_257 = arith.constant 0 : i32
        %ne3A_258 = vector.broadcast %ne3A_257 : i32 to vector<16xi32>
        %ne3A_259 = arith.cmpi ne, %rem3A_256, %ne3A_258 : vector<16xi32>
        %lt3A_260 = arith.constant 0 : i32
        %lt3A_261 = vector.broadcast %lt3A_260 : i32 to vector<16xi32>
        %lt3A_262 = arith.cmpi slt, %rem3A_256, %lt3A_261 : vector<16xi32>
        %lt3A_263 = arith.constant 0 : i32
        %lt3A_264 = arith.cmpi slt, %select_n3A_254, %lt3A_263 : i32
        %ne3A_265 = vector.broadcast %lt3A_264 : i1 to vector<16xi1>
        %ne3A_266 = vector.broadcast %ne3A_265 : vector<16xi1> to vector<16xi1>
        %ne3A_267 = arith.xori %lt3A_262, %ne3A_266 : vector<16xi1>
        %and3A_268 = arith.andi %ne3A_267, %ne3A_259 : vector<16xi1>
        %add3A_269 = vector.broadcast %select_n3A_254 : i32 to vector<16xi32>
        %add3A_270 = arith.addi %rem3A_256, %add3A_269 : vector<16xi32>
        %select_n3A_271 = arith.select %and3A_268, %add3A_270, %rem3A_256 : vector<16xi1>, vector<16xi32>
        %broadcast_in_dim3A_272 = vector.shape_cast %select_n3A_271 : vector<16xi32> to vector<16x1xi32>
        %gather3A_273 = vector.shape_cast %broadcast_in_dim3A_272 : vector<16x1xi32> to vector<16xi32>
        %gather3A_274 = tpu.dynamic_gather %add3A_246[%gather3A_273] in [0] : vector<16xf32>, vector<16xi32> -> vector<16xf32>
        %add3A_275 = arith.addf %add3A_246, %gather3A_274 : vector<16xf32>
        %mul3A_276 = arith.mulf %max3A_158, %get3A_108 : vector<16xf32>
        %mul3A_277 = arith.mulf %max3A_162, %get3A_111 : vector<16xf32>
        %add3A_278 = arith.addf %mul3A_276, %mul3A_277 : vector<16xf32>
        %iota3A_279 = tpu.iota {dimensions = array<i32: 0>} : vector<16xi32>
        %add3A_280 = arith.constant 8 : i32
        %add3A_281 = vector.broadcast %add3A_280 : i32 to vector<16xi32>
        %add3A_282 = arith.addi %iota3A_279, %add3A_281 : vector<16xi32>
        %jit3A_283 = arith.constant 16 : i32
        %eq3A_284 = arith.constant 0 : i32
        %eq3A_285 = arith.cmpi eq, %jit3A_283, %eq3A_284 : i32
        %jit3A_286 = arith.constant 1 : i32
        %select_n3A_287 = arith.select %eq3A_285, %jit3A_286, %jit3A_283 : i32
        %rem3A_288 = vector.broadcast %select_n3A_287 : i32 to vector<16xi32>
        %rem3A_289 = arith.remsi %add3A_282, %rem3A_288 : vector<16xi32>
        %ne3A_290 = arith.constant 0 : i32
        %ne3A_291 = vector.broadcast %ne3A_290 : i32 to vector<16xi32>
        %ne3A_292 = arith.cmpi ne, %rem3A_289, %ne3A_291 : vector<16xi32>
        %lt3A_293 = arith.constant 0 : i32
        %lt3A_294 = vector.broadcast %lt3A_293 : i32 to vector<16xi32>
        %lt3A_295 = arith.cmpi slt, %rem3A_289, %lt3A_294 : vector<16xi32>
        %lt3A_296 = arith.constant 0 : i32
        %lt3A_297 = arith.cmpi slt, %select_n3A_287, %lt3A_296 : i32
        %ne3A_298 = vector.broadcast %lt3A_297 : i1 to vector<16xi1>
        %ne3A_299 = vector.broadcast %ne3A_298 : vector<16xi1> to vector<16xi1>
        %ne3A_300 = arith.xori %lt3A_295, %ne3A_299 : vector<16xi1>
        %and3A_301 = arith.andi %ne3A_300, %ne3A_292 : vector<16xi1>
        %add3A_302 = vector.broadcast %select_n3A_287 : i32 to vector<16xi32>
        %add3A_303 = arith.addi %rem3A_289, %add3A_302 : vector<16xi32>
        %select_n3A_304 = arith.select %and3A_301, %add3A_303, %rem3A_289 : vector<16xi1>, vector<16xi32>
        %broadcast_in_dim3A_305 = vector.shape_cast %select_n3A_304 : vector<16xi32> to vector<16x1xi32>
        %gather3A_306 = vector.shape_cast %broadcast_in_dim3A_305 : vector<16x1xi32> to vector<16xi32>
        %gather3A_307 = tpu.dynamic_gather %add3A_278[%gather3A_306] in [0] : vector<16xf32>, vector<16xi32> -> vector<16xf32>
        %add3A_308 = arith.addf %add3A_278, %gather3A_307 : vector<16xf32>
        %add3A_309 = arith.constant 4 : i32
        %add3A_310 = vector.broadcast %add3A_309 : i32 to vector<16xi32>
        %add3A_311 = arith.addi %iota3A_279, %add3A_310 : vector<16xi32>
        %jit3A_312 = arith.constant 16 : i32
        %eq3A_313 = arith.constant 0 : i32
        %eq3A_314 = arith.cmpi eq, %jit3A_312, %eq3A_313 : i32
        %jit3A_315 = arith.constant 1 : i32
        %select_n3A_316 = arith.select %eq3A_314, %jit3A_315, %jit3A_312 : i32
        %rem3A_317 = vector.broadcast %select_n3A_316 : i32 to vector<16xi32>
        %rem3A_318 = arith.remsi %add3A_311, %rem3A_317 : vector<16xi32>
        %ne3A_319 = arith.constant 0 : i32
        %ne3A_320 = vector.broadcast %ne3A_319 : i32 to vector<16xi32>
        %ne3A_321 = arith.cmpi ne, %rem3A_318, %ne3A_320 : vector<16xi32>
        %lt3A_322 = arith.constant 0 : i32
        %lt3A_323 = vector.broadcast %lt3A_322 : i32 to vector<16xi32>
        %lt3A_324 = arith.cmpi slt, %rem3A_318, %lt3A_323 : vector<16xi32>
        %lt3A_325 = arith.constant 0 : i32
        %lt3A_326 = arith.cmpi slt, %select_n3A_316, %lt3A_325 : i32
        %ne3A_327 = vector.broadcast %lt3A_326 : i1 to vector<16xi1>
        %ne3A_328 = vector.broadcast %ne3A_327 : vector<16xi1> to vector<16xi1>
        %ne3A_329 = arith.xori %lt3A_324, %ne3A_328 : vector<16xi1>
        %and3A_330 = arith.andi %ne3A_329, %ne3A_321 : vector<16xi1>
        %add3A_331 = vector.broadcast %select_n3A_316 : i32 to vector<16xi32>
        %add3A_332 = arith.addi %rem3A_318, %add3A_331 : vector<16xi32>
        %select_n3A_333 = arith.select %and3A_330, %add3A_332, %rem3A_318 : vector<16xi1>, vector<16xi32>
        %broadcast_in_dim3A_334 = vector.shape_cast %select_n3A_333 : vector<16xi32> to vector<16x1xi32>
        %gather3A_335 = vector.shape_cast %broadcast_in_dim3A_334 : vector<16x1xi32> to vector<16xi32>
        %gather3A_336 = tpu.dynamic_gather %add3A_308[%gather3A_335] in [0] : vector<16xf32>, vector<16xi32> -> vector<16xf32>
        %add3A_337 = arith.addf %add3A_308, %gather3A_336 : vector<16xf32>
        %add3A_338 = arith.constant 2 : i32
        %add3A_339 = vector.broadcast %add3A_338 : i32 to vector<16xi32>
        %add3A_340 = arith.addi %iota3A_279, %add3A_339 : vector<16xi32>
        %jit3A_341 = arith.constant 16 : i32
        %eq3A_342 = arith.constant 0 : i32
        %eq3A_343 = arith.cmpi eq, %jit3A_341, %eq3A_342 : i32
        %jit3A_344 = arith.constant 1 : i32
        %select_n3A_345 = arith.select %eq3A_343, %jit3A_344, %jit3A_341 : i32
        %rem3A_346 = vector.broadcast %select_n3A_345 : i32 to vector<16xi32>
        %rem3A_347 = arith.remsi %add3A_340, %rem3A_346 : vector<16xi32>
        %ne3A_348 = arith.constant 0 : i32
        %ne3A_349 = vector.broadcast %ne3A_348 : i32 to vector<16xi32>
        %ne3A_350 = arith.cmpi ne, %rem3A_347, %ne3A_349 : vector<16xi32>
        %lt3A_351 = arith.constant 0 : i32
        %lt3A_352 = vector.broadcast %lt3A_351 : i32 to vector<16xi32>
        %lt3A_353 = arith.cmpi slt, %rem3A_347, %lt3A_352 : vector<16xi32>
        %lt3A_354 = arith.constant 0 : i32
        %lt3A_355 = arith.cmpi slt, %select_n3A_345, %lt3A_354 : i32
        %ne3A_356 = vector.broadcast %lt3A_355 : i1 to vector<16xi1>
        %ne3A_357 = vector.broadcast %ne3A_356 : vector<16xi1> to vector<16xi1>
        %ne3A_358 = arith.xori %lt3A_353, %ne3A_357 : vector<16xi1>
        %and3A_359 = arith.andi %ne3A_358, %ne3A_350 : vector<16xi1>
        %add3A_360 = vector.broadcast %select_n3A_345 : i32 to vector<16xi32>
        %add3A_361 = arith.addi %rem3A_347, %add3A_360 : vector<16xi32>
        %select_n3A_362 = arith.select %and3A_359, %add3A_361, %rem3A_347 : vector<16xi1>, vector<16xi32>
        %broadcast_in_dim3A_363 = vector.shape_cast %select_n3A_362 : vector<16xi32> to vector<16x1xi32>
        %gather3A_364 = vector.shape_cast %broadcast_in_dim3A_363 : vector<16x1xi32> to vector<16xi32>
        %gather3A_365 = tpu.dynamic_gather %add3A_337[%gather3A_364] in [0] : vector<16xf32>, vector<16xi32> -> vector<16xf32>
        %add3A_366 = arith.addf %add3A_337, %gather3A_365 : vector<16xf32>
        %add3A_367 = arith.constant 1 : i32
        %add3A_368 = vector.broadcast %add3A_367 : i32 to vector<16xi32>
        %add3A_369 = arith.addi %iota3A_279, %add3A_368 : vector<16xi32>
        %jit3A_370 = arith.constant 16 : i32
        %eq3A_371 = arith.constant 0 : i32
        %eq3A_372 = arith.cmpi eq, %jit3A_370, %eq3A_371 : i32
        %jit3A_373 = arith.constant 1 : i32
        %select_n3A_374 = arith.select %eq3A_372, %jit3A_373, %jit3A_370 : i32
        %rem3A_375 = vector.broadcast %select_n3A_374 : i32 to vector<16xi32>
        %rem3A_376 = arith.remsi %add3A_369, %rem3A_375 : vector<16xi32>
        %ne3A_377 = arith.constant 0 : i32
        %ne3A_378 = vector.broadcast %ne3A_377 : i32 to vector<16xi32>
        %ne3A_379 = arith.cmpi ne, %rem3A_376, %ne3A_378 : vector<16xi32>
        %lt3A_380 = arith.constant 0 : i32
        %lt3A_381 = vector.broadcast %lt3A_380 : i32 to vector<16xi32>
        %lt3A_382 = arith.cmpi slt, %rem3A_376, %lt3A_381 : vector<16xi32>
        %lt3A_383 = arith.constant 0 : i32
        %lt3A_384 = arith.cmpi slt, %select_n3A_374, %lt3A_383 : i32
        %ne3A_385 = vector.broadcast %lt3A_384 : i1 to vector<16xi1>
        %ne3A_386 = vector.broadcast %ne3A_385 : vector<16xi1> to vector<16xi1>
        %ne3A_387 = arith.xori %lt3A_382, %ne3A_386 : vector<16xi1>
        %and3A_388 = arith.andi %ne3A_387, %ne3A_379 : vector<16xi1>
        %add3A_389 = vector.broadcast %select_n3A_374 : i32 to vector<16xi32>
        %add3A_390 = arith.addi %rem3A_376, %add3A_389 : vector<16xi32>
        %select_n3A_391 = arith.select %and3A_388, %add3A_390, %rem3A_376 : vector<16xi1>, vector<16xi32>
        %broadcast_in_dim3A_392 = vector.shape_cast %select_n3A_391 : vector<16xi32> to vector<16x1xi32>
        %gather3A_393 = vector.shape_cast %broadcast_in_dim3A_392 : vector<16x1xi32> to vector<16xi32>
        %gather3A_394 = tpu.dynamic_gather %add3A_366[%gather3A_393] in [0] : vector<16xf32>, vector<16xi32> -> vector<16xf32>
        %add3A_395 = arith.addf %add3A_366, %gather3A_394 : vector<16xf32>
        %exp3A = math.exp %add3A_275 : vector<16xf32>
        %exp3A_396 = math.exp %add3A_395 : vector<16xf32>
        %mul3A_397 = arith.mulf %get3A_115, %exp3A : vector<16xf32>
        %swap3A = arith.index_cast %scan3A_100 : i32 to index
        %swap3A_398 = arith.constant 0 : index
        %swap3A_399 = tpu.vector_load %arg11[%swap3A, %swap3A_398] {strides = array<i32>} : memref<128x128xf32, #tpu.memory_space<vmem>>, vector<1x16xf32>,
        %swap3A_400 = vector.shape_cast %swap3A_399 : vector<1x16xf32> to vector<16xf32>
        %swap3A_401 = vector.shape_cast %mul3A_397 : vector<16xf32> to vector<1x16xf32>
        tpu.vector_store %arg11[%swap3A, %swap3A_398], %swap3A_401 {strides = array<i32>} : memref<128x128xf32, #tpu.memory_space<vmem>>, vector<1x16xf32>,
        %mul3A_402 = arith.mulf %get3A_119, %exp3A : vector<16xf32>
        %swap3A_403 = arith.index_cast %scan3A_100 : i32 to index
        %swap3A_404 = arith.constant 16 : index
        %swap3A_405 = tpu.vector_load %arg11[%swap3A_403, %swap3A_404] {strides = array<i32>} : memref<128x128xf32, #tpu.memory_space<vmem>>, vector<1x16xf32>,
        %swap3A_406 = vector.shape_cast %swap3A_405 : vector<1x16xf32> to vector<16xf32>
        %swap3A_407 = vector.shape_cast %mul3A_402 : vector<16xf32> to vector<1x16xf32>
        tpu.vector_store %arg11[%swap3A_403, %swap3A_404], %swap3A_407 {strides = array<i32>} : memref<128x128xf32, #tpu.memory_space<vmem>>, vector<1x16xf32>,
        %mul3A_408 = arith.mulf %get3A_123, %exp3A_396 : vector<16xf32>
        %swap3A_409 = arith.index_cast %scan3A_100 : i32 to index
        %swap3A_410 = arith.constant 32 : index
        %swap3A_411 = tpu.vector_load %arg11[%swap3A_409, %swap3A_410] {strides = array<i32>} : memref<128x128xf32, #tpu.memory_space<vmem>>, vector<1x16xf32>,
        %swap3A_412 = vector.shape_cast %swap3A_411 : vector<1x16xf32> to vector<16xf32>
        %swap3A_413 = vector.shape_cast %mul3A_408 : vector<16xf32> to vector<1x16xf32>
        tpu.vector_store %arg11[%swap3A_409, %swap3A_410], %swap3A_413 {strides = array<i32>} : memref<128x128xf32, #tpu.memory_space<vmem>>, vector<1x16xf32>,
        %mul3A_414 = arith.mulf %get3A_127, %exp3A_396 : vector<16xf32>
        %swap3A_415 = arith.index_cast %scan3A_100 : i32 to index
        %swap3A_416 = arith.constant 48 : index
        %swap3A_417 = tpu.vector_load %arg11[%swap3A_415, %swap3A_416] {strides = array<i32>} : memref<128x128xf32, #tpu.memory_space<vmem>>, vector<1x16xf32>,
        %swap3A_418 = vector.shape_cast %swap3A_417 : vector<1x16xf32> to vector<16xf32>
        %swap3A_419 = vector.shape_cast %mul3A_414 : vector<16xf32> to vector<1x16xf32>
        tpu.vector_store %arg11[%swap3A_415, %swap3A_416], %swap3A_419 {strides = array<i32>} : memref<128x128xf32, #tpu.memory_space<vmem>>, vector<1x16xf32>,
        %iota3A_420 = tpu.iota {dimensions = array<i32: 0>} : vector<16xi32>
        %eq3A_421 = arith.constant 0 : i32
        %eq3A_422 = vector.broadcast %eq3A_421 : i32 to vector<16xi32>
        %eq3A_423 = arith.cmpi eq, %iota3A_420, %eq3A_422 : vector<16xi32>
        %eq3A_424 = arith.constant 1 : i32
        %eq3A_425 = vector.broadcast %eq3A_424 : i32 to vector<16xi32>
        %eq3A_426 = arith.cmpi eq, %iota3A_420, %eq3A_425 : vector<16xi32>
        %broadcast_in_dim3A_427 = arith.constant 0.000000e+00 : f32
        %broadcast_in_dim3A_428 = vector.broadcast %broadcast_in_dim3A_427 : f32 to vector<16xf32>
        %select_n3A_429 = arith.select %eq3A_426, %exp3A_396, %broadcast_in_dim3A_428 : vector<16xi1>, vector<16xf32>
        %select_n3A_430 = arith.select %eq3A_423, %exp3A, %select_n3A_429 : vector<16xi1>, vector<16xf32>
        %swap3A_431 = arith.index_cast %scan3A_100 : i32 to index
        %swap3A_432 = arith.constant 64 : index
        %swap3A_433 = tpu.vector_load %arg11[%swap3A_431, %swap3A_432] {strides = array<i32>} : memref<128x128xf32, #tpu.memory_space<vmem>>, vector<1x16xf32>,
        %swap3A_434 = vector.shape_cast %swap3A_433 : vector<1x16xf32> to vector<16xf32>
        %swap3A_435 = vector.shape_cast %select_n3A_430 : vector<16xf32> to vector<1x16xf32>
        tpu.vector_store %arg11[%swap3A_431, %swap3A_432], %swap3A_435 {strides = array<i32>} : memref<128x128xf32, #tpu.memory_space<vmem>>, vector<1x16xf32>,
      }
      %scan3A_99 = arith.constant 128 : i32
      "tpu.region"() ({
        %run_scoped3A = tpu.sem_alloc : memref<!tpu.dma_semaphore, #tpu.memory_space<semaphore_mem>>
        %dma_start3A_100 = arith.constant 0 : i32
        %dma_start3A_101 = arith.constant 0 : i32
        %dma_start3A_102 = tpu.memref_slice %arg13[%dma_start3A_100, %dma_start3A_101] : memref<10000x128xf32, #tpu.memory_space<vmem_shared>> -> memref<10000x128xf32, #tpu.memory_space<vmem_shared>>
        tpu.enqueue_indirect_dma source(%arg11 : memref<128x128xf32, #tpu.memory_space<vmem>>) target(%dma_start3A_102 : memref<10000x128xf32, #tpu.memory_space<vmem_shared>>) offsets(%arg8 : memref<128xi32, #tpu.memory_space<vmem>>) semaphore(%run_scoped3A : memref<!tpu.dma_semaphore, #tpu.memory_space<semaphore_mem>>) {add = true}
        %dma_wait3A_103 = arith.constant 0 : i32
        %dma_wait3A_104 = arith.constant 0 : i32
        %dma_wait3A_105 = tpu.memref_slice %arg13[%dma_wait3A_103, %dma_wait3A_104] : memref<10000x128xf32, #tpu.memory_space<vmem_shared>> -> memref<10000x128xf32, #tpu.memory_space<vmem_shared>>
        tpu.wait_indirect_dma semaphore(%run_scoped3A : memref<!tpu.dma_semaphore, #tpu.memory_space<semaphore_mem>>) src(%arg11 : memref<128x128xf32, #tpu.memory_space<vmem>>) dst(%dma_wait3A_105 : memref<10000x128xf32, #tpu.memory_space<vmem_shared>>)
        tpu.yield
      }) : () -> ()
    }
    %barrier3A_37 = arith.constant 0 : index
    tpu.barrier barrier_id(%barrier3A_37)
    %mul3A_38 = arith.constant 624 : i32
    %mul3A_39 = arith.muli %arg1, %mul3A_38 : i32
    %add3A_40 = arith.constant 0 : i32
    %add3A_41 = arith.addi %mul3A_39, %add3A_40 : i32
    %mul3A_42 = arith.constant 624 : i32
    %mul3A_43 = arith.muli %arg1, %mul3A_42 : i32
    %add3A_44 = arith.constant 0 : i32
    %add3A_45 = arith.addi %mul3A_43, %add3A_44 : i32
    "tpu.region"() ({
      %run_scoped3A = tpu.sem_alloc : memref<!tpu.dma_semaphore, #tpu.memory_space<semaphore_mem>>
      %dma_start3A = arith.constant 0 : i32
      %dma_start3A_78 = tpu.memref_slice %arg6[%arg0, %add3A_45, %dma_start3A] : memref<2x10000x128xf32, #tpu.memory_space<hbm>> -> memref<1x128x128xf32, #tpu.memory_space<hbm>>
      %dma_start3A_79 = tpu.memref_squeeze %dma_start3A_78 : memref<1x128x128xf32, #tpu.memory_space<hbm>> -> memref<128x128xf32, #tpu.memory_space<hbm>>
      %dma_start3A_80 = arith.constant 0 : i32
      %dma_start3A_81 = tpu.memref_slice %arg13[%add3A_41, %dma_start3A_80] : memref<10000x128xf32, #tpu.memory_space<vmem_shared>> -> memref<128x128xf32, #tpu.memory_space<vmem_shared>>
      tpu.enqueue_dma source(%dma_start3A_81 : memref<128x128xf32, #tpu.memory_space<vmem_shared>>) target(%dma_start3A_79 : memref<128x128xf32, #tpu.memory_space<hbm>>) target_semaphore(%run_scoped3A : memref<!tpu.dma_semaphore, #tpu.memory_space<semaphore_mem>>)
      %dma_wait3A = arith.constant 0 : i32
      %dma_wait3A_82 = tpu.memref_slice %arg6[%arg0, %add3A_45, %dma_wait3A] : memref<2x10000x128xf32, #tpu.memory_space<hbm>> -> memref<1x128x128xf32, #tpu.memory_space<hbm>>
      %dma_wait3A_83 = tpu.memref_squeeze %dma_wait3A_82 : memref<1x128x128xf32, #tpu.memory_space<hbm>> -> memref<128x128xf32, #tpu.memory_space<hbm>>
      %dma_wait3A_84 = arith.constant 0 : i32
      %dma_wait3A_85 = tpu.memref_slice %arg13[%add3A_41, %dma_wait3A_84] : memref<10000x128xf32, #tpu.memory_space<vmem_shared>> -> memref<128x128xf32, #tpu.memory_space<vmem_shared>>
      tpu.wait_dma2 semaphore(%run_scoped3A : memref<!tpu.dma_semaphore, #tpu.memory_space<semaphore_mem>>) src(%dma_wait3A_85 : memref<128x128xf32, #tpu.memory_space<vmem_shared>>) dst(%dma_wait3A_83 : memref<128x128xf32, #tpu.memory_space<hbm>>)
      tpu.yield
    }) : () -> ()
    %mul3A_46 = arith.constant 624 : i32
    %mul3A_47 = arith.muli %arg1, %mul3A_46 : i32
    %add3A_48 = arith.constant 128 : i32
    %add3A_49 = arith.addi %mul3A_47, %add3A_48 : i32
    %mul3A_50 = arith.constant 624 : i32
    %mul3A_51 = arith.muli %arg1, %mul3A_50 : i32
    %add3A_52 = arith.constant 128 : i32
    %add3A_53 = arith.addi %mul3A_51, %add3A_52 : i32
    "tpu.region"() ({
      %run_scoped3A = tpu.sem_alloc : memref<!tpu.dma_semaphore, #tpu.memory_space<semaphore_mem>>
      %dma_start3A = arith.constant 0 : i32
      %dma_start3A_78 = tpu.memref_slice %arg6[%arg0, %add3A_53, %dma_start3A] : memref<2x10000x128xf32, #tpu.memory_space<hbm>> -> memref<1x128x128xf32, #tpu.memory_space<hbm>>
      %dma_start3A_79 = tpu.memref_squeeze %dma_start3A_78 : memref<1x128x128xf32, #tpu.memory_space<hbm>> -> memref<128x128xf32, #tpu.memory_space<hbm>>
      %dma_start3A_80 = arith.constant 0 : i32
      %dma_start3A_81 = tpu.memref_slice %arg13[%add3A_49, %dma_start3A_80] : memref<10000x128xf32, #tpu.memory_space<vmem_shared>> -> memref<128x128xf32, #tpu.memory_space<vmem_shared>>
      tpu.enqueue_dma source(%dma_start3A_81 : memref<128x128xf32, #tpu.memory_space<vmem_shared>>) target(%dma_start3A_79 : memref<128x128xf32, #tpu.memory_space<hbm>>) target_semaphore(%run_scoped3A : memref<!tpu.dma_semaphore, #tpu.memory_space<semaphore_mem>>)
      %dma_wait3A = arith.constant 0 : i32
      %dma_wait3A_82 = tpu.memref_slice %arg6[%arg0, %add3A_53, %dma_wait3A] : memref<2x10000x128xf32, #tpu.memory_space<hbm>> -> memref<1x128x128xf32, #tpu.memory_space<hbm>>
      %dma_wait3A_83 = tpu.memref_squeeze %dma_wait3A_82 : memref<1x128x128xf32, #tpu.memory_space<hbm>> -> memref<128x128xf32, #tpu.memory_space<hbm>>
      %dma_wait3A_84 = arith.constant 0 : i32
      %dma_wait3A_85 = tpu.memref_slice %arg13[%add3A_49, %dma_wait3A_84] : memref<10000x128xf32, #tpu.memory_space<vmem_shared>> -> memref<128x128xf32, #tpu.memory_space<vmem_shared>>
      tpu.wait_dma2 semaphore(%run_scoped3A : memref<!tpu.dma_semaphore, #tpu.memory_space<semaphore_mem>>) src(%dma_wait3A_85 : memref<128x128xf32, #tpu.memory_space<vmem_shared>>) dst(%dma_wait3A_83 : memref<128x128xf32, #tpu.memory_space<hbm>>)
      tpu.yield
    }) : () -> ()
    %mul3A_54 = arith.constant 624 : i32
    %mul3A_55 = arith.muli %arg1, %mul3A_54 : i32
    %add3A_56 = arith.constant 256 : i32
    %add3A_57 = arith.addi %mul3A_55, %add3A_56 : i32
    %mul3A_58 = arith.constant 624 : i32
    %mul3A_59 = arith.muli %arg1, %mul3A_58 : i32
    %add3A_60 = arith.constant 256 : i32
    %add3A_61 = arith.addi %mul3A_59, %add3A_60 : i32
    "tpu.region"() ({
      %run_scoped3A = tpu.sem_alloc : memref<!tpu.dma_semaphore, #tpu.memory_space<semaphore_mem>>
      %dma_start3A = arith.constant 0 : i32
      %dma_start3A_78 = tpu.memref_slice %arg6[%arg0, %add3A_61, %dma_start3A] : memref<2x10000x128xf32, #tpu.memory_space<hbm>> -> memref<1x128x128xf32, #tpu.memory_space<hbm>>
      %dma_start3A_79 = tpu.memref_squeeze %dma_start3A_78 : memref<1x128x128xf32, #tpu.memory_space<hbm>> -> memref<128x128xf32, #tpu.memory_space<hbm>>
      %dma_start3A_80 = arith.constant 0 : i32
      %dma_start3A_81 = tpu.memref_slice %arg13[%add3A_57, %dma_start3A_80] : memref<10000x128xf32, #tpu.memory_space<vmem_shared>> -> memref<128x128xf32, #tpu.memory_space<vmem_shared>>
      tpu.enqueue_dma source(%dma_start3A_81 : memref<128x128xf32, #tpu.memory_space<vmem_shared>>) target(%dma_start3A_79 : memref<128x128xf32, #tpu.memory_space<hbm>>) target_semaphore(%run_scoped3A : memref<!tpu.dma_semaphore, #tpu.memory_space<semaphore_mem>>)
      %dma_wait3A = arith.constant 0 : i32
      %dma_wait3A_82 = tpu.memref_slice %arg6[%arg0, %add3A_61, %dma_wait3A] : memref<2x10000x128xf32, #tpu.memory_space<hbm>> -> memref<1x128x128xf32, #tpu.memory_space<hbm>>
      %dma_wait3A_83 = tpu.memref_squeeze %dma_wait3A_82 : memref<1x128x128xf32, #tpu.memory_space<hbm>> -> memref<128x128xf32, #tpu.memory_space<hbm>>
      %dma_wait3A_84 = arith.constant 0 : i32
      %dma_wait3A_85 = tpu.memref_slice %arg13[%add3A_57, %dma_wait3A_84] : memref<10000x128xf32, #tpu.memory_space<vmem_shared>> -> memref<128x128xf32, #tpu.memory_space<vmem_shared>>
      tpu.wait_dma2 semaphore(%run_scoped3A : memref<!tpu.dma_semaphore, #tpu.memory_space<semaphore_mem>>) src(%dma_wait3A_85 : memref<128x128xf32, #tpu.memory_space<vmem_shared>>) dst(%dma_wait3A_83 : memref<128x128xf32, #tpu.memory_space<hbm>>)
      tpu.yield
    }) : () -> ()
    %mul3A_62 = arith.constant 624 : i32
    %mul3A_63 = arith.muli %arg1, %mul3A_62 : i32
    %add3A_64 = arith.constant 384 : i32
    %add3A_65 = arith.addi %mul3A_63, %add3A_64 : i32
    %mul3A_66 = arith.constant 624 : i32
    %mul3A_67 = arith.muli %arg1, %mul3A_66 : i32
    %add3A_68 = arith.constant 384 : i32
    %add3A_69 = arith.addi %mul3A_67, %add3A_68 : i32
    "tpu.region"() ({
      %run_scoped3A = tpu.sem_alloc : memref<!tpu.dma_semaphore, #tpu.memory_space<semaphore_mem>>
      %dma_start3A = arith.constant 0 : i32
      %dma_start3A_78 = tpu.memref_slice %arg6[%arg0, %add3A_69, %dma_start3A] : memref<2x10000x128xf32, #tpu.memory_space<hbm>> -> memref<1x128x128xf32, #tpu.memory_space<hbm>>
      %dma_start3A_79 = tpu.memref_squeeze %dma_start3A_78 : memref<1x128x128xf32, #tpu.memory_space<hbm>> -> memref<128x128xf32, #tpu.memory_space<hbm>>
      %dma_start3A_80 = arith.constant 0 : i32
      %dma_start3A_81 = tpu.memref_slice %arg13[%add3A_65, %dma_start3A_80] : memref<10000x128xf32, #tpu.memory_space<vmem_shared>> -> memref<128x128xf32, #tpu.memory_space<vmem_shared>>
      tpu.enqueue_dma source(%dma_start3A_81 : memref<128x128xf32, #tpu.memory_space<vmem_shared>>) target(%dma_start3A_79 : memref<128x128xf32, #tpu.memory_space<hbm>>) target_semaphore(%run_scoped3A : memref<!tpu.dma_semaphore, #tpu.memory_space<semaphore_mem>>)
      %dma_wait3A = arith.constant 0 : i32
      %dma_wait3A_82 = tpu.memref_slice %arg6[%arg0, %add3A_69, %dma_wait3A] : memref<2x10000x128xf32, #tpu.memory_space<hbm>> -> memref<1x128x128xf32, #tpu.memory_space<hbm>>
      %dma_wait3A_83 = tpu.memref_squeeze %dma_wait3A_82 : memref<1x128x128xf32, #tpu.memory_space<hbm>> -> memref<128x128xf32, #tpu.memory_space<hbm>>
      %dma_wait3A_84 = arith.constant 0 : i32
      %dma_wait3A_85 = tpu.memref_slice %arg13[%add3A_65, %dma_wait3A_84] : memref<10000x128xf32, #tpu.memory_space<vmem_shared>> -> memref<128x128xf32, #tpu.memory_space<vmem_shared>>
      tpu.wait_dma2 semaphore(%run_scoped3A : memref<!tpu.dma_semaphore, #tpu.memory_space<semaphore_mem>>) src(%dma_wait3A_85 : memref<128x128xf32, #tpu.memory_space<vmem_shared>>) dst(%dma_wait3A_83 : memref<128x128xf32, #tpu.memory_space<hbm>>)
      tpu.yield
    }) : () -> ()
    %mul3A_70 = arith.constant 624 : i32
    %mul3A_71 = arith.muli %arg1, %mul3A_70 : i32
    %add3A_72 = arith.constant 512 : i32
    %add3A_73 = arith.addi %mul3A_71, %add3A_72 : i32
    %mul3A_74 = arith.constant 624 : i32
    %mul3A_75 = arith.muli %arg1, %mul3A_74 : i32
    %add3A_76 = arith.constant 512 : i32
    %add3A_77 = arith.addi %mul3A_75, %add3A_76 : i32
    "tpu.region"() ({
      %run_scoped3A = tpu.sem_alloc : memref<!tpu.dma_semaphore, #tpu.memory_space<semaphore_mem>>
      %dma_start3A = arith.constant 0 : i32
      %dma_start3A_78 = tpu.memref_slice %arg6[%arg0, %add3A_77, %dma_start3A] : memref<2x10000x128xf32, #tpu.memory_space<hbm>> -> memref<1x128x128xf32, #tpu.memory_space<hbm>>
      %dma_start3A_79 = tpu.memref_squeeze %dma_start3A_78 : memref<1x128x128xf32, #tpu.memory_space<hbm>> -> memref<128x128xf32, #tpu.memory_space<hbm>>
      %dma_start3A_80 = arith.constant 0 : i32
      %dma_start3A_81 = tpu.memref_slice %arg13[%add3A_73, %dma_start3A_80] : memref<10000x128xf32, #tpu.memory_space<vmem_shared>> -> memref<128x128xf32, #tpu.memory_space<vmem_shared>>
      tpu.enqueue_dma source(%dma_start3A_81 : memref<128x128xf32, #tpu.memory_space<vmem_shared>>) target(%dma_start3A_79 : memref<128x128xf32, #tpu.memory_space<hbm>>) target_semaphore(%run_scoped3A : memref<!tpu.dma_semaphore, #tpu.memory_space<semaphore_mem>>)
      %dma_wait3A = arith.constant 0 : i32
      %dma_wait3A_82 = tpu.memref_slice %arg6[%arg0, %add3A_77, %dma_wait3A] : memref<2x10000x128xf32, #tpu.memory_space<hbm>> -> memref<1x128x128xf32, #tpu.memory_space<hbm>>
      %dma_wait3A_83 = tpu.memref_squeeze %dma_wait3A_82 : memref<1x128x128xf32, #tpu.memory_space<hbm>> -> memref<128x128xf32, #tpu.memory_space<hbm>>
      %dma_wait3A_84 = arith.constant 0 : i32
      %dma_wait3A_85 = tpu.memref_slice %arg13[%add3A_73, %dma_wait3A_84] : memref<10000x128xf32, #tpu.memory_space<vmem_shared>> -> memref<128x128xf32, #tpu.memory_space<vmem_shared>>
      tpu.wait_dma2 semaphore(%run_scoped3A : memref<!tpu.dma_semaphore, #tpu.memory_space<semaphore_mem>>) src(%dma_wait3A_85 : memref<128x128xf32, #tpu.memory_space<vmem_shared>>) dst(%dma_wait3A_83 : memref<128x128xf32, #tpu.memory_space<hbm>>)
      tpu.yield
    }) : () -> ()
    return
  }
}

module attributes {stable_mosaic.version = 14 : i64} {
  func.func @body(%arg0: i32, %arg1: memref<1000x128xf32, #tpu.memory_space<vmem>>, %arg2: memref<128x128xf32, #tpu.memory_space<vmem>>, %arg3: memref<1000x128xf32, #tpu.memory_space<vmem>>) attributes {dimension_semantics = [#tpu.dimension_semantics<arbitrary>], iteration_bounds = array<i64: 10>, scalar_prefetch = 0 : i64, scratch_operands = 0 : i64, tpu.core_type = #tpu.core_type<tc>, window_params = [{transform_indices = @transform_0, window_bounds = array<i64: 1000, 128>}, {pipeline_mode = #tpu.pipeline_mode<synchronous>, transform_indices = @transform_1, window_bounds = array<i64: 128, 128>}, {transform_indices = @transform_2, window_bounds = array<i64: 1000, 128>}]} {
    %get3A = arith.constant 0 : index
    %get3A_0 = arith.constant 0 : index
    %get3A_1 = vector.load %arg1[%get3A, %get3A_0] : memref<1000x128xf32, #tpu.memory_space<vmem>>, vector<1000x128xf32>
    %get3A_2 = arith.constant 0 : index
    %get3A_3 = arith.constant 0 : index
    %get3A_4 = vector.load %arg2[%get3A_2, %get3A_3] : memref<128x128xf32, #tpu.memory_space<vmem>>, vector<128x128xf32>
    %dot_general3A = arith.constant dense<0.000000e+00> : vector<1000x128xf32>
    %dot_general3A_5 = tpu.matmul %get3A_1, %get3A_4, %dot_general3A {dimension_numbers = #tpu.dot_dimension_numbers<[1], [0], [0], [1], [0, 0, 1, 1], [], []>, transpose_lhs_hint = false} : vector<1000x128xf32>, vector<128x128xf32>, vector<1000x128xf32> -> vector<1000x128xf32>
    %swap3A = arith.constant 0 : index
    %swap3A_6 = arith.constant 0 : index
    %swap3A_7 = vector.load %arg3[%swap3A, %swap3A_6] : memref<1000x128xf32, #tpu.memory_space<vmem>>, vector<1000x128xf32>
    tpu.vector_store %arg3[%swap3A, %swap3A_6], %dot_general3A_5 {strides = array<i32>} : memref<1000x128xf32, #tpu.memory_space<vmem>>, vector<1000x128xf32>,
    return
  }
  func.func @transform_0(%arg0: i32) -> (i32, i32) {
    %c0_i32 = arith.constant 0 : i32
    %c0_i32_0 = arith.constant 0 : i32
    return %arg0, %c0_i32 : i32, i32
  }
  func.func @transform_1(%arg0: i32) -> (i32, i32) {
    %c0_i32 = arith.constant 0 : i32
    %c0_i32_0 = arith.constant 0 : i32
    %c0_i32_1 = arith.constant 0 : i32
    return %c0_i32, %c0_i32_0 : i32, i32
  }
  func.func @transform_2(%arg0: i32) -> (i32, i32) {
    %c0_i32 = arith.constant 0 : i32
    %c0_i32_0 = arith.constant 0 : i32
    return %arg0, %c0_i32 : i32, i32
  }
}

module attributes {stable_mosaic.version = 14 : i64} {
  func.func @body(%arg0: i32, %arg1: memref<1000x128xf32, #tpu.memory_space<vmem>>, %arg2: memref<2x1000x128xf32, #tpu.memory_space<vmem>>, %arg3: memref<1x64xf32, #tpu.memory_space<vmem>>, %arg4: memref<1x64xf32, #tpu.memory_space<vmem>>, %arg5: memref<1000x64xf32, #tpu.memory_space<vmem>>) attributes {dimension_semantics = [#tpu.dimension_semantics<arbitrary>], iteration_bounds = array<i64: 10>, scalar_prefetch = 0 : i64, scratch_operands = 0 : i64, tpu.core_type = #tpu.core_type<tc>, window_params = [{transform_indices = @transform_0, window_bounds = array<i64: 1000, 128>}, {transform_indices = @transform_1, window_bounds = array<i64: 2, 1000, 128>}, {pipeline_mode = #tpu.pipeline_mode<synchronous>, transform_indices = @transform_2, window_bounds = array<i64: 1, 64>}, {pipeline_mode = #tpu.pipeline_mode<synchronous>, transform_indices = @transform_3, window_bounds = array<i64: 1, 64>}, {transform_indices = @transform_4, window_bounds = array<i64: 1000, 64>}]} {
    %get3A = arith.constant 0 : index
    %get3A_0 = arith.constant 0 : index
    %get3A_1 = vector.load %arg1[%get3A, %get3A_0] : memref<1000x128xf32, #tpu.memory_space<vmem>>, vector<1000x128xf32>
    %get3A_2 = arith.constant 0 : index
    %get3A_3 = arith.constant 0 : index
    %get3A_4 = arith.constant 0 : index
    %get3A_5 = vector.load %arg2[%get3A_2, %get3A_3, %get3A_4] : memref<2x1000x128xf32, #tpu.memory_space<vmem>>, vector<2x1000x128xf32>
    %get3A_6 = arith.constant 0 : index
    %get3A_7 = arith.constant 0 : index
    %get3A_8 = vector.load %arg3[%get3A_6, %get3A_7] : memref<1x64xf32, #tpu.memory_space<vmem>>, vector<1x64xf32>
    %get3A_9 = arith.constant 0 : index
    %get3A_10 = arith.constant 0 : index
    %get3A_11 = vector.load %arg4[%get3A_9, %get3A_10] : memref<1x64xf32, #tpu.memory_space<vmem>>, vector<1x64xf32>
    %slice3A = vector.extract_strided_slice %get3A_1 {offsets = [0, 0], sizes = [1000, 64], strides = [1, 1]} : vector<1000x128xf32> to vector<1000x64xf32>
    %slice3A_12 = vector.extract_strided_slice %get3A_1 {offsets = [0, 64], sizes = [1000, 64], strides = [1, 1]} : vector<1000x128xf32> to vector<1000x64xf32>
    %slice3A_13 = vector.extract_strided_slice %get3A_5 {offsets = [0, 0, 0], sizes = [1, 1000, 128], strides = [1, 1, 1]} : vector<2x1000x128xf32> to vector<1x1000x128xf32>
    %squeeze3A = vector.shape_cast %slice3A_13 : vector<1x1000x128xf32> to vector<1000x128xf32>
    %slice3A_14 = vector.extract_strided_slice %get3A_5 {offsets = [1, 0, 0], sizes = [1, 1000, 128], strides = [1, 1, 1]} : vector<2x1000x128xf32> to vector<1x1000x128xf32>
    %squeeze3A_15 = vector.shape_cast %slice3A_14 : vector<1x1000x128xf32> to vector<1000x128xf32>
    %slice3A_16 = vector.extract_strided_slice %squeeze3A {offsets = [0, 0], sizes = [1000, 64], strides = [1, 1]} : vector<1000x128xf32> to vector<1000x64xf32>
    %slice3A_17 = vector.extract_strided_slice %squeeze3A_15 {offsets = [0, 0], sizes = [1000, 64], strides = [1, 1]} : vector<1000x128xf32> to vector<1000x64xf32>
    %add3A = arith.addf %slice3A_16, %slice3A_17 : vector<1000x64xf32>
    %add3A_18 = arith.addf %slice3A, %slice3A_12 : vector<1000x64xf32>
    %mul3A = arith.constant 2.000000e-01 : f32
    %mul3A_19 = vector.broadcast %mul3A : f32 to vector<1000x64xf32>
    %mul3A_20 = arith.mulf %mul3A_19, %add3A_18 : vector<1000x64xf32>
    %max3A = arith.maximumf %add3A_18, %mul3A_20 : vector<1000x64xf32>
    %mul3A_21 = vector.broadcast %get3A_8 : vector<1x64xf32> to vector<1000x64xf32>
    %mul3A_22 = arith.mulf %max3A, %mul3A_21 : vector<1000x64xf32>
    %iota3A = tpu.iota {dimensions = array<i32: 1>} : vector<1x64xi32>
    %lt3A = arith.constant 32 : i32
    %lt3A_23 = vector.broadcast %lt3A : i32 to vector<1x64xi32>
    %lt3A_24 = arith.cmpi slt, %iota3A, %lt3A_23 : vector<1x64xi32>
    %convert_element_type3A = arith.extui %lt3A_24 : vector<1x64xi1> to vector<1x64xi32>
    %convert_element_type3A_25 = arith.sitofp %convert_element_type3A : vector<1x64xi32> to vector<1x64xf32>
    %sub3A = arith.constant 1.000000e+00 : f32
    %sub3A_26 = vector.broadcast %sub3A : f32 to vector<1x64xf32>
    %sub3A_27 = arith.subf %sub3A_26, %convert_element_type3A_25 : vector<1x64xf32>
    %mul3A_28 = vector.broadcast %convert_element_type3A_25 : vector<1x64xf32> to vector<1000x64xf32>
    %mul3A_29 = arith.mulf %mul3A_22, %mul3A_28 : vector<1000x64xf32>
    %reduce_sum3A = arith.constant dense<0.000000e+00> : vector<1000xf32>
    %reduce_sum3A_30 = vector.multi_reduction <add>, %mul3A_29, %reduce_sum3A [1] : vector<1000x64xf32> to vector<1000xf32>
    %broadcast_in_dim3A = vector.shape_cast %reduce_sum3A_30 : vector<1000xf32> to vector<1000x1xf32>
    %mul3A_31 = vector.broadcast %sub3A_27 : vector<1x64xf32> to vector<1000x64xf32>
    %mul3A_32 = arith.mulf %mul3A_22, %mul3A_31 : vector<1000x64xf32>
    %reduce_sum3A_33 = arith.constant dense<0.000000e+00> : vector<1000xf32>
    %reduce_sum3A_34 = vector.multi_reduction <add>, %mul3A_32, %reduce_sum3A_33 [1] : vector<1000x64xf32> to vector<1000xf32>
    %broadcast_in_dim3A_35 = vector.shape_cast %reduce_sum3A_34 : vector<1000xf32> to vector<1000x1xf32>
    %exp3A = math.exp %broadcast_in_dim3A : vector<1000x1xf32>
    %exp3A_36 = math.exp %broadcast_in_dim3A_35 : vector<1000x1xf32>
    %mul3A_37 = vector.broadcast %exp3A : vector<1000x1xf32> to vector<1000x64xf32>
    %mul3A_38 = vector.broadcast %convert_element_type3A_25 : vector<1x64xf32> to vector<1000x64xf32>
    %mul3A_39 = arith.mulf %mul3A_37, %mul3A_38 : vector<1000x64xf32>
    %mul3A_40 = vector.broadcast %exp3A_36 : vector<1000x1xf32> to vector<1000x64xf32>
    %mul3A_41 = vector.broadcast %sub3A_27 : vector<1x64xf32> to vector<1000x64xf32>
    %mul3A_42 = arith.mulf %mul3A_40, %mul3A_41 : vector<1000x64xf32>
    %add3A_43 = arith.addf %mul3A_39, %mul3A_42 : vector<1000x64xf32>
    %mul3A_44 = arith.mulf %slice3A, %add3A_43 : vector<1000x64xf32>
    %add3A_45 = arith.addf %add3A, %mul3A_44 : vector<1000x64xf32>
    %slice3A_46 = vector.extract_strided_slice %squeeze3A {offsets = [0, 64], sizes = [1000, 1], strides = [1, 1]} : vector<1000x128xf32> to vector<1000x1xf32>
    %slice3A_47 = vector.extract_strided_slice %squeeze3A_15 {offsets = [0, 64], sizes = [1000, 1], strides = [1, 1]} : vector<1000x128xf32> to vector<1000x1xf32>
    %add3A_48 = arith.addf %slice3A_46, %slice3A_47 : vector<1000x1xf32>
    %add3A_49 = arith.addf %add3A_48, %exp3A : vector<1000x1xf32>
    %slice3A_50 = vector.extract_strided_slice %squeeze3A {offsets = [0, 65], sizes = [1000, 1], strides = [1, 1]} : vector<1000x128xf32> to vector<1000x1xf32>
    %slice3A_51 = vector.extract_strided_slice %squeeze3A_15 {offsets = [0, 65], sizes = [1000, 1], strides = [1, 1]} : vector<1000x128xf32> to vector<1000x1xf32>
    %add3A_52 = arith.addf %slice3A_50, %slice3A_51 : vector<1000x1xf32>
    %add3A_53 = arith.addf %add3A_52, %exp3A_36 : vector<1000x1xf32>
    %mul3A_54 = vector.broadcast %add3A_49 : vector<1000x1xf32> to vector<1000x64xf32>
    %mul3A_55 = vector.broadcast %convert_element_type3A_25 : vector<1x64xf32> to vector<1000x64xf32>
    %mul3A_56 = arith.mulf %mul3A_54, %mul3A_55 : vector<1000x64xf32>
    %mul3A_57 = vector.broadcast %add3A_53 : vector<1000x1xf32> to vector<1000x64xf32>
    %mul3A_58 = vector.broadcast %sub3A_27 : vector<1x64xf32> to vector<1000x64xf32>
    %mul3A_59 = arith.mulf %mul3A_57, %mul3A_58 : vector<1000x64xf32>
    %add3A_60 = arith.addf %mul3A_56, %mul3A_59 : vector<1000x64xf32>
    %div3A = arith.divf %add3A_45, %add3A_60 : vector<1000x64xf32>
    %add3A_61 = vector.broadcast %get3A_11 : vector<1x64xf32> to vector<1000x64xf32>
    %add3A_62 = arith.addf %div3A, %add3A_61 : vector<1000x64xf32>
    %mul3A_63 = arith.constant 0.00999999977 : f32
    %mul3A_64 = vector.broadcast %mul3A_63 : f32 to vector<1000x64xf32>
    %mul3A_65 = arith.mulf %mul3A_64, %add3A_62 : vector<1000x64xf32>
    %max3A_66 = arith.maximumf %add3A_62, %mul3A_65 : vector<1000x64xf32>
    %swap3A = arith.constant 0 : index
    %swap3A_67 = arith.constant 0 : index
    %swap3A_68 = vector.load %arg5[%swap3A, %swap3A_67] : memref<1000x64xf32, #tpu.memory_space<vmem>>, vector<1000x64xf32>
    tpu.vector_store %arg5[%swap3A, %swap3A_67], %max3A_66 {strides = array<i32>} : memref<1000x64xf32, #tpu.memory_space<vmem>>, vector<1000x64xf32>,
    return
  }
  func.func @transform_0(%arg0: i32) -> (i32, i32) {
    %c0_i32 = arith.constant 0 : i32
    %c0_i32_0 = arith.constant 0 : i32
    return %arg0, %c0_i32 : i32, i32
  }
  func.func @transform_1(%arg0: i32) -> (i32, i32, i32) {
    %c0_i32 = arith.constant 0 : i32
    %c0_i32_0 = arith.constant 0 : i32
    %c0_i32_1 = arith.constant 0 : i32
    return %c0_i32, %arg0, %c0_i32_0 : i32, i32, i32
  }
  func.func @transform_2(%arg0: i32) -> (i32, i32) {
    %c0_i32 = arith.constant 0 : i32
    %c0_i32_0 = arith.constant 0 : i32
    %c0_i32_1 = arith.constant 0 : i32
    return %c0_i32, %c0_i32_0 : i32, i32
  }
  func.func @transform_3(%arg0: i32) -> (i32, i32) {
    %c0_i32 = arith.constant 0 : i32
    %c0_i32_0 = arith.constant 0 : i32
    %c0_i32_1 = arith.constant 0 : i32
    return %c0_i32, %c0_i32_0 : i32, i32
  }
  func.func @transform_4(%arg0: i32) -> (i32, i32) {
    %c0_i32 = arith.constant 0 : i32
    %c0_i32_0 = arith.constant 0 : i32
    return %arg0, %c0_i32 : i32, i32
  }
}

module attributes {stable_mosaic.version = 14 : i64} {
  func.func @body(%arg0: i32, %arg1: memref<1000x64xf32, #tpu.memory_space<vmem>>, %arg2: memref<64x128xf32, #tpu.memory_space<vmem>>, %arg3: memref<1000x128xf32, #tpu.memory_space<vmem>>) attributes {dimension_semantics = [#tpu.dimension_semantics<arbitrary>], iteration_bounds = array<i64: 10>, scalar_prefetch = 0 : i64, scratch_operands = 0 : i64, tpu.core_type = #tpu.core_type<tc>, window_params = [{transform_indices = @transform_0, window_bounds = array<i64: 1000, 64>}, {pipeline_mode = #tpu.pipeline_mode<synchronous>, transform_indices = @transform_1, window_bounds = array<i64: 64, 128>}, {transform_indices = @transform_2, window_bounds = array<i64: 1000, 128>}]} {
    %get3A = arith.constant 0 : index
    %get3A_0 = arith.constant 0 : index
    %get3A_1 = vector.load %arg1[%get3A, %get3A_0] : memref<1000x64xf32, #tpu.memory_space<vmem>>, vector<1000x64xf32>
    %get3A_2 = arith.constant 0 : index
    %get3A_3 = arith.constant 0 : index
    %get3A_4 = vector.load %arg2[%get3A_2, %get3A_3] : memref<64x128xf32, #tpu.memory_space<vmem>>, vector<64x128xf32>
    %dot_general3A = arith.constant dense<0.000000e+00> : vector<1000x128xf32>
    %dot_general3A_5 = tpu.matmul %get3A_1, %get3A_4, %dot_general3A {dimension_numbers = #tpu.dot_dimension_numbers<[1], [0], [0], [1], [0, 0, 1, 1], [], []>, transpose_lhs_hint = false} : vector<1000x64xf32>, vector<64x128xf32>, vector<1000x128xf32> -> vector<1000x128xf32>
    %swap3A = arith.constant 0 : index
    %swap3A_6 = arith.constant 0 : index
    %swap3A_7 = vector.load %arg3[%swap3A, %swap3A_6] : memref<1000x128xf32, #tpu.memory_space<vmem>>, vector<1000x128xf32>
    tpu.vector_store %arg3[%swap3A, %swap3A_6], %dot_general3A_5 {strides = array<i32>} : memref<1000x128xf32, #tpu.memory_space<vmem>>, vector<1000x128xf32>,
    return
  }
  func.func @transform_0(%arg0: i32) -> (i32, i32) {
    %c0_i32 = arith.constant 0 : i32
    %c0_i32_0 = arith.constant 0 : i32
    return %arg0, %c0_i32 : i32, i32
  }
  func.func @transform_1(%arg0: i32) -> (i32, i32) {
    %c0_i32 = arith.constant 0 : i32
    %c0_i32_0 = arith.constant 0 : i32
    %c0_i32_1 = arith.constant 0 : i32
    return %c0_i32, %c0_i32_0 : i32, i32
  }
  func.func @transform_2(%arg0: i32) -> (i32, i32) {
    %c0_i32 = arith.constant 0 : i32
    %c0_i32_0 = arith.constant 0 : i32
    return %arg0, %c0_i32 : i32, i32
  }
}

module attributes {stable_mosaic.version = 14 : i64} {
  func.func @body(%arg0: i32, %arg1: memref<1000x128xf32, #tpu.memory_space<vmem>>, %arg2: memref<2x1000x128xf32, #tpu.memory_space<vmem>>, %arg3: memref<1x64xf32, #tpu.memory_space<vmem>>, %arg4: memref<1x64xf32, #tpu.memory_space<vmem>>, %arg5: memref<1000x1xi32, #tpu.memory_space<vmem>>, %arg6: memref<64x64xf32, #tpu.memory_space<vmem>>, %arg7: memref<64x1xf32, #tpu.memory_space<vmem>>) attributes {dimension_semantics = [#tpu.dimension_semantics<arbitrary>], iteration_bounds = array<i64: 10>, scalar_prefetch = 0 : i64, scratch_operands = 0 : i64, tpu.core_type = #tpu.core_type<tc>, window_params = [{transform_indices = @transform_0, window_bounds = array<i64: 1000, 128>}, {transform_indices = @transform_1, window_bounds = array<i64: 2, 1000, 128>}, {pipeline_mode = #tpu.pipeline_mode<synchronous>, transform_indices = @transform_2, window_bounds = array<i64: 1, 64>}, {pipeline_mode = #tpu.pipeline_mode<synchronous>, transform_indices = @transform_3, window_bounds = array<i64: 1, 64>}, {transform_indices = @transform_4, window_bounds = array<i64: 1000, 1>}, {pipeline_mode = #tpu.pipeline_mode<synchronous>, transform_indices = @transform_5, window_bounds = array<i64: 64, 64>}, {pipeline_mode = #tpu.pipeline_mode<synchronous>, transform_indices = @transform_6, window_bounds = array<i64: 64, 1>}]} {
    %get3A = arith.constant 0 : index
    %get3A_0 = arith.constant 0 : index
    %get3A_1 = vector.load %arg1[%get3A, %get3A_0] : memref<1000x128xf32, #tpu.memory_space<vmem>>, vector<1000x128xf32>
    %get3A_2 = arith.constant 0 : index
    %get3A_3 = arith.constant 0 : index
    %get3A_4 = arith.constant 0 : index
    %get3A_5 = vector.load %arg2[%get3A_2, %get3A_3, %get3A_4] : memref<2x1000x128xf32, #tpu.memory_space<vmem>>, vector<2x1000x128xf32>
    %get3A_6 = arith.constant 0 : index
    %get3A_7 = arith.constant 0 : index
    %get3A_8 = vector.load %arg3[%get3A_6, %get3A_7] : memref<1x64xf32, #tpu.memory_space<vmem>>, vector<1x64xf32>
    %get3A_9 = arith.constant 0 : index
    %get3A_10 = arith.constant 0 : index
    %get3A_11 = vector.load %arg4[%get3A_9, %get3A_10] : memref<1x64xf32, #tpu.memory_space<vmem>>, vector<1x64xf32>
    %slice3A = vector.extract_strided_slice %get3A_1 {offsets = [0, 0], sizes = [1000, 64], strides = [1, 1]} : vector<1000x128xf32> to vector<1000x64xf32>
    %slice3A_12 = vector.extract_strided_slice %get3A_1 {offsets = [0, 64], sizes = [1000, 64], strides = [1, 1]} : vector<1000x128xf32> to vector<1000x64xf32>
    %slice3A_13 = vector.extract_strided_slice %get3A_5 {offsets = [0, 0, 0], sizes = [1, 1000, 128], strides = [1, 1, 1]} : vector<2x1000x128xf32> to vector<1x1000x128xf32>
    %squeeze3A = vector.shape_cast %slice3A_13 : vector<1x1000x128xf32> to vector<1000x128xf32>
    %slice3A_14 = vector.extract_strided_slice %get3A_5 {offsets = [1, 0, 0], sizes = [1, 1000, 128], strides = [1, 1, 1]} : vector<2x1000x128xf32> to vector<1x1000x128xf32>
    %squeeze3A_15 = vector.shape_cast %slice3A_14 : vector<1x1000x128xf32> to vector<1000x128xf32>
    %slice3A_16 = vector.extract_strided_slice %squeeze3A {offsets = [0, 0], sizes = [1000, 64], strides = [1, 1]} : vector<1000x128xf32> to vector<1000x64xf32>
    %slice3A_17 = vector.extract_strided_slice %squeeze3A_15 {offsets = [0, 0], sizes = [1000, 64], strides = [1, 1]} : vector<1000x128xf32> to vector<1000x64xf32>
    %add3A = arith.addf %slice3A_16, %slice3A_17 : vector<1000x64xf32>
    %add3A_18 = arith.addf %slice3A, %slice3A_12 : vector<1000x64xf32>
    %mul3A = arith.constant 2.000000e-01 : f32
    %mul3A_19 = vector.broadcast %mul3A : f32 to vector<1000x64xf32>
    %mul3A_20 = arith.mulf %mul3A_19, %add3A_18 : vector<1000x64xf32>
    %max3A = arith.maximumf %add3A_18, %mul3A_20 : vector<1000x64xf32>
    %mul3A_21 = vector.broadcast %get3A_8 : vector<1x64xf32> to vector<1000x64xf32>
    %mul3A_22 = arith.mulf %max3A, %mul3A_21 : vector<1000x64xf32>
    %iota3A = tpu.iota {dimensions = array<i32: 1>} : vector<1x64xi32>
    %lt3A = arith.constant 32 : i32
    %lt3A_23 = vector.broadcast %lt3A : i32 to vector<1x64xi32>
    %lt3A_24 = arith.cmpi slt, %iota3A, %lt3A_23 : vector<1x64xi32>
    %convert_element_type3A = arith.extui %lt3A_24 : vector<1x64xi1> to vector<1x64xi32>
    %convert_element_type3A_25 = arith.sitofp %convert_element_type3A : vector<1x64xi32> to vector<1x64xf32>
    %sub3A = arith.constant 1.000000e+00 : f32
    %sub3A_26 = vector.broadcast %sub3A : f32 to vector<1x64xf32>
    %sub3A_27 = arith.subf %sub3A_26, %convert_element_type3A_25 : vector<1x64xf32>
    %mul3A_28 = vector.broadcast %convert_element_type3A_25 : vector<1x64xf32> to vector<1000x64xf32>
    %mul3A_29 = arith.mulf %mul3A_22, %mul3A_28 : vector<1000x64xf32>
    %reduce_sum3A = arith.constant dense<0.000000e+00> : vector<1000xf32>
    %reduce_sum3A_30 = vector.multi_reduction <add>, %mul3A_29, %reduce_sum3A [1] : vector<1000x64xf32> to vector<1000xf32>
    %broadcast_in_dim3A = vector.shape_cast %reduce_sum3A_30 : vector<1000xf32> to vector<1000x1xf32>
    %mul3A_31 = vector.broadcast %sub3A_27 : vector<1x64xf32> to vector<1000x64xf32>
    %mul3A_32 = arith.mulf %mul3A_22, %mul3A_31 : vector<1000x64xf32>
    %reduce_sum3A_33 = arith.constant dense<0.000000e+00> : vector<1000xf32>
    %reduce_sum3A_34 = vector.multi_reduction <add>, %mul3A_32, %reduce_sum3A_33 [1] : vector<1000x64xf32> to vector<1000xf32>
    %broadcast_in_dim3A_35 = vector.shape_cast %reduce_sum3A_34 : vector<1000xf32> to vector<1000x1xf32>
    %exp3A = math.exp %broadcast_in_dim3A : vector<1000x1xf32>
    %exp3A_36 = math.exp %broadcast_in_dim3A_35 : vector<1000x1xf32>
    %mul3A_37 = vector.broadcast %exp3A : vector<1000x1xf32> to vector<1000x64xf32>
    %mul3A_38 = vector.broadcast %convert_element_type3A_25 : vector<1x64xf32> to vector<1000x64xf32>
    %mul3A_39 = arith.mulf %mul3A_37, %mul3A_38 : vector<1000x64xf32>
    %mul3A_40 = vector.broadcast %exp3A_36 : vector<1000x1xf32> to vector<1000x64xf32>
    %mul3A_41 = vector.broadcast %sub3A_27 : vector<1x64xf32> to vector<1000x64xf32>
    %mul3A_42 = arith.mulf %mul3A_40, %mul3A_41 : vector<1000x64xf32>
    %add3A_43 = arith.addf %mul3A_39, %mul3A_42 : vector<1000x64xf32>
    %mul3A_44 = arith.mulf %slice3A, %add3A_43 : vector<1000x64xf32>
    %add3A_45 = arith.addf %add3A, %mul3A_44 : vector<1000x64xf32>
    %slice3A_46 = vector.extract_strided_slice %squeeze3A {offsets = [0, 64], sizes = [1000, 1], strides = [1, 1]} : vector<1000x128xf32> to vector<1000x1xf32>
    %slice3A_47 = vector.extract_strided_slice %squeeze3A_15 {offsets = [0, 64], sizes = [1000, 1], strides = [1, 1]} : vector<1000x128xf32> to vector<1000x1xf32>
    %add3A_48 = arith.addf %slice3A_46, %slice3A_47 : vector<1000x1xf32>
    %add3A_49 = arith.addf %add3A_48, %exp3A : vector<1000x1xf32>
    %slice3A_50 = vector.extract_strided_slice %squeeze3A {offsets = [0, 65], sizes = [1000, 1], strides = [1, 1]} : vector<1000x128xf32> to vector<1000x1xf32>
    %slice3A_51 = vector.extract_strided_slice %squeeze3A_15 {offsets = [0, 65], sizes = [1000, 1], strides = [1, 1]} : vector<1000x128xf32> to vector<1000x1xf32>
    %add3A_52 = arith.addf %slice3A_50, %slice3A_51 : vector<1000x1xf32>
    %add3A_53 = arith.addf %add3A_52, %exp3A_36 : vector<1000x1xf32>
    %mul3A_54 = vector.broadcast %add3A_49 : vector<1000x1xf32> to vector<1000x64xf32>
    %mul3A_55 = vector.broadcast %convert_element_type3A_25 : vector<1x64xf32> to vector<1000x64xf32>
    %mul3A_56 = arith.mulf %mul3A_54, %mul3A_55 : vector<1000x64xf32>
    %mul3A_57 = vector.broadcast %add3A_53 : vector<1000x1xf32> to vector<1000x64xf32>
    %mul3A_58 = vector.broadcast %sub3A_27 : vector<1x64xf32> to vector<1000x64xf32>
    %mul3A_59 = arith.mulf %mul3A_57, %mul3A_58 : vector<1000x64xf32>
    %add3A_60 = arith.addf %mul3A_56, %mul3A_59 : vector<1000x64xf32>
    %div3A = arith.divf %add3A_45, %add3A_60 : vector<1000x64xf32>
    %add3A_61 = vector.broadcast %get3A_11 : vector<1x64xf32> to vector<1000x64xf32>
    %add3A_62 = arith.addf %div3A, %add3A_61 : vector<1000x64xf32>
    %mul3A_63 = arith.constant 0.00999999977 : f32
    %mul3A_64 = vector.broadcast %mul3A_63 : f32 to vector<1000x64xf32>
    %mul3A_65 = arith.mulf %mul3A_64, %add3A_62 : vector<1000x64xf32>
    %max3A_66 = arith.maximumf %add3A_62, %mul3A_65 : vector<1000x64xf32>
    %get3A_67 = arith.constant 0 : index
    %get3A_68 = arith.constant 0 : index
    %get3A_69 = vector.load %arg5[%get3A_67, %get3A_68] : memref<1000x1xi32, #tpu.memory_space<vmem>>, vector<1000x1xi32>
    %iota3A_70 = tpu.iota {dimensions = array<i32: 1>} : vector<1x64xi32>
    %eq3A = vector.broadcast %get3A_69 : vector<1000x1xi32> to vector<1000x64xi32>
    %eq3A_71 = vector.broadcast %iota3A_70 : vector<1x64xi32> to vector<1000x64xi32>
    %eq3A_72 = arith.cmpi eq, %eq3A, %eq3A_71 : vector<1000x64xi32>
    %convert_element_type3A_73 = arith.extui %eq3A_72 : vector<1000x64xi1> to vector<1000x64xi32>
    %convert_element_type3A_74 = arith.sitofp %convert_element_type3A_73 : vector<1000x64xi32> to vector<1000x64xf32>
    %dot_general3A = arith.constant dense<0.000000e+00> : vector<64x64xf32>
    %dot_general3A_75 = tpu.matmul %convert_element_type3A_74, %max3A_66, %dot_general3A {dimension_numbers = #tpu.dot_dimension_numbers<[0], [0], [1], [1], [0, 1, 1, 1], [], []>, transpose_lhs_hint = false} : vector<1000x64xf32>, vector<1000x64xf32>, vector<64x64xf32> -> vector<64x64xf32>
    %broadcast_in_dim3A_76 = arith.constant 1.000000e+00 : f32
    %broadcast_in_dim3A_77 = vector.broadcast %broadcast_in_dim3A_76 : f32 to vector<1000x1xf32>
    %dot_general3A_78 = arith.constant dense<0.000000e+00> : vector<64x1xf32>
    %dot_general3A_79 = tpu.matmul %convert_element_type3A_74, %broadcast_in_dim3A_77, %dot_general3A_78 {dimension_numbers = #tpu.dot_dimension_numbers<[0], [0], [1], [1], [0, 1, 1, 1], [], []>, transpose_lhs_hint = false} : vector<1000x64xf32>, vector<1000x1xf32>, vector<64x1xf32> -> vector<64x1xf32>
    %eq3A_80 = arith.constant 0 : i32
    %eq3A_81 = arith.cmpi eq, %arg0, %eq3A_80 : i32
    %convert_element_type3A_82 = arith.extui %eq3A_81 : i1 to i32
    %cond3A = arith.constant 0 : i32
    %cond3A_83 = arith.cmpi ne, %convert_element_type3A_82, %cond3A : i32
    scf.if %cond3A_83 {
      %broadcast_in_dim3A_97 = arith.constant 0.000000e+00 : f32
      %broadcast_in_dim3A_98 = vector.broadcast %broadcast_in_dim3A_97 : f32 to vector<64x64xf32>
      %swap3A_99 = arith.constant 0 : index
      %swap3A_100 = arith.constant 0 : index
      %swap3A_101 = vector.load %arg6[%swap3A_99, %swap3A_100] : memref<64x64xf32, #tpu.memory_space<vmem>>, vector<64x64xf32>
      tpu.vector_store %arg6[%swap3A_99, %swap3A_100], %broadcast_in_dim3A_98 {strides = array<i32>} : memref<64x64xf32, #tpu.memory_space<vmem>>, vector<64x64xf32>,
      %broadcast_in_dim3A_102 = arith.constant 0.000000e+00 : f32
      %broadcast_in_dim3A_103 = vector.broadcast %broadcast_in_dim3A_102 : f32 to vector<64x1xf32>
      %swap3A_104 = arith.constant 0 : index
      %swap3A_105 = arith.constant 0 : index
      %swap3A_106 = vector.load %arg7[%swap3A_104, %swap3A_105] : memref<64x1xf32, #tpu.memory_space<vmem>>, vector<64x1xf32>
      tpu.vector_store %arg7[%swap3A_104, %swap3A_105], %broadcast_in_dim3A_103 {strides = array<i32>} : memref<64x1xf32, #tpu.memory_space<vmem>>, vector<64x1xf32>,
    } else {
    }
    %get3A_84 = arith.constant 0 : index
    %get3A_85 = arith.constant 0 : index
    %get3A_86 = vector.load %arg6[%get3A_84, %get3A_85] : memref<64x64xf32, #tpu.memory_space<vmem>>, vector<64x64xf32>
    %add3A_87 = arith.addf %get3A_86, %dot_general3A_75 : vector<64x64xf32>
    %swap3A = arith.constant 0 : index
    %swap3A_88 = arith.constant 0 : index
    %swap3A_89 = vector.load %arg6[%swap3A, %swap3A_88] : memref<64x64xf32, #tpu.memory_space<vmem>>, vector<64x64xf32>
    tpu.vector_store %arg6[%swap3A, %swap3A_88], %add3A_87 {strides = array<i32>} : memref<64x64xf32, #tpu.memory_space<vmem>>, vector<64x64xf32>,
    %get3A_90 = arith.constant 0 : index
    %get3A_91 = arith.constant 0 : index
    %get3A_92 = vector.load %arg7[%get3A_90, %get3A_91] : memref<64x1xf32, #tpu.memory_space<vmem>>, vector<64x1xf32>
    %add3A_93 = arith.addf %get3A_92, %dot_general3A_79 : vector<64x1xf32>
    %swap3A_94 = arith.constant 0 : index
    %swap3A_95 = arith.constant 0 : index
    %swap3A_96 = vector.load %arg7[%swap3A_94, %swap3A_95] : memref<64x1xf32, #tpu.memory_space<vmem>>, vector<64x1xf32>
    tpu.vector_store %arg7[%swap3A_94, %swap3A_95], %add3A_93 {strides = array<i32>} : memref<64x1xf32, #tpu.memory_space<vmem>>, vector<64x1xf32>,
    return
  }
  func.func @transform_0(%arg0: i32) -> (i32, i32) {
    %c0_i32 = arith.constant 0 : i32
    %c0_i32_0 = arith.constant 0 : i32
    return %arg0, %c0_i32 : i32, i32
  }
  func.func @transform_1(%arg0: i32) -> (i32, i32, i32) {
    %c0_i32 = arith.constant 0 : i32
    %c0_i32_0 = arith.constant 0 : i32
    %c0_i32_1 = arith.constant 0 : i32
    return %c0_i32, %arg0, %c0_i32_0 : i32, i32, i32
  }
  func.func @transform_2(%arg0: i32) -> (i32, i32) {
    %c0_i32 = arith.constant 0 : i32
    %c0_i32_0 = arith.constant 0 : i32
    %c0_i32_1 = arith.constant 0 : i32
    return %c0_i32, %c0_i32_0 : i32, i32
  }
  func.func @transform_3(%arg0: i32) -> (i32, i32) {
    %c0_i32 = arith.constant 0 : i32
    %c0_i32_0 = arith.constant 0 : i32
    %c0_i32_1 = arith.constant 0 : i32
    return %c0_i32, %c0_i32_0 : i32, i32
  }
  func.func @transform_4(%arg0: i32) -> (i32, i32) {
    %c0_i32 = arith.constant 0 : i32
    %c0_i32_0 = arith.constant 0 : i32
    return %arg0, %c0_i32 : i32, i32
  }
  func.func @transform_5(%arg0: i32) -> (i32, i32) {
    %c0_i32 = arith.constant 0 : i32
    %c0_i32_0 = arith.constant 0 : i32
    %c0_i32_1 = arith.constant 0 : i32
    return %c0_i32, %c0_i32_0 : i32, i32
  }
  func.func @transform_6(%arg0: i32) -> (i32, i32) {
    %c0_i32 = arith.constant 0 : i32
    %c0_i32_0 = arith.constant 0 : i32
    %c0_i32_1 = arith.constant 0 : i32
    return %c0_i32, %c0_i32_0 : i32, i32
  }
}

module attributes {stable_mosaic.version = 14 : i64} {
  func.func @body(%arg0: memref<64x64xf32, #tpu.memory_space<vmem>>, %arg1: memref<64x1xf32, #tpu.memory_space<vmem>>, %arg2: memref<64x16xf32, #tpu.memory_space<vmem>>, %arg3: memref<64x80xf32, #tpu.memory_space<vmem>>) attributes {dimension_semantics = [], scalar_prefetch = 0 : i64, scratch_operands = 0 : i64, tpu.core_type = #tpu.core_type<tc>} {
    %get3A = arith.constant 0 : index
    %get3A_0 = arith.constant 0 : index
    %get3A_1 = vector.load %arg0[%get3A, %get3A_0] : memref<64x64xf32, #tpu.memory_space<vmem>>, vector<64x64xf32>
    %get3A_2 = arith.constant 0 : index
    %get3A_3 = arith.constant 0 : index
    %get3A_4 = vector.load %arg1[%get3A_2, %get3A_3] : memref<64x1xf32, #tpu.memory_space<vmem>>, vector<64x1xf32>
    %max3A = arith.constant 1.000000e+00 : f32
    %max3A_5 = vector.broadcast %max3A : f32 to vector<64x1xf32>
    %max3A_6 = arith.maximumf %get3A_4, %max3A_5 : vector<64x1xf32>
    %div3A = vector.broadcast %max3A_6 : vector<64x1xf32> to vector<64x64xf32>
    %div3A_7 = arith.divf %get3A_1, %div3A : vector<64x64xf32>
    %swap3A = arith.constant 0 : index
    %swap3A_8 = arith.constant 0 : index
    %swap3A_9 = vector.load %arg3[%swap3A, %swap3A_8] : memref<64x80xf32, #tpu.memory_space<vmem>>, vector<64x64xf32>
    tpu.vector_store %arg3[%swap3A, %swap3A_8], %div3A_7 {strides = array<i32>} : memref<64x80xf32, #tpu.memory_space<vmem>>, vector<64x64xf32>,
    %get3A_10 = arith.constant 0 : index
    %get3A_11 = arith.constant 0 : index
    %get3A_12 = vector.load %arg2[%get3A_10, %get3A_11] : memref<64x16xf32, #tpu.memory_space<vmem>>, vector<64x16xf32>
    %swap3A_13 = arith.constant 0 : index
    %swap3A_14 = arith.constant 64 : index
    %swap3A_15 = vector.load %arg3[%swap3A_13, %swap3A_14] : memref<64x80xf32, #tpu.memory_space<vmem>>, vector<64x16xf32>
    tpu.vector_store %arg3[%swap3A_13, %swap3A_14], %get3A_12 {strides = array<i32>} : memref<64x80xf32, #tpu.memory_space<vmem>>, vector<64x16xf32>,
    return
  }
}

</mosaic_0001>

<sc_bundles>
// kernel: kernel.12.cloned.1.call-start
scs
__scs_entry_jumppad:
0x0: {  	(pc) =	sbr.rel $0x88, $3  }
0x1: {  	(tag) =	ssettag $0x0;
	lr =	simm.s32 $0x1  }
0x2: {  	[smem:$0x3F95] =	sst lr;
	_ =	strace $0xD0000000  }
0x3: {  	_ = 	snop  }
0x4: {  	_ = 	snop  }
0x5: {  	_ = 	snop  }
0x6: {  	_ = 	snop  }
0x7: {  	_ = 	snop  }
__scs_overlays_trampoline_lowered:
0x8: {  	[smem:$0x3FA4] =	sst s0  }
0x9: {  	[smem:$0x3FA5] =	sst s1  }
0xa: {  	[smem:$0x3FA6] =	sst s2  }
0xb: {  	[smem:$0x3FA7] =	sst s3  }
0xc: {  	[smem:$0x3FA8] =	sst s4  }
0xd: {  	[smem:$0x3FA9] =	sst s5  }
0xe: {  	[smem:$0x3FAA] =	sst s6  }
0xf: {  	[smem:$0x3FAB] =	sst s7  }
0x10: {  	[smem:$0x3FAC] =	sst s8  }
0x11: {  	[smem:$0x3FAD] =	sst s9;
	s0 =	simm.s32 @!p0 $0x0  }
0x12: {  	s1 =	sld [smem:$0x3F93];
	s0 =	simm.s32 @p0 $0x1  }
0x13: {  	[smem:$0x3FAE] =	sst s0;
	s0 =	simm.s32 @!p1 $0x0  }
0x14: {  	s2 =	sld [smem:$0x3F92];
	s0 =	simm.s32 @p1 $0x1  }
0x15: {  	[smem:$0x3FAF] =	sst s0;
	s0 =	simm.s32 @!p2 $0x0  }
0x16: {  	s3 =	sld [smem:$0x3FDB];
	s0 =	simm.s32 @p2 $0x1  }
0x17: {  	s4 =	simm.s32 $0x1BF5;
	[smem:$0x3FB1] =	sst s0  }
0x18: {  	s0 =	sld [smem:$0x3F94];
	_ =	swait.ge [sflag:s4], $0x0  }
0x19: {  	s7 =	sld [smem:$0x3F95]  }
0x1a: {  	s8 =	sadd.s32 $0xFFFFE003, lr  }
0x1b: {  	s9 =	sadd.s32 $0xFFFFFEF7, lr;
	s5 =	simm.s32 $0xFFFFFFFF;
	p2 =	slt.u32 s8, $0xFFFFF086  }
0x1c: {  	p1 =	slt.u32 s9, $0xF7A;
	s5 =	simm.s32 @!p2 $0x0  }
0x1d: {  	s5 =	simm.s32 @p1 $0x1;
	p0 =	seq.s32 s7, s2  }
0x1e: {  	s7 =	smul.u32 @!p0 $0xF7A, s2;
	p2 =	seq.s32 @!p0 s5, $0x0  }
0x1f: {  	s9 =	smul.u32 $0xF7A, s1;
	s8 =	simm.s32 @!p0 $0x1BF5;
	p2 =	por !p2, p0  }
0x20: {  	[sflag:s8] =	ssyncset.s32 @!p0 $0xFFFFF086;
	s6 =	sadd.s32 @!p0 s3, s7;
	s7 =	simm.s32 @!p0 $0x108  }
0x21: {  	s3 =	sadd.s32 s3, s9;
	s6 =	sadd.s32 @!p0 $0x88, s6;
	s7 =	simm.s32 @p2 $0x1082  }
0x22: {  	[simem:s7], [sflag:s8] =	dma.local @!p0 [hbm:s6], $0xF7A  }
0x23: {  	s9 =	sor.u32 $0xD0000000, s2;
	s6 =	simm.s32 $0x108;
	_ =	swait.ge @!p0 [sflag:s8], $0x0  }
0x24: {  	s3 =	sadd.s32 $0x88, s3;
	s6 =	simm.s32 @!p1 $0x1082;
	[sflag:s4] =	ssyncset.s32 $0xFFFFF086  }
0x25: {  	[simem:s6], [sflag:s4] =	dma.local [hbm:s3], $0xF7A  }
0x26: {  	[smem:$0x3F95] =	sst s1;
	(tag) =	ssettag s2;
	_ =	strace s9  }
0x27: {  	s1 =	sld [smem:$0x3FA5]  }
0x28: {  	s2 =	sld [smem:$0x3FA6]  }
0x29: {  	s4 =	sld [smem:$0x3FA8]  }
0x2a: {  	p0 =	seq.s32 s5, $0x0;
	s5 =	sld [smem:$0x3FA9]  }
0x2b: {  	s6 =	sld [smem:$0x3FAA]  }
0x2c: {  	s7 =	sld [smem:$0x3FAB]  }
0x2d: {  	s3 =	simm.s32 $0x108;
	s8 =	sld [smem:$0x3FAC]  }
0x2e: {  	s3 =	simm.s32 @!p0 $0x1082;
	s9 =	sld [smem:$0x3FAD]  }
0x2f: {  	lr =	sadd.s32 s0, s3;
	s0 =	sld [smem:$0x3FA4]  }
0x30: {  	s3 =	sld [smem:$0x3FA7]  }
0x31: {  	[smem:$0x3FB0] =	sst s10  }
0x32: {  	s10 =	sld [smem:$0x3FAE];
	_ =	sdelay $0x3  }
0x33: {  	p0 =	seq.s32 s10, $0x1;
	s10 =	sld [smem:$0x3FB0];
	_ =	sdelay $0x3  }
0x34: {  	[smem:$0x3FB0] =	sst s10  }
0x35: {  	s10 =	sld [smem:$0x3FAF];
	_ =	sdelay $0x3  }
0x36: {  	p1 =	seq.s32 s10, $0x1;
	s10 =	sld [smem:$0x3FB0];
	_ =	sdelay $0x3  }
0x37: {  	[smem:$0x3FB0] =	sst s10  }
0x38: {  	s10 =	sld [smem:$0x3FB1]  }
0x39: {  	_ = 	snop;
	(pc) =	sbr.ind lr, $3  }
0x3a: {  	_ = 	snop  }
0x3b: {  	_ = 	snop  }
0x3c: {  	p2 =	seq.s32 s10, $0x1;
	s10 =	sld [smem:$0x3FB0]  }
0x3d: {  	_ =	shalt  }
0x3e: {  	_ =	shalt  }
0x3f: {  	_ =	shalt  }
0x40: {  	_ =	shalt  }
0x41: {  	_ =	shalt  }
0x42: {  	_ =	shalt  }
0x43: {  	_ =	shalt  }
0x44: {  	_ =	shalt  }
0x45: {  	_ =	shalt  }
0x46: {  	_ =	shalt  }
0x47: {  	_ =	shalt  }
0x48: {  	_ =	shalt  }
0x49: {  	_ =	shalt  }
0x4a: {  	_ =	shalt  }
0x4b: {  	_ =	shalt  }
0x4c: {  	_ =	shalt  }
0x4d: {  	_ =	shalt  }
0x4e: {  	_ =	shalt  }
0x4f: {  	_ =	shalt  }
0x50: {  	_ =	shalt  }
0x51: {  	_ =	shalt  }
0x52: {  	_ =	shalt  }
0x53: {  	_ =	shalt  }
0x54: {  	_ =	shalt  }
0x55: {  	_ =	shalt  }
0x56: {  	_ =	shalt  }
0x57: {  	_ =	shalt  }
0x58: {  	_ =	shalt  }
0x59: {  	_ =	shalt  }
0x5a: {  	_ =	shalt  }
0x5b: {  	_ =	shalt  }
0x5c: {  	_ =	shalt  }
0x5d: {  	_ =	shalt  }
0x5e: {  	_ =	shalt  }
0x5f: {  	_ =	shalt  }
0x60: {  	_ =	shalt  }
0x61: {  	_ =	shalt  }
0x62: {  	_ =	shalt  }
0x63: {  	_ =	shalt  }
0x64: {  	_ =	shalt  }
0x65: {  	_ =	shalt  }
0x66: {  	_ =	shalt  }
0x67: {  	_ =	shalt  }
0x68: {  	_ =	shalt  }
0x69: {  	_ =	shalt  }
0x6a: {  	_ =	shalt  }
0x6b: {  	_ =	shalt  }
0x6c: {  	_ =	shalt  }
0x6d: {  	_ =	shalt  }
0x6e: {  	_ =	shalt  }
0x6f: {  	_ =	shalt  }
0x70: {  	_ =	shalt  }
0x71: {  	_ =	shalt  }
0x72: {  	_ =	shalt  }
0x73: {  	_ =	shalt  }
0x74: {  	_ =	shalt  }
0x75: {  	_ =	shalt  }
0x76: {  	_ =	shalt  }
0x77: {  	_ =	shalt  }
0x78: {  	_ =	shalt  }
0x79: {  	_ =	shalt  }
0x7a: {  	_ =	shalt  }
0x7b: {  	_ =	shalt  }
0x7c: {  	_ =	shalt  }
0x7d: {  	_ =	shalt  }
0x7e: {  	_ =	shalt  }
0x7f: {  	_ =	shalt  }
0x80: {  	_ =	shalt  }
0x81: {  	_ =	shalt  }
0x82: {  	_ =	shalt  }
0x83: {  	_ =	shalt  }
0x84: {  	_ =	shalt  }
0x85: {  	_ =	shalt  }
0x86: {  	_ =	shalt  }
0x87: {  	_ =	shalt  }
.Lfunc_end0:
.L_simem_size_0:
called_computation.1_lowered:
.L_overlay_start_0:
0x88: {  	s2 =	sld [smem:$0x3FD9]  }
0x89: {  	s3 =	sld [smem:$0x3FFE];
	_ =	sdelay $0x1  }
0x8a: {  	s1 =	srdreg.scid  }
0x8b: {  	s0 =	sand.u32 $0x1, s1  }
0x8c: {  	s16 =	sshll.u32 s0, $0xA;
	s2 =	sadd.s32 s3, s2  }
0x8d: {  	s2 =	sadd.s32 s2, s16  }
0x8e: {  	[smem:$0x3FBC] =	sst s2  }
0x8f: {  	_ = 	snop  }
0x90: {  	(tm) =	ssettm $0x1  }
0x91: {  	s17 =	sld [smem:$0x3FFB];
	_ =	sdelay $0x3  }
0x92: {  	_ =	strace s17  }
0x93: {  	s2 =	sld [smem:$0x3FFC];
	_ =	sdelay $0x3  }
0x94: {  	_ =	strace s2  }
0x95: {  	s2 =	sld [smem:$0x3FFD];
	_ =	sdelay $0x3  }
0x96: {  	_ =	strace s2  }
0x97: {  	_ =	strace $0x8FFFFFFF  }
0x98: {  	s18 =	sld [smem:$0x3FDB];
	_ =	sdelay $0x1  }
0x99: {  	s19 =	simm.s32 $_scs_section_size  }
0x9a: {  	s4 =	simm.s32 $_size__tile_overlayer_lowered;
	s5 =	simm.s32 $_tile_overlayer_lowered  }
0x9b: {  	s22 =	simm.s32 $0x1BFF;
	s21 =	sshll.u32 s5, $0x1;
	s2 =	sadd.s32 s19, s18  }
0x9c: {  	s6 =	simm.s32 $0x0;
	s20 =	sshll.u32 s4, $0x1;
	s4 =	sadd.s32 s21, s2  }
0x9d: {  	[timem:s6], [sflag:s22] =	dma.local [hbm:s4], s20  }
0x9e: {  	_ =	swait.ge [sflag:s22], s20  }
0x9f: {  	s3 =	ssub.s32 $0x0, s20;
	[sflag:s22] =	ssyncset.done $0x0  }
0xa0: {  	[sflag:s22] =	ssyncadd.s32 s3;
	_ =	sdelay $0x1  }
0xa1: {  	s23 =	simm.s32 $0x1B8B  }
0xa2: {  	_ =	swait.ge [sflag:s23], $0x1  }
0xa3: {  	[sflag:s23] =	ssyncset.done $0x0  }
0xa4: {  	s25 =	simm.s32 $0x1B8E;
	s24 =	sld [smem:$0x3FFE];
	[sflag:s23] =	ssyncadd.s32 $0xFFFFFFFF  }
0xa5: {  	s26 =	simm.s32 $execute0_lowered;
	[smem:$0x3FD2] =	sst s25  }
0xa6: {  	s4 =	sshll.u32 s26, $0x1;
	_ =	strace $0x80000049;
	[dreg:$0x1] =	wrdreg $0xFFFFFFFF  }
0xa7: {  	s28 =	simm.s32 $_size_execute0_lowered;
	s2 =	sadd.s32 s2, s4;
	[dreg:$0x0] =	wrdreg $0x0  }
0xa8: {  	s4 =	sshll.u32 s28, $0x1;
	[dreg:$0x2] =	wrdreg s2  }
0xa9: {  	[dreg:$0x3] =	wrdreg s4  }
0xaa: {  	[dreg:$0x4] =	wrdreg $0xC0  }
0xab: {  	_ =	task [dreg:s6], $0x5FFFF  }
0xac: {  	[dreg:$0x1] =	wrdreg $0xFFFFFFFF  }
0xad: {  	[dreg:$0x0] =	wrdreg $0x60  }
0xae: {  	[dreg:$0x2] =	wrdreg s24  }
0xaf: {  	[dreg:$0x3] =	wrdreg $0xC1800  }
0xb0: {  	[dreg:$0x4] =	wrdreg $0x9  }
0xb1: {  	_ =	task.clear_ibuf [dreg:s6], $0x5FFFF;
	_ =	strace $0x90000049  }
0xb2: {  	s29 =	simm.s32 $0x9;
	_ =	strace $0x8000004B  }
0xb3: {  	_ =	swait.ge [sflag:s29], $0x1  }
0xb4: {  	[sflag:s29] =	ssyncadd.s32 $0xFFFFFFFF  }
0xb5: {  	_ =	strace $0x9000004B  }
0xb6: {  	_ =	sfence  }
0xb7: {  	s30 =	sld [smem:$0x0];
	_ =	sdelay $0x2  }
0xb8: {  	s31 =	sshll.u32 s1, $0xD;
	s1 =	sshrl.u32 s1, $0x2  }
0xb9: {  	s3 =	sand.u32 $0x4000, s31;
	s1 =	sadd.s32 s1, s30  }
0xba: {  	s0 =	sor.u32 s3, s0;
	s1 =	sshll.u32 s1, $0x11  }
0xbb: {  	s0 =	sor.u32 s1, s0  }
0xbc: {  	s0 =	sadd.s32 $0x8F2B, s0  }
0xbd: {  	[sflag:s0] =	ssyncadd.remote.s32 $0x1  }
0xbe: {  	_ =	sfence.sel $0xFFFF  }
0xbf: {  	[dreg:$0x0] =	wrdreg $0xFFFFFFFF;
	(pc) =	sbr.abs _section_cstart, $3  }
0xc0: {  	[dreg:$0x1] =	wrdreg $0xFFFFFFFF  }
0xc1: {  	_ =	task.clear_ibuf [dreg:s6], $0x2FFFF;
	_ =	strace $0x9FFFFFFF  }
0xc2: {  	(tm) =	ssettm $0x7FFFFFFF  }
0xc3: {  	_ =	shalt  }
tec
execute0_lowered:
.L_overlay_start_1:
0x0: {  	(tag) =	ssettag $0x1  }
0x1: {  	s0 =	rddreg [dreg:$0x0]  }
0x2: {  	s1 =	rddreg [dreg:$0x1];
	s2 =	simm.s32 $0x0  }
0x3: {  	s3 =	srdreg.scid;
	s16 =	stileid.u32;
	s11 =	simm.s32 $0x4F  }
0x4: {  	s28 =	simm.s32 $0x1;
	s29 =	simm.s32 $0x2;
	s30 =	simm.s32 $0x0  }
0x5: {  	[smem:$0x7FF] =	sst s2;
	s4 =	sadd.s32 $0x16400, s0;
	s5 =	sadd.s32 $0xC600, s0  }
0x6: {  	s3 =	sand.u32 $0x1, s3;
	s7 =	smul.u32 $0x4E000, s16;
	s6 =	sadd.s32 $0x2800, s0  }
0x7: {  	s14 =	smul.u32 $0x13800, s16;
	s9 =	sadd.s32 $0x8B800, s0;
	s0 =	sadd.s32 $0x3D600, s0  }
0x8: {  	p0 =	slt.u32 s16, $0x2;
	s16 =	sshll.u32 s16, $0x8;
	_ =	strace $0x8000004A  }
0x9: {  	v0 =	vimm.s32 $0x76543210;
	v1 =	vimm.s32 $0xFEDCBA98;
	s8 =	ssub.s32 $0x2, s3;
	[dreg:$0x3] =	wrdreg s9;
	s19 =	smul.u32 $0x138800, s3  }
0xa: {  	v2 =	vimm.s32 $0x3210FEDC;
	v3 =	vimm.s32 $0xBA987654;
	s11 =	simm.s32 @!p0 $0x4E;
	s3 =	sshll.u32 s3, $0x7;
	s23 =	sshrl.u32 s8, $0x1  }
0xb: {  	v4 =	vimm.s32 $0x10FEDCBA;
	v5 =	vimm.s32 $0x98765432;
	s7 =	sshrl.u32 s7, $0x2;
	s15 =	sadd.s32 $0x4000, s14;
	s24 =	sadd.s32 $0x8000, s14  }
0xc: {  	v6 =	vimm.s32 $0xFEDCBA9;
	v7 =	vimm.s32 $0x87654321;
	s17 =	sadd.s32 $0xC000, s14;
	s18 =	sadd.s32 $0x10000, s14;
	s20 =	ssub.s32 s8, s23  }
0xd: {  	v0 =	vunpack.c.l.s4.s8 v0;
	v1 =	vunpack.c.l.s4.s8 v1;
	v2 =	vunpack.c.l.s4.s8 v2;
	s8 =	sadd.s32 s7, s1;
	s9 =	sadd.s32 s15, s1;
	s10 =	sadd.s32 s24, s1  }
0xe: {  	v3 =	vunpack.c.l.s4.s8 v3;
	v4 =	vunpack.c.l.s4.s8 v4;
	v5 =	vunpack.c.l.s4.s8 v5;
	s12 =	sadd.s32 s17, s1;
	s13 =	sadd.s32 s18, s1;
	s14 =	sadd.s32 s14, s19  }
0xf: {  	v6 =	vunpack.c.l.s4.s8 v6;
	v7 =	vunpack.c.l.s4.s8 v7;
	v2 =	vunpack.c.0.s8.s32 v2;
	s15 =	sadd.s32 s19, s15;
	s25 =	sadd.s32 s19, s24;
	s26 =	sadd.s32 s19, s17  }
0x10: {  	v3 =	vunpack.c.0.s8.s32 v3;
	v4 =	vunpack.c.0.s8.s32 v4;
	v5 =	vunpack.c.0.s8.s32 v5;
	s31 =	sadd.s32 s19, s18;
	s24 =	simm.s32 $0x80;
	s21 =	sshrl.u32 s14, $0x3  }
0x11: {  	v1 =	vunpack.c.0.s8.s32 v1;
	v6 =	vunpack.c.0.s8.s32 v6;
	v7 =	vunpack.c.0.s8.s32 v7;
	s22 =	sshrl.u32 s15, $0x3;
	s14 =	sor.u32 s3, s16;
	s3 =	sshrl.u32 s25, $0x3  }
0x12: {  	s7 =	sshrl.u32 s26, $0x3;
	s19 =	sshrl.u32 s31, $0x3;
	v2 =	vcombine.low v3, v2;
	v3 =	vcombine.low v5, v4;
	v4 =	vunpack.c.0.s8.s32 v0;
	s20 =	smax.u32 s20, $0x1  }
0x13: {  	vm0 =	vcmask $0x3F08;
	v5 =	vcombine.low v7, v6;
	v1 =	vand.u32 $0xF, v1;
	s25 =	simm.s32 $0x100;
	s26 =	simm.s32 $0x4100;
	s15 =	sadd.s32 s0, s21  }
0x14: {  	vm1 =	vmmov $0x1;
	v0 =	vimm.f32 $0.0e+00;
	s16 =	sadd.s32 s0, s22;
	s17 =	sadd.s32 s0, s3;
	s18 =	sadd.s32 s0, s7;
	v1 =	vcombine.low v1, v4  }
0x15: {  	s19 =	sadd.s32 s0, s19;
	s21 =	simm.s32 $0x8100;
	s22 =	simm.s32 $0x3;
	v2 =	vand.u32 $0xF, v2;
	v3 =	vand.u32 $0xF, v3;
	v4 =	vand.u32 $0xF, v5  }
.LBB2_1:
0x16: {  	s0 =	simm.s32 $0x0;
	s3 =	simm.s32 $0x200  }
.LBB2_2:
0x17: {  	p0 =	sne.s32 s3, $0xFE00;
	[tilespmem:s0+$0x8170] =	vst v0  }
0x18: {  	[tilespmem:s0+$0x8100] =	vst v0  }
0x19: {  	[tilespmem:s0+$0x8110] =	vst v0  }
.Ltmp0:
0x1a: {  	[tilespmem:s0+$0x8120] =	vst v0;
	(pc) =	sbr.rel @p0 .LBB2_2-.Ltmp0, $4  }
0x1b: {  	[tilespmem:s0+$0x8130] =	vst v0  }
0x1c: {  	[tilespmem:s0+$0x8140] =	vst v0  }
0x1d: {  	[tilespmem:s0+$0x8150] =	vst v0  }
0x1e: {  	[tilespmem:s0+$0x8160] =	vst v0;
	s0 =	sshra.s32 s3, $0x2;
	s3 =	sadd.s32 $0x200, s3  }
0x1f: {  	[tilespmem:s0+$0x8170] =	vst v0  }
0x20: {  	[tilespmem:s0+$0x8100] =	vst v0  }
0x21: {  	[tilespmem:s0+$0x8110] =	vst v0  }
0x22: {  	[tilespmem:s0+$0x8120] =	vst v0  }
0x23: {  	[tilespmem:s0+$0x8130] =	vst v0  }
0x24: {  	[tilespmem:s0+$0x8140] =	vst v0  }
0x25: {  	[tilespmem:s0+$0x8150] =	vst v0  }
0x26: {  	[tilespmem:s0+$0x8160] =	vst v0  }
0x27: {  	[spmem:s8] =	stream.linear.scatter [tilespmem:s21], [sflag:$0x3], $0x4000, $0x38;
	[tilespmem:$0x1FA00] =	vst v63  }
0x28: {  	_ =	swait.ge [sflag:s22], $0x4000  }
0x29: {  	[sflag:s22] =	ssyncset.done $0x0  }
0x2a: {  	[sflag:s22] =	ssyncadd.s32 $0xFFFFC000  }
0x2b: {  	[spmem:s9] =	stream.linear.scatter [tilespmem:s21], [sflag:$0x3], $0x4000, $0x38;
	[tilespmem:$0x1FA00] =	vst v63  }
0x2c: {  	_ =	swait.ge [sflag:s22], $0x4000  }
0x2d: {  	[sflag:s22] =	ssyncset.done $0x0  }
0x2e: {  	[sflag:s22] =	ssyncadd.s32 $0xFFFFC000  }
0x2f: {  	[spmem:s10] =	stream.linear.scatter [tilespmem:s21], [sflag:$0x3], $0x4000, $0x38;
	[tilespmem:$0x1FA00] =	vst v63  }
0x30: {  	_ =	swait.ge [sflag:s22], $0x4000  }
0x31: {  	[sflag:s22] =	ssyncset.done $0x0  }
0x32: {  	[sflag:s22] =	ssyncadd.s32 $0xFFFFC000  }
0x33: {  	[spmem:s12] =	stream.linear.scatter [tilespmem:s21], [sflag:$0x3], $0x4000, $0x38;
	[tilespmem:$0x1FA00] =	vst v63  }
0x34: {  	_ =	swait.ge [sflag:s22], $0x4000  }
0x35: {  	[sflag:s22] =	ssyncset.done $0x0  }
0x36: {  	[sflag:s22] =	ssyncadd.s32 $0xFFFFC000  }
0x37: {  	[spmem:s13] =	stream.linear.scatter [tilespmem:s21], [sflag:$0x3], $0x4000, $0x38;
	[tilespmem:$0x1FA00] =	vst v63  }
0x38: {  	_ =	swait.ge [sflag:s22], $0x4000  }
0x39: {  	[sflag:s22] =	ssyncset.done $0x0  }
0x3a: {  	s3 =	simm.s32 $0xC100;
	s23 =	rddreg [dreg:$0x3];
	[sflag:s22] =	ssyncadd.s32 $0xFFFFC000  }
0x3b: {  	[tilespmem:s3], [sflag:$0x3] =	stream.linear.gather [hbm4b:s23+s30], $0x80, $0x38;
	[tilespmem:$0x1FA00] =	vst v63  }
0x3c: {  	_ =	swait.ge [sflag:s22], $0x80  }
0x3d: {  	[sflag:s22] =	ssyncset.done $0x0  }
0x3e: {  	[sflag:s22] =	ssyncadd.s32 $0xFFFFFF80  }
0x3f: {  	s31 =	simm.s32 $0x0;
	[bflag:$0x0] =	sbarrier.arrive $0xFFFF  }
.LBB2_4:
0x40: {  	s0 =	sshll.u32 s31, $0xC  }
0x41: {  	s0 =	sor.u32 s14, s0  }
0x42: {  	s0 =	sshrl.u32 s0, $0x3  }
0x43: {  	s3 =	sadd.s32 s5, s0  }
0x44: {  	[tilespmem:s30], [sflag:$0x3] =	stream.linear.gather [hbm4b:s3+s30], $0x80, $0x38;
	[tilespmem:$0x1FA00] =	vst v63  }
0x45: {  	_ =	swait.ge [sflag:s22], $0x80  }
0x46: {  	[sflag:s22] =	ssyncset.done $0x0  }
0x47: {  	s0 =	sadd.s32 s6, s0;
	[sflag:s22] =	ssyncadd.s32 $0xFFFFFF80  }
0x48: {  	[tilespmem:s24], [sflag:$0x3] =	stream.linear.gather [hbm4b:s0+s30], $0x80, $0x38;
	[tilespmem:$0x1FA00] =	vst v63  }
0x49: {  	_ =	swait.ge [sflag:s22], $0x80  }
0x4a: {  	[sflag:s22] =	ssyncset.done $0x0  }
0x4b: {  	[sflag:s22] =	ssyncadd.s32 $0xFFFFFF80  }
0x4c: {  	[tilespmem:s25], [sflag:$0x1] =	stream.indirect.gather [hbm4b:s4+s24], $0x80, s30, s24, $0xb8;
	[tilespmem:$0x1FA00] =	vst v63  }
0x4d: {  	_ = 	snop  }
0x4e: {  	[tilespmem:s26], [sflag:$0x2] =	stream.indirect.gather [hbm4b:s4+s24], $0x80, s24, s24, $0xb8;
	[tilespmem:$0x1FA00] =	vst v63  }
0x4f: {  	_ =	swait.ge [sflag:s28], $0x4000  }
0x50: {  	[sflag:s28] =	ssyncset.done $0x0  }
0x51: {  	[sflag:s28] =	ssyncadd.s32 $0xFFFFC000  }
0x52: {  	_ =	swait.ge [sflag:s29], $0x4000  }
0x53: {  	[sflag:s29] =	ssyncset.done $0x0  }
0x54: {  	s0 =	simm.s32 $0x0;
	[sflag:s29] =	ssyncadd.s32 $0xFFFFC000  }
0x55: {  	v9 =	vld [tilespmem:s0+$0x4140]  }
0x56: {  	v8 =	vld [tilespmem:s0+$0x4150]  }
0x57: {  	v10 =	vld [tilespmem:s0+$0x4160]  }
0x58: {  	v6 =	vld [tilespmem:s0+$0x110]  }
0x59: {  	v7 =	vld [tilespmem:s0+$0x100]  }
0x5a: {  	v5 =	vld [tilespmem:s0+$0x120];
	_ =	sdelay $0x2  }
0x5b: {  	v14 =	vld [tilespmem:s0+$0x4170]  }
0x5c: {  	v11 =	vadd.f32 v8, v6;
	v8 =	vld [tilespmem:s0+$0x130]  }
0x5d: {  	v15 =	vadd.f32 v9, v7;
	v16 =	vadd.f32 v10, v5  }
0x5e: {  	v9 =	vmul.f32 $2.000000030e-01, v11  }
0x5f: {  	v12 =	vld [tilespmem:$0xC120];
	v10 =	vmul.f32 $2.000000030e-01, v15;
	v17 =	vmul.f32 $2.000000030e-01, v16  }
0x60: {  	v13 =	vld [tilespmem:$0xC130];
	v9 =	vmax.f32 v11, v9  }
0x61: {  	s23 =	simm.s32 $0x400;
	s3 =	simm.s32 $0x200;
	v10 =	vmax.f32 v15, v10;
	v11 =	vmax.f32 v16, v17;
	v15 =	vadd.f32 v14, v8;
	v14 =	vld [tilespmem:$0xC100]  }
.LBB2_5:
0x62: {  	p0 =	sne.s32 s23, $0xFE00  }
0x63: {  	s7 =	sshra.s32 s3, $0x2;
	v16 =	vld [tilespmem:$0xC110];
	v17 =	vmul.f32 $2.000000030e-01, v15;
	s3 =	smov.u32 s23;
	s23 =	sadd.s32 $0x200, s23  }
0x64: {  	v18 =	vld [tilespmem:s7+$0x4170]  }
0x65: {  	v19 =	vld [tilespmem:s7+$0x4140];
	v15 =	vmax.f32 v15, v17;
	v11 =	vmul.f32 v11, v12  }
0x66: {  	v12 =	vld [tilespmem:s7+$0x4150];
	v13 =	vmul.f32 v15, v13  }
0x67: {  	v15 =	vld [tilespmem:s7+$0x4160];
	v10 =	vmul.f32 v10, v14  }
0x68: {  	v14 =	vld [tilespmem:s7+$0x110];
	v9 =	vmul.f32 v9, v16;
	v11 =	vadd.f32 v13, v11  }
0x69: {  	v13 =	vld [tilespmem:s7+$0x100]  }
0x6a: {  	v16 =	vld [tilespmem:s7+$0x120];
	v9 =	vadd.f32 v9, v10;
	v10 =	vperm.xlane v11, v1;
	_ =	sdelay $0x1  }
0x6b: {  	v17 =	vperm.xlane v9, v1;
	v10 =	vadd.f32 v10, v11  }
0x6c: {  	v11 =	vadd.f32 v12, v14  }
0x6d: {  	v12 =	vadd.f32 v19, v13;
	v17 =	vadd.f32 v9, v17;
	v9 =	vperm.xlane v10, v2  }
0x6e: {  	v15 =	vadd.f32 v15, v16;
	v19 =	vmul.f32 $2.000000030e-01, v11  }
0x6f: {  	v20 =	vmul.f32 $2.000000030e-01, v12;
	v21 =	vperm.xlane v17, v2;
	v22 =	vadd.f32 v9, v10  }
0x70: {  	v9 =	vmax.f32 v11, v19;
	v11 =	vmul.f32 $2.000000030e-01, v15  }
0x71: {  	v10 =	vmax.f32 v12, v20;
	v12 =	vadd.f32 v17, v21;
	v17 =	vperm.xlane v22, v3  }
0x72: {  	v11 =	vmax.f32 v15, v11  }
0x73: {  	v15 =	vperm.xlane v12, v3;
	v17 =	vadd.f32 v17, v22;
	_ =	sdelay $0x1  }
0x74: {  	v12 =	vadd.f32 v12, v15;
	v15 =	vperm.xlane v17, v4;
	_ =	sdelay $0x1  }
0x75: {  	v19 =	vperm.xlane v12, v4;
	v15 =	vadd.f32 v15, v17;
	_ =	sdelay $0x1  }
0x76: {  	v12 =	vadd.f32 v12, v19;
	v15 =	vmul.f32 $1.442695020e+00, v15;
	_ =	sdelay $0x1  }
0x77: {  	v12 =	vmul.f32 $1.442695020e+00, v12;
	(erf) = vpow2.f32 v15;
	_ =	sdelay $0x1  }
0x78: {  	(erf) = vpow2.f32 v12;
	_ =	sdelay $0x6  }
0x79: {  	v12 =	vpop (erf)  }
0x7a: {  	v15 =	vmul.f32 v12, v5;
	v8 =	vmul.f32 v12, v8;
	v5 =	vmov v16  }
0x7b: {  	v12 =	vsel vm0, $0x0, v12;
	v16 =	vpop (erf)  }
0x7c: {  	v17 =	vmul.f32 v16, v7;
	v19 =	vmul.f32 v16, v6;
	[tilespmem:s0+$0x8130] =	vst v8;
	v12 =	vsel vm1, v16, v12  }
0x7d: {  	v6 =	vmov v14;
	v7 =	vmov v13;
	v8 =	vld [tilespmem:s7+$0x130];
	[tilespmem:s0+$0x8140] =	vst v12  }
0x7e: {  	[tilespmem:s0+$0x8100] =	vst v17  }
.Ltmp1:
0x7f: {  	[tilespmem:s0+$0x8110] =	vst v19;
	(pc) =	sbr.rel @p0 .LBB2_5-.Ltmp1, $4  }
0x80: {  	[tilespmem:s0+$0x8120] =	vst v15;
	s0 =	smov.u32 s7  }
0x81: {  	v12 =	vld [tilespmem:$0xC120]  }
0x82: {  	v13 =	vld [tilespmem:$0xC130];
	v15 =	vadd.f32 v18, v8  }
0x83: {  	v14 =	vld [tilespmem:$0xC100]  }
0x84: {  	v16 =	vmul.f32 $2.000000030e-01, v15;
	v17 =	vld [tilespmem:$0xC110];
	_ =	sdelay $0x1  }
0x85: {  	v15 =	vmax.f32 v15, v16  }
0x86: {  	v11 =	vmul.f32 v11, v12;
	v42 =	vmul.f32 v15, v13;
	_ =	sdelay $0x1  }
0x87: {  	v10 =	vmul.f32 v10, v14;
	v11 =	vadd.f32 v42, v11;
	v9 =	vmul.f32 v9, v17;
	_ =	sdelay $0x1  }
0x88: {  	v12 =	vperm.xlane v11, v1;
	v9 =	vadd.f32 v9, v10;
	_ =	sdelay $0x1  }
0x89: {  	v43 =	vadd.f32 v12, v11;
	v44 =	vperm.xlane v9, v1;
	_ =	sdelay $0x1  }
0x8a: {  	v12 =	vperm.xlane v43, v2;
	v9 =	vadd.f32 v9, v44;
	_ =	sdelay $0x1  }
0x8b: {  	v10 =	vadd.f32 v12, v43;
	v11 =	vperm.xlane v9, v2;
	_ =	sdelay $0x1  }
0x8c: {  	v12 =	vperm.xlane v10, v3;
	v9 =	vadd.f32 v9, v11;
	_ =	sdelay $0x1  }
0x8d: {  	v10 =	vadd.f32 v12, v10;
	v11 =	vperm.xlane v9, v3;
	_ =	sdelay $0x1  }
0x8e: {  	v12 =	vperm.xlane v10, v4;
	v9 =	vadd.f32 v9, v11;
	_ =	sdelay $0x1  }
0x8f: {  	v10 =	vadd.f32 v12, v10;
	v11 =	vperm.xlane v9, v4;
	_ =	sdelay $0x1  }
0x90: {  	v10 =	vmul.f32 $1.442695020e+00, v10;
	v9 =	vadd.f32 v9, v11;
	_ =	sdelay $0x1  }
0x91: {  	(erf) = vpow2.f32 v10;
	v9 =	vmul.f32 $1.442695020e+00, v9;
	_ =	sdelay $0x1  }
0x92: {  	(erf) = vpow2.f32 v9;
	_ =	sdelay $0x2  }
0x93: {  	s3 =	sshra.s32 s3, $0x2  }
0x94: {  	v45 =	vld [tilespmem:s3+$0x4170]  }
0x95: {  	v46 =	vld [tilespmem:s3+$0x4140]  }
0x96: {  	v47 =	vld [tilespmem:s3+$0x4150]  }
0x97: {  	v48 =	vld [tilespmem:s3+$0x4160];
	v50 =	vpop (erf)  }
0x98: {  	v49 =	vld [tilespmem:s3+$0x110];
	v8 =	vmul.f32 v50, v8  }
0x99: {  	v51 =	vld [tilespmem:s3+$0x100];
	v53 =	vsel vm0, $0x0, v50;
	v18 =	vpop (erf)  }
0x9a: {  	v52 =	vld [tilespmem:s3+$0x120];
	v5 =	vmul.f32 v50, v5;
	[tilespmem:s0+$0x8130] =	vst v8;
	v54 =	vsel vm1, v18, v53  }
0x9b: {  	v7 =	vmul.f32 v18, v7;
	v55 =	vld [tilespmem:s3+$0x130];
	[tilespmem:s0+$0x8140] =	vst v54  }
0x9c: {  	v6 =	vmul.f32 v18, v6;
	[tilespmem:s0+$0x8120] =	vst v5  }
0x9d: {  	[tilespmem:s0+$0x8100] =	vst v7  }
0x9e: {  	[tilespmem:s0+$0x8110] =	vst v6  }
0x9f: {  	v5 =	vld [tilespmem:$0xC120]  }
0xa0: {  	v6 =	vadd.f32 v48, v52;
	v7 =	vld [tilespmem:$0xC130];
	v56 =	vadd.f32 v45, v55  }
0xa1: {  	v57 =	vadd.f32 v47, v49;
	v58 =	vld [tilespmem:$0xC100]  }
0xa2: {  	v10 =	vadd.f32 v46, v51;
	v59 =	vld [tilespmem:$0xC110];
	v12 =	vmul.f32 $2.000000030e-01, v6;
	v60 =	vmul.f32 $2.000000030e-01, v56  }
0xa3: {  	v19 =	vmul.f32 $2.000000030e-01, v57  }
0xa4: {  	v20 =	vmul.f32 $2.000000030e-01, v10;
	v6 =	vmax.f32 v6, v12;
	v8 =	vmax.f32 v56, v60  }
0xa5: {  	v5 =	vmul.f32 v6, v5;
	v6 =	vmul.f32 v8, v7  }
0xa6: {  	v61 =	vmax.f32 v10, v20;
	v7 =	vmax.f32 v57, v19  }
0xa7: {  	v8 =	vmul.f32 v61, v58;
	v7 =	vmul.f32 v7, v59;
	v5 =	vadd.f32 v6, v5;
	_ =	sdelay $0x1  }
0xa8: {  	v6 =	vadd.f32 v7, v8;
	v7 =	vperm.xlane v5, v1;
	_ =	sdelay $0x1  }
0xa9: {  	v5 =	vadd.f32 v7, v5  }
0xaa: {  	v8 =	vperm.xlane v6, v1  }
0xab: {  	v7 =	vperm.xlane v5, v2  }
0xac: {  	v6 =	vadd.f32 v6, v8  }
0xad: {  	v5 =	vadd.f32 v7, v5  }
0xae: {  	v8 =	vperm.xlane v6, v2  }
0xaf: {  	v7 =	vperm.xlane v5, v3  }
0xb0: {  	v6 =	vadd.f32 v6, v8  }
0xb1: {  	v5 =	vadd.f32 v7, v5  }
0xb2: {  	v8 =	vperm.xlane v6, v3  }
0xb3: {  	v7 =	vperm.xlane v5, v4  }
0xb4: {  	v6 =	vadd.f32 v6, v8  }
0xb5: {  	v5 =	vadd.f32 v7, v5  }
0xb6: {  	v8 =	vperm.xlane v6, v4  }
0xb7: {  	v5 =	vmul.f32 $1.442695020e+00, v5  }
0xb8: {  	v6 =	vadd.f32 v6, v8  }
0xb9: {  	(erf) = vpow2.f32 v5  }
0xba: {  	v6 =	vmul.f32 $1.442695020e+00, v6;
	_ =	sdelay $0x1  }
0xbb: {  	(erf) = vpow2.f32 v6;
	_ =	sdelay $0x5  }
0xbc: {  	v5 =	vpop (erf)  }
0xbd: {  	v6 =	vmul.f32 v5, v55  }
0xbe: {  	v7 =	vsel vm0, $0x0, v5;
	v5 =	vmul.f32 v5, v52  }
0xbf: {  	v62 =	vpop (erf);
	[tilespmem:s3+$0x8130] =	vst v6  }
0xc0: {  	v63 =	vmul.f32 v62, v51;
	v6 =	vsel vm1, v62, v7;
	[tilespmem:s3+$0x8120] =	vst v5  }
0xc1: {  	s31 =	sadd.s32 $0x1, s31;
	v7 =	vmul.f32 v62, v49;
	[tilespmem:s3+$0x8140] =	vst v6  }
0xc2: {  	p0 =	sne.s32 s31, s11;
	[tilespmem:s3+$0x8100] =	vst v63  }
.Ltmp2:
0xc3: {  	[tilespmem:s3+$0x8110] =	vst v7;
	(pc) =	sbr.rel @p0 .LBB2_4-.Ltmp2, $4  }
0xc4: {  	[spmem:s1] =	stream.indirect.scatter.add.f32 [tilespmem:s21], [sflag:$0x3], $0x80, s24, s24, $0xb8;
	[tilespmem:$0x1FA00] =	vst v63  }
0xc5: {  	_ =	swait.ge [sflag:s22], $0x4000  }
0xc6: {  	[sflag:s22] =	ssyncset.done $0x0  }
0xc7: {  	[sflag:s22] =	ssyncadd.s32 $0xFFFFC000  }
0xc8: {  	s0 =	stileid.u32  }
0xc9: {  	s0 =	sshll.u32 s0, $0x6  }
0xca: {  	[bflag:$0x0] =	sbarrier.arrive $0xFFFF;
	s3 =	sshrl.u32 s8, $0x3;
	s0 =	sor.u32 $0x1C03, s0  }
0xcb: {  	[hbm:s15], [sflag:s0] =	dma.local [spmem:s3], $0x800  }
0xcc: {  	_ =	swait.ge [sflag:s22], $0x800  }
0xcd: {  	[sflag:s22] =	ssyncset.done $0x0  }
0xce: {  	s31 =	sshrl.u32 s9, $0x3;
	[sflag:s22] =	ssyncadd.s32 $0xFFFFF800  }
0xcf: {  	[hbm:s16], [sflag:s0] =	dma.local [spmem:s31], $0x800  }
0xd0: {  	_ =	swait.ge [sflag:s22], $0x800  }
0xd1: {  	[sflag:s22] =	ssyncset.done $0x0  }
0xd2: {  	s7 =	sshrl.u32 s10, $0x3;
	[sflag:s22] =	ssyncadd.s32 $0xFFFFF800  }
0xd3: {  	[hbm:s17], [sflag:s0] =	dma.local [spmem:s7], $0x800  }
0xd4: {  	_ =	swait.ge [sflag:s22], $0x800  }
0xd5: {  	[sflag:s22] =	ssyncset.done $0x0  }
0xd6: {  	s23 =	sshrl.u32 s12, $0x3;
	[sflag:s22] =	ssyncadd.s32 $0xFFFFF800  }
0xd7: {  	[hbm:s18], [sflag:s0] =	dma.local [spmem:s23], $0x800  }
0xd8: {  	s2 =	sadd.s32 $0x1, s2;
	_ =	swait.ge [sflag:s22], $0x800  }
0xd9: {  	p0 =	sne.s32 s2, s20;
	[sflag:s22] =	ssyncset.done $0x0  }
.Ltmp3:
0xda: {  	s31 =	sshrl.u32 s13, $0x3;
	[sflag:s22] =	ssyncadd.s32 $0xFFFFF800;
	(pc) =	sbr.rel @p0 .LBB2_1-.Ltmp3, $4  }
0xdb: {  	[hbm:s19], [sflag:s0] =	dma.local [spmem:s31], $0x800  }
0xdc: {  	_ =	swait.ge [sflag:s22], $0x800  }
0xdd: {  	[sflag:s22] =	ssyncset.done $0x0  }
0xde: {  	[sflag:s22] =	ssyncadd.s32 $0xFFFFF800  }
0xdf: {  	_ =	sfence.sel $0x180000  }
0xe0: {  	[bflag:$0x0] =	sbarrier.arrive $0xFFFF  }
0xe1: {  	_ =	strace $0x9000004A  }
0xe2: {  	s0 =	stileid.u32;
	[bflag:$0x2] =	sbarrier.arrive $0xFFFF  }
0xe3: {  	p0 =	sne.s32 s0, $0x0;
	s0 =	rddreg [dreg:$0x2]  }
0xe4: {  	s0 =	sadd.s32 @!p0 $0x100000, s0  }
0xe5: {  	[sflag:s0] =	ssyncadd.tile.s32 @!p0 $0x1;
	_ =	shalt  }
.Lfunc_end2:
_tile_overlayer_lowered:
.L_overlay_start_2:
0xe6: {  	(tag) =	ssettag $0x2  }
0xe7: {  	s0 =	rddreg [dreg:$0x0];
	s2 =	stileid.u32  }
0xe8: {  	s1 =	rddreg [dreg:$0x1];
	p0 =	sne.s32 s2, $0x0  }
0xe9: {  	s3 =	rddreg [dreg:$0x2];
	[bflag:$0x3] =	sbarrier.arrive $0xFFFF;
	s2 =	simm.s32 @!p0 $0x1C03  }
0xea: {  	[timem:s3], [sflag:s2] =	dma.local @!p0 [hbm:s0], s1  }
0xeb: {  	s0 =	simm.s32 @!p0 $0x3  }
0xec: {  	_ =	swait.ge @!p0 [sflag:s0], s1  }
0xed: {  	s1 =	ssub.s32 @!p0 $0x0, s1;
	[sflag:s0] =	ssyncset.done @!p0 $0x0  }
0xee: {  	[sflag:s0] =	ssyncadd.s32 @!p0 s1  }
0xef: {  	[bflag:$0x3] =	sbarrier.arrive $0xFFFF  }
0xf0: {  	_ =	shalt  }

// kernel: kernel.9.cloned.1.call-start
scs
__scs_entry_jumppad:
0x0: {  	(pc) =	sbr.rel $0x88, $3  }
0x1: {  	(tag) =	ssettag $0x0;
	lr =	simm.s32 $0x1  }
0x2: {  	[smem:$0x3F95] =	sst lr;
	_ =	strace $0xD0000000  }
0x3: {  	_ = 	snop  }
0x4: {  	_ = 	snop  }
0x5: {  	_ = 	snop  }
0x6: {  	_ = 	snop  }
0x7: {  	_ = 	snop  }
__scs_overlays_trampoline_lowered:
0x8: {  	[smem:$0x3FA4] =	sst s0  }
0x9: {  	[smem:$0x3FA5] =	sst s1  }
0xa: {  	[smem:$0x3FA6] =	sst s2  }
0xb: {  	[smem:$0x3FA7] =	sst s3  }
0xc: {  	[smem:$0x3FA8] =	sst s4  }
0xd: {  	[smem:$0x3FA9] =	sst s5  }
0xe: {  	[smem:$0x3FAA] =	sst s6  }
0xf: {  	[smem:$0x3FAB] =	sst s7  }
0x10: {  	[smem:$0x3FAC] =	sst s8  }
0x11: {  	[smem:$0x3FAD] =	sst s9;
	s0 =	simm.s32 @!p0 $0x0  }
0x12: {  	s1 =	sld [smem:$0x3F93];
	s0 =	simm.s32 @p0 $0x1  }
0x13: {  	[smem:$0x3FAE] =	sst s0;
	s0 =	simm.s32 @!p1 $0x0  }
0x14: {  	s2 =	sld [smem:$0x3F92];
	s0 =	simm.s32 @p1 $0x1  }
0x15: {  	[smem:$0x3FAF] =	sst s0;
	s0 =	simm.s32 @!p2 $0x0  }
0x16: {  	s3 =	sld [smem:$0x3FDB];
	s0 =	simm.s32 @p2 $0x1  }
0x17: {  	s4 =	simm.s32 $0x1BF5;
	[smem:$0x3FB1] =	sst s0  }
0x18: {  	s0 =	sld [smem:$0x3F94];
	_ =	swait.ge [sflag:s4], $0x0  }
0x19: {  	s7 =	sld [smem:$0x3F95]  }
0x1a: {  	s8 =	sadd.s32 $0xFFFFE003, lr  }
0x1b: {  	s9 =	sadd.s32 $0xFFFFFEF7, lr;
	s5 =	simm.s32 $0xFFFFFFFF;
	p2 =	slt.u32 s8, $0xFFFFF086  }
0x1c: {  	p1 =	slt.u32 s9, $0xF7A;
	s5 =	simm.s32 @!p2 $0x0  }
0x1d: {  	s5 =	simm.s32 @p1 $0x1;
	p0 =	seq.s32 s7, s2  }
0x1e: {  	s7 =	smul.u32 @!p0 $0xF7A, s2;
	p2 =	seq.s32 @!p0 s5, $0x0  }
0x1f: {  	s9 =	smul.u32 $0xF7A, s1;
	s8 =	simm.s32 @!p0 $0x1BF5;
	p2 =	por !p2, p0  }
0x20: {  	[sflag:s8] =	ssyncset.s32 @!p0 $0xFFFFF086;
	s6 =	sadd.s32 @!p0 s3, s7;
	s7 =	simm.s32 @!p0 $0x108  }
0x21: {  	s3 =	sadd.s32 s3, s9;
	s6 =	sadd.s32 @!p0 $0x88, s6;
	s7 =	simm.s32 @p2 $0x1082  }
0x22: {  	[simem:s7], [sflag:s8] =	dma.local @!p0 [hbm:s6], $0xF7A  }
0x23: {  	s9 =	sor.u32 $0xD0000000, s2;
	s6 =	simm.s32 $0x108;
	_ =	swait.ge @!p0 [sflag:s8], $0x0  }
0x24: {  	s3 =	sadd.s32 $0x88, s3;
	s6 =	simm.s32 @!p1 $0x1082;
	[sflag:s4] =	ssyncset.s32 $0xFFFFF086  }
0x25: {  	[simem:s6], [sflag:s4] =	dma.local [hbm:s3], $0xF7A  }
0x26: {  	[smem:$0x3F95] =	sst s1;
	(tag) =	ssettag s2;
	_ =	strace s9  }
0x27: {  	s1 =	sld [smem:$0x3FA5]  }
0x28: {  	s2 =	sld [smem:$0x3FA6]  }
0x29: {  	s4 =	sld [smem:$0x3FA8]  }
0x2a: {  	p0 =	seq.s32 s5, $0x0;
	s5 =	sld [smem:$0x3FA9]  }
0x2b: {  	s6 =	sld [smem:$0x3FAA]  }
0x2c: {  	s7 =	sld [smem:$0x3FAB]  }
0x2d: {  	s3 =	simm.s32 $0x108;
	s8 =	sld [smem:$0x3FAC]  }
0x2e: {  	s3 =	simm.s32 @!p0 $0x1082;
	s9 =	sld [smem:$0x3FAD]  }
0x2f: {  	lr =	sadd.s32 s0, s3;
	s0 =	sld [smem:$0x3FA4]  }
0x30: {  	s3 =	sld [smem:$0x3FA7]  }
0x31: {  	[smem:$0x3FB0] =	sst s10  }
0x32: {  	s10 =	sld [smem:$0x3FAE];
	_ =	sdelay $0x3  }
0x33: {  	p0 =	seq.s32 s10, $0x1;
	s10 =	sld [smem:$0x3FB0];
	_ =	sdelay $0x3  }
0x34: {  	[smem:$0x3FB0] =	sst s10  }
0x35: {  	s10 =	sld [smem:$0x3FAF];
	_ =	sdelay $0x3  }
0x36: {  	p1 =	seq.s32 s10, $0x1;
	s10 =	sld [smem:$0x3FB0];
	_ =	sdelay $0x3  }
0x37: {  	[smem:$0x3FB0] =	sst s10  }
0x38: {  	s10 =	sld [smem:$0x3FB1]  }
0x39: {  	_ = 	snop;
	(pc) =	sbr.ind lr, $3  }
0x3a: {  	_ = 	snop  }
0x3b: {  	_ = 	snop  }
0x3c: {  	p2 =	seq.s32 s10, $0x1;
	s10 =	sld [smem:$0x3FB0]  }
0x3d: {  	_ =	shalt  }
0x3e: {  	_ =	shalt  }
0x3f: {  	_ =	shalt  }
0x40: {  	_ =	shalt  }
0x41: {  	_ =	shalt  }
0x42: {  	_ =	shalt  }
0x43: {  	_ =	shalt  }
0x44: {  	_ =	shalt  }
0x45: {  	_ =	shalt  }
0x46: {  	_ =	shalt  }
0x47: {  	_ =	shalt  }
0x48: {  	_ =	shalt  }
0x49: {  	_ =	shalt  }
0x4a: {  	_ =	shalt  }
0x4b: {  	_ =	shalt  }
0x4c: {  	_ =	shalt  }
0x4d: {  	_ =	shalt  }
0x4e: {  	_ =	shalt  }
0x4f: {  	_ =	shalt  }
0x50: {  	_ =	shalt  }
0x51: {  	_ =	shalt  }
0x52: {  	_ =	shalt  }
0x53: {  	_ =	shalt  }
0x54: {  	_ =	shalt  }
0x55: {  	_ =	shalt  }
0x56: {  	_ =	shalt  }
0x57: {  	_ =	shalt  }
0x58: {  	_ =	shalt  }
0x59: {  	_ =	shalt  }
0x5a: {  	_ =	shalt  }
0x5b: {  	_ =	shalt  }
0x5c: {  	_ =	shalt  }
0x5d: {  	_ =	shalt  }
0x5e: {  	_ =	shalt  }
0x5f: {  	_ =	shalt  }
0x60: {  	_ =	shalt  }
0x61: {  	_ =	shalt  }
0x62: {  	_ =	shalt  }
0x63: {  	_ =	shalt  }
0x64: {  	_ =	shalt  }
0x65: {  	_ =	shalt  }
0x66: {  	_ =	shalt  }
0x67: {  	_ =	shalt  }
0x68: {  	_ =	shalt  }
0x69: {  	_ =	shalt  }
0x6a: {  	_ =	shalt  }
0x6b: {  	_ =	shalt  }
0x6c: {  	_ =	shalt  }
0x6d: {  	_ =	shalt  }
0x6e: {  	_ =	shalt  }
0x6f: {  	_ =	shalt  }
0x70: {  	_ =	shalt  }
0x71: {  	_ =	shalt  }
0x72: {  	_ =	shalt  }
0x73: {  	_ =	shalt  }
0x74: {  	_ =	shalt  }
0x75: {  	_ =	shalt  }
0x76: {  	_ =	shalt  }
0x77: {  	_ =	shalt  }
0x78: {  	_ =	shalt  }
0x79: {  	_ =	shalt  }
0x7a: {  	_ =	shalt  }
0x7b: {  	_ =	shalt  }
0x7c: {  	_ =	shalt  }
0x7d: {  	_ =	shalt  }
0x7e: {  	_ =	shalt  }
0x7f: {  	_ =	shalt  }
0x80: {  	_ =	shalt  }
0x81: {  	_ =	shalt  }
0x82: {  	_ =	shalt  }
0x83: {  	_ =	shalt  }
0x84: {  	_ =	shalt  }
0x85: {  	_ =	shalt  }
0x86: {  	_ =	shalt  }
0x87: {  	_ =	shalt  }
.Lfunc_end0:
.L_simem_size_0:
called_computation_lowered:
.L_overlay_start_0:
0x88: {  	s2 =	sld [smem:$0x3FD9]  }
0x89: {  	s3 =	sld [smem:$0x3FFE];
	_ =	sdelay $0x1  }
0x8a: {  	s1 =	srdreg.scid  }
0x8b: {  	s0 =	sand.u32 $0x1, s1  }
0x8c: {  	s17 =	sshll.u32 s0, $0xA;
	s2 =	sadd.s32 s3, s2  }
0x8d: {  	s2 =	sadd.s32 s2, s17  }
0x8e: {  	[smem:$0x3FBC] =	sst s2  }
0x8f: {  	_ = 	snop  }
0x90: {  	s2 =	sld [smem:$0x3FD0];
	(tm) =	ssettm $0x1  }
0x91: {  	s18 =	sld [smem:$0x3FFB];
	_ =	sdelay $0x3  }
0x92: {  	_ =	strace s18  }
0x93: {  	s3 =	sld [smem:$0x3FFC];
	_ =	sdelay $0x3  }
0x94: {  	_ =	strace s3  }
0x95: {  	s3 =	sld [smem:$0x3FFD];
	_ =	sdelay $0x3  }
0x96: {  	_ =	strace s3  }
0x97: {  	_ =	strace $0x8FFFFFFF  }
0x98: {  	s19 =	sld [smem:$0x3FDB];
	_ =	sdelay $0x1  }
0x99: {  	s4 =	simm.s32 $_scs_section_size  }
0x9a: {  	s5 =	simm.s32 $_size__tile_overlayer_lowered;
	s6 =	simm.s32 $_tile_overlayer_lowered  }
0x9b: {  	s22 =	simm.s32 $0x1BFF;
	s21 =	sshll.u32 s6, $0x1;
	s3 =	sadd.s32 s4, s19  }
0x9c: {  	s7 =	simm.s32 $0x0;
	s20 =	sshll.u32 s5, $0x1;
	s5 =	sadd.s32 s21, s3  }
0x9d: {  	[timem:s7], [sflag:s22] =	dma.local [hbm:s5], s20  }
0x9e: {  	_ =	swait.ge [sflag:s22], s20  }
0x9f: {  	s4 =	ssub.s32 $0x0, s20;
	[sflag:s22] =	ssyncset.done $0x0  }
0xa0: {  	[sflag:s22] =	ssyncadd.s32 s4;
	_ =	sdelay $0x1  }
0xa1: {  	s23 =	simm.s32 $0x1B8B  }
0xa2: {  	_ =	swait.ge [sflag:s23], $0x1  }
0xa3: {  	[sflag:s23] =	ssyncset.done $0x0  }
0xa4: {  	s25 =	simm.s32 $0x1B8E;
	s24 =	sld [smem:$0x3FFE];
	[sflag:s23] =	ssyncadd.s32 $0xFFFFFFFF  }
0xa5: {  	s26 =	simm.s32 $execute0_lowered;
	[smem:$0x3FD2] =	sst s25  }
0xa6: {  	s5 =	sshll.u32 s26, $0x1;
	_ =	strace $0x80000046;
	[dreg:$0x1] =	wrdreg $0xFFFFFFFF  }
0xa7: {  	s28 =	simm.s32 $_size_execute0_lowered;
	s3 =	sadd.s32 s3, s5;
	[dreg:$0x0] =	wrdreg $0x0  }
0xa8: {  	s5 =	sshll.u32 s28, $0x1;
	[dreg:$0x2] =	wrdreg s3  }
0xa9: {  	[dreg:$0x3] =	wrdreg s5  }
0xaa: {  	[dreg:$0x4] =	wrdreg $0xC0  }
0xab: {  	_ =	task [dreg:s7], $0x5FFFF  }
0xac: {  	[dreg:$0x1] =	wrdreg $0xFFFFFFFF  }
0xad: {  	[dreg:$0x0] =	wrdreg $0x60  }
0xae: {  	[dreg:$0x2] =	wrdreg s24  }
0xaf: {  	[dreg:$0x3] =	wrdreg s2  }
0xb0: {  	[dreg:$0x4] =	wrdreg $0xC1800  }
0xb1: {  	[dreg:$0x5] =	wrdreg $0x9  }
0xb2: {  	_ =	task.clear_ibuf [dreg:s7], $0x6FFFF;
	_ =	strace $0x90000046  }
0xb3: {  	s29 =	simm.s32 $0x9;
	_ =	strace $0x80000048  }
0xb4: {  	_ =	swait.ge [sflag:s29], $0x1  }
0xb5: {  	[sflag:s29] =	ssyncadd.s32 $0xFFFFFFFF  }
0xb6: {  	_ =	strace $0x90000048  }
0xb7: {  	_ =	sfence  }
0xb8: {  	s30 =	sld [smem:$0x0];
	_ =	sdelay $0x2  }
0xb9: {  	s31 =	sshll.u32 s1, $0xD;
	s1 =	sshrl.u32 s1, $0x2  }
0xba: {  	s3 =	sand.u32 $0x4000, s31;
	s1 =	sadd.s32 s1, s30  }
0xbb: {  	s0 =	sor.u32 s3, s0;
	s1 =	sshll.u32 s1, $0x11  }
0xbc: {  	s0 =	sor.u32 s1, s0  }
0xbd: {  	s0 =	sadd.s32 $0x8F2B, s0  }
0xbe: {  	[sflag:s0] =	ssyncadd.remote.s32 $0x1  }
0xbf: {  	_ =	sfence.sel $0xFFFF  }
0xc0: {  	[dreg:$0x0] =	wrdreg $0xFFFFFFFF;
	(pc) =	sbr.abs _section_cstart, $3  }
0xc1: {  	[dreg:$0x1] =	wrdreg $0xFFFFFFFF  }
0xc2: {  	_ =	task.clear_ibuf [dreg:s7], $0x2FFFF;
	_ =	strace $0x9FFFFFFF  }
0xc3: {  	(tm) =	ssettm $0x7FFFFFFF  }
tec
execute0_lowered:
.L_overlay_start_1:
0x0: {  	(tag) =	ssettag $0x1  }
0x1: {  	s0 =	rddreg [dreg:$0x0]  }
0x2: {  	s2 =	rddreg [dreg:$0x2];
	s4 =	simm.s32 $0x0;
	s1 =	srdreg.scid  }
0x3: {  	s16 =	stileid.u32;
	s11 =	simm.s32 $0x4F;
	s28 =	simm.s32 $0x1  }
0x4: {  	s29 =	simm.s32 $0x2;
	s30 =	simm.s32 $0x0;
	[smem:$0x7FF] =	sst s4  }
0x5: {  	s5 =	sadd.s32 $0x16400, s0;
	s1 =	sand.u32 $0x1, s1;
	s3 =	smul.u32 $0x4E000, s16  }
0x6: {  	s6 =	sadd.s32 $0xC600, s0;
	s14 =	smul.u32 $0x13800, s16;
	s7 =	sadd.s32 $0x2800, s0  }
0x7: {  	v0 =	vimm.s32 $0x76543210;
	s0 =	sadd.s32 $0x3D600, s0;
	p0 =	slt.u32 s16, $0x2;
	s16 =	sshll.u32 s16, $0x8  }
0x8: {  	v1 =	vimm.s32 $0xFEDCBA98;
	_ =	strace $0x80000047;
	s8 =	ssub.s32 $0x2, s1;
	s19 =	smul.u32 $0x138800, s1  }
0x9: {  	v2 =	vimm.s32 $0x3210FEDC;
	v3 =	vimm.s32 $0xBA987654;
	s11 =	simm.s32 @!p0 $0x4E;
	s1 =	sshll.u32 s1, $0x7;
	s9 =	sshrl.u32 s8, $0x1  }
0xa: {  	v4 =	vimm.s32 $0x10FEDCBA;
	v5 =	vimm.s32 $0x98765432;
	s3 =	sshrl.u32 s3, $0x2;
	s15 =	sadd.s32 $0x4000, s14;
	s24 =	sadd.s32 $0x8000, s14  }
0xb: {  	v6 =	vimm.s32 $0xFEDCBA9;
	v7 =	vimm.s32 $0x87654321;
	s17 =	sadd.s32 $0xC000, s14;
	s18 =	sadd.s32 $0x10000, s14;
	s20 =	ssub.s32 s8, s9  }
0xc: {  	v0 =	vunpack.c.l.s4.s8 v0;
	v1 =	vunpack.c.l.s4.s8 v1;
	v2 =	vunpack.c.l.s4.s8 v2;
	s8 =	sadd.s32 s3, s2;
	s9 =	sadd.s32 s15, s2;
	s10 =	sadd.s32 s24, s2  }
0xd: {  	v3 =	vunpack.c.l.s4.s8 v3;
	v4 =	vunpack.c.l.s4.s8 v4;
	v5 =	vunpack.c.l.s4.s8 v5;
	s12 =	sadd.s32 s17, s2;
	s13 =	sadd.s32 s18, s2;
	s14 =	sadd.s32 s14, s19  }
0xe: {  	v6 =	vunpack.c.l.s4.s8 v6;
	v7 =	vunpack.c.l.s4.s8 v7;
	v2 =	vunpack.c.0.s8.s32 v2;
	s15 =	sadd.s32 s19, s15;
	s25 =	sadd.s32 s19, s24;
	s26 =	sadd.s32 s19, s17  }
0xf: {  	v3 =	vunpack.c.0.s8.s32 v3;
	v4 =	vunpack.c.0.s8.s32 v4;
	v5 =	vunpack.c.0.s8.s32 v5;
	s31 =	sadd.s32 s19, s18;
	s24 =	simm.s32 $0x80;
	s21 =	sshrl.u32 s14, $0x3  }
0x10: {  	v1 =	vunpack.c.0.s8.s32 v1;
	v6 =	vunpack.c.0.s8.s32 v6;
	v7 =	vunpack.c.0.s8.s32 v7;
	s22 =	sshrl.u32 s15, $0x3;
	s14 =	sor.u32 s1, s16;
	s1 =	sshrl.u32 s25, $0x3  }
0x11: {  	s3 =	sshrl.u32 s26, $0x3;
	s19 =	sshrl.u32 s31, $0x3;
	v2 =	vcombine.low v3, v2;
	v3 =	vcombine.low v5, v4;
	v4 =	vunpack.c.0.s8.s32 v0;
	s20 =	smax.u32 s20, $0x1  }
0x12: {  	vm0 =	vcmask $0x3F08;
	v5 =	vcombine.low v7, v6;
	v1 =	vand.u32 $0xF, v1;
	s25 =	simm.s32 $0x100;
	s26 =	simm.s32 $0x4100;
	s15 =	sadd.s32 s0, s21  }
0x13: {  	vm1 =	vmmov $0x1;
	v0 =	vimm.f32 $0.0e+00;
	s16 =	sadd.s32 s0, s22;
	s17 =	sadd.s32 s0, s1;
	s18 =	sadd.s32 s0, s3;
	v1 =	vcombine.low v1, v4  }
0x14: {  	s19 =	sadd.s32 s0, s19;
	s21 =	simm.s32 $0x8100;
	s22 =	simm.s32 $0x3;
	v2 =	vand.u32 $0xF, v2;
	v3 =	vand.u32 $0xF, v3;
	v4 =	vand.u32 $0xF, v5  }
.LBB2_1:
0x15: {  	s0 =	simm.s32 $0x0;
	s1 =	simm.s32 $0x200  }
.LBB2_2:
0x16: {  	p0 =	sne.s32 s1, $0xFE00;
	[tilespmem:s0+$0x8170] =	vst v0  }
0x17: {  	[tilespmem:s0+$0x8100] =	vst v0  }
0x18: {  	[tilespmem:s0+$0x8110] =	vst v0  }
.Ltmp0:
0x19: {  	[tilespmem:s0+$0x8120] =	vst v0;
	(pc) =	sbr.rel @p0 .LBB2_2-.Ltmp0, $4  }
0x1a: {  	[tilespmem:s0+$0x8130] =	vst v0  }
0x1b: {  	[tilespmem:s0+$0x8140] =	vst v0  }
0x1c: {  	[tilespmem:s0+$0x8150] =	vst v0  }
0x1d: {  	[tilespmem:s0+$0x8160] =	vst v0;
	s0 =	sshra.s32 s1, $0x2;
	s1 =	sadd.s32 $0x200, s1  }
0x1e: {  	[tilespmem:s0+$0x8170] =	vst v0  }
0x1f: {  	[tilespmem:s0+$0x8100] =	vst v0  }
0x20: {  	[tilespmem:s0+$0x8110] =	vst v0  }
0x21: {  	[tilespmem:s0+$0x8120] =	vst v0  }
0x22: {  	[tilespmem:s0+$0x8130] =	vst v0  }
0x23: {  	[tilespmem:s0+$0x8140] =	vst v0  }
0x24: {  	[tilespmem:s0+$0x8150] =	vst v0  }
0x25: {  	[tilespmem:s0+$0x8160] =	vst v0  }
0x26: {  	[spmem:s8] =	stream.linear.scatter [tilespmem:s21], [sflag:$0x3], $0x4000, $0x38;
	[tilespmem:$0x1FA00] =	vst v63  }
0x27: {  	_ =	swait.ge [sflag:s22], $0x4000  }
0x28: {  	[sflag:s22] =	ssyncset.done $0x0  }
0x29: {  	[sflag:s22] =	ssyncadd.s32 $0xFFFFC000  }
0x2a: {  	[spmem:s9] =	stream.linear.scatter [tilespmem:s21], [sflag:$0x3], $0x4000, $0x38;
	[tilespmem:$0x1FA00] =	vst v63  }
0x2b: {  	_ =	swait.ge [sflag:s22], $0x4000  }
0x2c: {  	[sflag:s22] =	ssyncset.done $0x0  }
0x2d: {  	[sflag:s22] =	ssyncadd.s32 $0xFFFFC000  }
0x2e: {  	[spmem:s10] =	stream.linear.scatter [tilespmem:s21], [sflag:$0x3], $0x4000, $0x38;
	[tilespmem:$0x1FA00] =	vst v63  }
0x2f: {  	_ =	swait.ge [sflag:s22], $0x4000  }
0x30: {  	[sflag:s22] =	ssyncset.done $0x0  }
0x31: {  	[sflag:s22] =	ssyncadd.s32 $0xFFFFC000  }
0x32: {  	[spmem:s12] =	stream.linear.scatter [tilespmem:s21], [sflag:$0x3], $0x4000, $0x38;
	[tilespmem:$0x1FA00] =	vst v63  }
0x33: {  	_ =	swait.ge [sflag:s22], $0x4000  }
0x34: {  	[sflag:s22] =	ssyncset.done $0x0  }
0x35: {  	[sflag:s22] =	ssyncadd.s32 $0xFFFFC000  }
0x36: {  	[spmem:s13] =	stream.linear.scatter [tilespmem:s21], [sflag:$0x3], $0x4000, $0x38;
	[tilespmem:$0x1FA00] =	vst v63  }
0x37: {  	_ =	swait.ge [sflag:s22], $0x4000  }
0x38: {  	[sflag:s22] =	ssyncset.done $0x0  }
0x39: {  	[sflag:s22] =	ssyncadd.s32 $0xFFFFC000  }
0x3a: {  	s1 =	simm.s32 $0xC100;
	s23 =	rddreg [dreg:$0x1]  }
0x3b: {  	[tilespmem:s1], [sflag:$0x3] =	stream.linear.gather [hbm4b:s23+s30], $0x80, $0x38;
	[tilespmem:$0x1FA00] =	vst v63  }
0x3c: {  	_ =	swait.ge [sflag:s22], $0x80  }
0x3d: {  	[sflag:s22] =	ssyncset.done $0x0  }
0x3e: {  	[sflag:s22] =	ssyncadd.s32 $0xFFFFFF80  }
0x3f: {  	s31 =	simm.s32 $0x0;
	[bflag:$0x0] =	sbarrier.arrive $0xFFFF  }
.LBB2_4:
0x40: {  	s0 =	sshll.u32 s31, $0xC  }
0x41: {  	s0 =	sor.u32 s14, s0  }
0x42: {  	s0 =	sshrl.u32 s0, $0x3  }
0x43: {  	s1 =	sadd.s32 s6, s0  }
0x44: {  	[tilespmem:s30], [sflag:$0x3] =	stream.linear.gather [hbm4b:s1+s30], $0x80, $0x38;
	[tilespmem:$0x1FA00] =	vst v63  }
0x45: {  	_ =	swait.ge [sflag:s22], $0x80  }
0x46: {  	[sflag:s22] =	ssyncset.done $0x0  }
0x47: {  	s0 =	sadd.s32 s7, s0;
	[sflag:s22] =	ssyncadd.s32 $0xFFFFFF80  }
0x48: {  	[tilespmem:s24], [sflag:$0x3] =	stream.linear.gather [hbm4b:s0+s30], $0x80, $0x38;
	[tilespmem:$0x1FA00] =	vst v63  }
0x49: {  	_ =	swait.ge [sflag:s22], $0x80  }
0x4a: {  	[sflag:s22] =	ssyncset.done $0x0  }
0x4b: {  	[sflag:s22] =	ssyncadd.s32 $0xFFFFFF80  }
0x4c: {  	[tilespmem:s25], [sflag:$0x1] =	stream.indirect.gather [hbm4b:s5+s24], $0x80, s30, s24, $0xb8;
	[tilespmem:$0x1FA00] =	vst v63  }
0x4d: {  	_ = 	snop  }
0x4e: {  	[tilespmem:s26], [sflag:$0x2] =	stream.indirect.gather [hbm4b:s5+s24], $0x80, s24, s24, $0xb8;
	[tilespmem:$0x1FA00] =	vst v63  }
0x4f: {  	_ =	swait.ge [sflag:s28], $0x4000  }
0x50: {  	[sflag:s28] =	ssyncset.done $0x0  }
0x51: {  	[sflag:s28] =	ssyncadd.s32 $0xFFFFC000  }
0x52: {  	_ =	swait.ge [sflag:s29], $0x4000  }
0x53: {  	[sflag:s29] =	ssyncset.done $0x0  }
0x54: {  	s0 =	simm.s32 $0x0;
	[sflag:s29] =	ssyncadd.s32 $0xFFFFC000  }
0x55: {  	v9 =	vld [tilespmem:s0+$0x4140]  }
0x56: {  	v8 =	vld [tilespmem:s0+$0x4150]  }
0x57: {  	v10 =	vld [tilespmem:s0+$0x4160]  }
0x58: {  	v6 =	vld [tilespmem:s0+$0x110]  }
0x59: {  	v7 =	vld [tilespmem:s0+$0x100]  }
0x5a: {  	v5 =	vld [tilespmem:s0+$0x120];
	_ =	sdelay $0x2  }
0x5b: {  	v14 =	vld [tilespmem:s0+$0x4170]  }
0x5c: {  	v11 =	vadd.f32 v8, v6;
	v8 =	vld [tilespmem:s0+$0x130]  }
0x5d: {  	v15 =	vadd.f32 v9, v7;
	v16 =	vadd.f32 v10, v5  }
0x5e: {  	v9 =	vmul.f32 $2.000000030e-01, v11  }
0x5f: {  	v12 =	vld [tilespmem:$0xC120];
	v10 =	vmul.f32 $2.000000030e-01, v15;
	v17 =	vmul.f32 $2.000000030e-01, v16  }
0x60: {  	v13 =	vld [tilespmem:$0xC130];
	v9 =	vmax.f32 v11, v9  }
0x61: {  	s3 =	simm.s32 $0x400;
	s1 =	simm.s32 $0x200;
	v10 =	vmax.f32 v15, v10;
	v11 =	vmax.f32 v16, v17;
	v15 =	vadd.f32 v14, v8;
	v14 =	vld [tilespmem:$0xC100]  }
.LBB2_5:
0x62: {  	p0 =	sne.s32 s3, $0xFE00  }
0x63: {  	s23 =	sshra.s32 s1, $0x2;
	v16 =	vld [tilespmem:$0xC110];
	v17 =	vmul.f32 $2.000000030e-01, v15;
	s1 =	smov.u32 s3;
	s3 =	sadd.s32 $0x200, s3  }
0x64: {  	v18 =	vld [tilespmem:s23+$0x4170]  }
0x65: {  	v19 =	vld [tilespmem:s23+$0x4140];
	v15 =	vmax.f32 v15, v17;
	v11 =	vmul.f32 v11, v12  }
0x66: {  	v12 =	vld [tilespmem:s23+$0x4150];
	v13 =	vmul.f32 v15, v13  }
0x67: {  	v15 =	vld [tilespmem:s23+$0x4160];
	v10 =	vmul.f32 v10, v14  }
0x68: {  	v14 =	vld [tilespmem:s23+$0x110];
	v9 =	vmul.f32 v9, v16;
	v11 =	vadd.f32 v13, v11  }
0x69: {  	v13 =	vld [tilespmem:s23+$0x100]  }
0x6a: {  	v16 =	vld [tilespmem:s23+$0x120];
	v9 =	vadd.f32 v9, v10;
	v10 =	vperm.xlane v11, v1;
	_ =	sdelay $0x1  }
0x6b: {  	v17 =	vperm.xlane v9, v1;
	v10 =	vadd.f32 v10, v11  }
0x6c: {  	v11 =	vadd.f32 v12, v14  }
0x6d: {  	v12 =	vadd.f32 v19, v13;
	v17 =	vadd.f32 v9, v17;
	v9 =	vperm.xlane v10, v2  }
0x6e: {  	v15 =	vadd.f32 v15, v16;
	v19 =	vmul.f32 $2.000000030e-01, v11  }
0x6f: {  	v20 =	vmul.f32 $2.000000030e-01, v12;
	v21 =	vperm.xlane v17, v2;
	v22 =	vadd.f32 v9, v10  }
0x70: {  	v9 =	vmax.f32 v11, v19;
	v11 =	vmul.f32 $2.000000030e-01, v15  }
0x71: {  	v10 =	vmax.f32 v12, v20;
	v12 =	vadd.f32 v17, v21;
	v17 =	vperm.xlane v22, v3  }
0x72: {  	v11 =	vmax.f32 v15, v11  }
0x73: {  	v15 =	vperm.xlane v12, v3;
	v17 =	vadd.f32 v17, v22;
	_ =	sdelay $0x1  }
0x74: {  	v12 =	vadd.f32 v12, v15;
	v15 =	vperm.xlane v17, v4;
	_ =	sdelay $0x1  }
0x75: {  	v19 =	vperm.xlane v12, v4;
	v15 =	vadd.f32 v15, v17;
	_ =	sdelay $0x1  }
0x76: {  	v12 =	vadd.f32 v12, v19;
	v15 =	vmul.f32 $1.442695020e+00, v15;
	_ =	sdelay $0x1  }
0x77: {  	v12 =	vmul.f32 $1.442695020e+00, v12;
	(erf) = vpow2.f32 v15;
	_ =	sdelay $0x1  }
0x78: {  	(erf) = vpow2.f32 v12;
	_ =	sdelay $0x6  }
0x79: {  	v12 =	vpop (erf)  }
0x7a: {  	v15 =	vmul.f32 v12, v5;
	v8 =	vmul.f32 v12, v8;
	v5 =	vmov v16  }
0x7b: {  	v12 =	vsel vm0, $0x0, v12;
	v16 =	vpop (erf)  }
0x7c: {  	v17 =	vmul.f32 v16, v7;
	v19 =	vmul.f32 v16, v6;
	[tilespmem:s0+$0x8130] =	vst v8;
	v12 =	vsel vm1, v16, v12  }
0x7d: {  	v6 =	vmov v14;
	v7 =	vmov v13;
	v8 =	vld [tilespmem:s23+$0x130];
	[tilespmem:s0+$0x8140] =	vst v12  }
0x7e: {  	[tilespmem:s0+$0x8100] =	vst v17  }
.Ltmp1:
0x7f: {  	[tilespmem:s0+$0x8110] =	vst v19;
	(pc) =	sbr.rel @p0 .LBB2_5-.Ltmp1, $4  }
0x80: {  	[tilespmem:s0+$0x8120] =	vst v15;
	s0 =	smov.u32 s23  }
0x81: {  	v12 =	vld [tilespmem:$0xC120]  }
0x82: {  	v13 =	vld [tilespmem:$0xC130];
	v15 =	vadd.f32 v18, v8  }
0x83: {  	v14 =	vld [tilespmem:$0xC100]  }
0x84: {  	v16 =	vmul.f32 $2.000000030e-01, v15;
	v17 =	vld [tilespmem:$0xC110];
	_ =	sdelay $0x1  }
0x85: {  	v15 =	vmax.f32 v15, v16  }
0x86: {  	v11 =	vmul.f32 v11, v12;
	v42 =	vmul.f32 v15, v13;
	_ =	sdelay $0x1  }
0x87: {  	v10 =	vmul.f32 v10, v14;
	v11 =	vadd.f32 v42, v11;
	v9 =	vmul.f32 v9, v17;
	_ =	sdelay $0x1  }
0x88: {  	v12 =	vperm.xlane v11, v1;
	v9 =	vadd.f32 v9, v10;
	_ =	sdelay $0x1  }
0x89: {  	v43 =	vadd.f32 v12, v11;
	v44 =	vperm.xlane v9, v1;
	_ =	sdelay $0x1  }
0x8a: {  	v12 =	vperm.xlane v43, v2;
	v9 =	vadd.f32 v9, v44;
	_ =	sdelay $0x1  }
0x8b: {  	v10 =	vadd.f32 v12, v43;
	v11 =	vperm.xlane v9, v2;
	_ =	sdelay $0x1  }
0x8c: {  	v12 =	vperm.xlane v10, v3;
	v9 =	vadd.f32 v9, v11;
	_ =	sdelay $0x1  }
0x8d: {  	v10 =	vadd.f32 v12, v10;
	v11 =	vperm.xlane v9, v3;
	_ =	sdelay $0x1  }
0x8e: {  	v12 =	vperm.xlane v10, v4;
	v9 =	vadd.f32 v9, v11;
	_ =	sdelay $0x1  }
0x8f: {  	v10 =	vadd.f32 v12, v10;
	v11 =	vperm.xlane v9, v4;
	_ =	sdelay $0x1  }
0x90: {  	v10 =	vmul.f32 $1.442695020e+00, v10;
	v9 =	vadd.f32 v9, v11;
	_ =	sdelay $0x1  }
0x91: {  	(erf) = vpow2.f32 v10;
	v9 =	vmul.f32 $1.442695020e+00, v9;
	_ =	sdelay $0x1  }
0x92: {  	(erf) = vpow2.f32 v9;
	_ =	sdelay $0x2  }
0x93: {  	s1 =	sshra.s32 s1, $0x2  }
0x94: {  	v45 =	vld [tilespmem:s1+$0x4170]  }
0x95: {  	v46 =	vld [tilespmem:s1+$0x4140]  }
0x96: {  	v47 =	vld [tilespmem:s1+$0x4150]  }
0x97: {  	v48 =	vld [tilespmem:s1+$0x4160];
	v50 =	vpop (erf)  }
0x98: {  	v49 =	vld [tilespmem:s1+$0x110];
	v8 =	vmul.f32 v50, v8  }
0x99: {  	v51 =	vld [tilespmem:s1+$0x100];
	v53 =	vsel vm0, $0x0, v50;
	v18 =	vpop (erf)  }
0x9a: {  	v52 =	vld [tilespmem:s1+$0x120];
	v5 =	vmul.f32 v50, v5;
	[tilespmem:s0+$0x8130] =	vst v8;
	v54 =	vsel vm1, v18, v53  }
0x9b: {  	v7 =	vmul.f32 v18, v7;
	v55 =	vld [tilespmem:s1+$0x130];
	[tilespmem:s0+$0x8140] =	vst v54  }
0x9c: {  	v6 =	vmul.f32 v18, v6;
	[tilespmem:s0+$0x8120] =	vst v5  }
0x9d: {  	[tilespmem:s0+$0x8100] =	vst v7  }
0x9e: {  	[tilespmem:s0+$0x8110] =	vst v6  }
0x9f: {  	v5 =	vld [tilespmem:$0xC120]  }
0xa0: {  	v6 =	vadd.f32 v48, v52;
	v7 =	vld [tilespmem:$0xC130];
	v56 =	vadd.f32 v45, v55  }
0xa1: {  	v57 =	vadd.f32 v47, v49;
	v58 =	vld [tilespmem:$0xC100]  }
0xa2: {  	v10 =	vadd.f32 v46, v51;
	v59 =	vld [tilespmem:$0xC110];
	v12 =	vmul.f32 $2.000000030e-01, v6;
	v60 =	vmul.f32 $2.000000030e-01, v56  }
0xa3: {  	v19 =	vmul.f32 $2.000000030e-01, v57  }
0xa4: {  	v20 =	vmul.f32 $2.000000030e-01, v10;
	v6 =	vmax.f32 v6, v12;
	v8 =	vmax.f32 v56, v60  }
0xa5: {  	v5 =	vmul.f32 v6, v5;
	v6 =	vmul.f32 v8, v7  }
0xa6: {  	v61 =	vmax.f32 v10, v20;
	v7 =	vmax.f32 v57, v19  }
0xa7: {  	v8 =	vmul.f32 v61, v58;
	v7 =	vmul.f32 v7, v59;
	v5 =	vadd.f32 v6, v5;
	_ =	sdelay $0x1  }
0xa8: {  	v6 =	vadd.f32 v7, v8;
	v7 =	vperm.xlane v5, v1;
	_ =	sdelay $0x1  }
0xa9: {  	v5 =	vadd.f32 v7, v5  }
0xaa: {  	v8 =	vperm.xlane v6, v1  }
0xab: {  	v7 =	vperm.xlane v5, v2  }
0xac: {  	v6 =	vadd.f32 v6, v8  }
0xad: {  	v5 =	vadd.f32 v7, v5  }
0xae: {  	v8 =	vperm.xlane v6, v2  }
0xaf: {  	v7 =	vperm.xlane v5, v3  }
0xb0: {  	v6 =	vadd.f32 v6, v8  }
0xb1: {  	v5 =	vadd.f32 v7, v5  }
0xb2: {  	v8 =	vperm.xlane v6, v3  }
0xb3: {  	v7 =	vperm.xlane v5, v4  }
0xb4: {  	v6 =	vadd.f32 v6, v8  }
0xb5: {  	v5 =	vadd.f32 v7, v5  }
0xb6: {  	v8 =	vperm.xlane v6, v4  }
0xb7: {  	v5 =	vmul.f32 $1.442695020e+00, v5  }
0xb8: {  	v6 =	vadd.f32 v6, v8  }
0xb9: {  	(erf) = vpow2.f32 v5  }
0xba: {  	v6 =	vmul.f32 $1.442695020e+00, v6;
	_ =	sdelay $0x1  }
0xbb: {  	(erf) = vpow2.f32 v6;
	_ =	sdelay $0x5  }
0xbc: {  	v5 =	vpop (erf)  }
0xbd: {  	v6 =	vmul.f32 v5, v55  }
0xbe: {  	v7 =	vsel vm0, $0x0, v5;
	v5 =	vmul.f32 v5, v52  }
0xbf: {  	v62 =	vpop (erf);
	[tilespmem:s1+$0x8130] =	vst v6  }
0xc0: {  	v63 =	vmul.f32 v62, v51;
	v6 =	vsel vm1, v62, v7;
	[tilespmem:s1+$0x8120] =	vst v5  }
0xc1: {  	s31 =	sadd.s32 $0x1, s31;
	v7 =	vmul.f32 v62, v49;
	[tilespmem:s1+$0x8140] =	vst v6  }
0xc2: {  	p0 =	sne.s32 s31, s11;
	[tilespmem:s1+$0x8100] =	vst v63  }
.Ltmp2:
0xc3: {  	[tilespmem:s1+$0x8110] =	vst v7;
	(pc) =	sbr.rel @p0 .LBB2_4-.Ltmp2, $4  }
0xc4: {  	[spmem:s2] =	stream.indirect.scatter.add.f32 [tilespmem:s21], [sflag:$0x3], $0x80, s24, s24, $0xb8;
	[tilespmem:$0x1FA00] =	vst v63  }
0xc5: {  	_ =	swait.ge [sflag:s22], $0x4000  }
0xc6: {  	[sflag:s22] =	ssyncset.done $0x0  }
0xc7: {  	[sflag:s22] =	ssyncadd.s32 $0xFFFFC000  }
0xc8: {  	s0 =	stileid.u32  }
0xc9: {  	s0 =	sshll.u32 s0, $0x6  }
0xca: {  	[bflag:$0x0] =	sbarrier.arrive $0xFFFF;
	s1 =	sshrl.u32 s8, $0x3;
	s0 =	sor.u32 $0x1C03, s0  }
0xcb: {  	[hbm:s15], [sflag:s0] =	dma.local [spmem:s1], $0x800  }
0xcc: {  	_ =	swait.ge [sflag:s22], $0x800  }
0xcd: {  	[sflag:s22] =	ssyncset.done $0x0  }
0xce: {  	s31 =	sshrl.u32 s9, $0x3;
	[sflag:s22] =	ssyncadd.s32 $0xFFFFF800  }
0xcf: {  	[hbm:s16], [sflag:s0] =	dma.local [spmem:s31], $0x800  }
0xd0: {  	_ =	swait.ge [sflag:s22], $0x800  }
0xd1: {  	[sflag:s22] =	ssyncset.done $0x0  }
0xd2: {  	s3 =	sshrl.u32 s10, $0x3;
	[sflag:s22] =	ssyncadd.s32 $0xFFFFF800  }
0xd3: {  	[hbm:s17], [sflag:s0] =	dma.local [spmem:s3], $0x800  }
0xd4: {  	_ =	swait.ge [sflag:s22], $0x800  }
0xd5: {  	[sflag:s22] =	ssyncset.done $0x0  }
0xd6: {  	s23 =	sshrl.u32 s12, $0x3;
	[sflag:s22] =	ssyncadd.s32 $0xFFFFF800  }
0xd7: {  	[hbm:s18], [sflag:s0] =	dma.local [spmem:s23], $0x800  }
0xd8: {  	s4 =	sadd.s32 $0x1, s4;
	_ =	swait.ge [sflag:s22], $0x800  }
0xd9: {  	p0 =	sne.s32 s4, s20;
	[sflag:s22] =	ssyncset.done $0x0  }
.Ltmp3:
0xda: {  	s31 =	sshrl.u32 s13, $0x3;
	[sflag:s22] =	ssyncadd.s32 $0xFFFFF800;
	(pc) =	sbr.rel @p0 .LBB2_1-.Ltmp3, $4  }
0xdb: {  	[hbm:s19], [sflag:s0] =	dma.local [spmem:s31], $0x800  }
0xdc: {  	_ =	swait.ge [sflag:s22], $0x800  }
0xdd: {  	[sflag:s22] =	ssyncset.done $0x0  }
0xde: {  	[sflag:s22] =	ssyncadd.s32 $0xFFFFF800  }
0xdf: {  	_ =	sfence.sel $0x180000  }
0xe0: {  	[bflag:$0x0] =	sbarrier.arrive $0xFFFF  }
0xe1: {  	_ =	strace $0x90000047  }
0xe2: {  	s0 =	stileid.u32;
	[bflag:$0x2] =	sbarrier.arrive $0xFFFF  }
0xe3: {  	p0 =	sne.s32 s0, $0x0;
	s0 =	rddreg [dreg:$0x3]  }
0xe4: {  	s0 =	sadd.s32 @!p0 $0x100000, s0  }
0xe5: {  	[sflag:s0] =	ssyncadd.tile.s32 @!p0 $0x1;
	_ =	shalt  }
.Lfunc_end2:
_tile_overlayer_lowered:
.L_overlay_start_2:
0xe6: {  	(tag) =	ssettag $0x2  }
0xe7: {  	s0 =	rddreg [dreg:$0x0];
	s2 =	stileid.u32  }
0xe8: {  	s1 =	rddreg [dreg:$0x1];
	p0 =	sne.s32 s2, $0x0  }
0xe9: {  	s3 =	rddreg [dreg:$0x2];
	[bflag:$0x3] =	sbarrier.arrive $0xFFFF;
	s2 =	simm.s32 @!p0 $0x1C03  }
0xea: {  	[timem:s3], [sflag:s2] =	dma.local @!p0 [hbm:s0], s1  }
0xeb: {  	s0 =	simm.s32 @!p0 $0x3  }
0xec: {  	_ =	swait.ge @!p0 [sflag:s0], s1  }
0xed: {  	s1 =	ssub.s32 @!p0 $0x0, s1;
	[sflag:s0] =	ssyncset.done @!p0 $0x0  }
0xee: {  	[sflag:s0] =	ssyncadd.s32 @!p0 s1  }
0xef: {  	[bflag:$0x3] =	sbarrier.arrive $0xFFFF  }
0xf0: {  	_ =	shalt  }

</sc_bundles>
